<compile_context>
chip_gen: v7x
topology: tpu7x:2x2x1
jax: 0.10.2.dev20260603
libtpu: 0.0.44.dev20260713+nightly
codegen_flags: <defaults>
</compile_context>

<pallas_src>
import functools

import jax
import jax.numpy as jnp
from jax import lax
from jax.experimental import pallas as pl
from jax.experimental.pallas import tpu as pltpu
from jax.experimental.pallas import tpu_sc as plsc

LANES = 16
CHUNK = 128
IDX_PHASES = 2
N_SC = 2
N_TILES = 16
HALF = 128


def _fill_const_2d(ref, rows, cols, val):
    per_row = cols // LANES

    def body(k, _):
        r = k // per_row
        col0 = (k % per_row) * LANES
        ref[r, pl.ds(col0, LANES)] = jnp.full((LANES,), val, jnp.float32)
        return 0

    lax.fori_loop(0, rows * per_row, body, 0)


def _deg_body(n_nodes, n_pad, chunks_per_tile,
              dst_hbm, deg_out0, deg_out1, idx_v, ones_v, zeros_v, acc_sh, ssem):
    c = lax.axis_index("c")
    s = lax.axis_index("s")
    t = c * N_TILES + s
    pltpu.sync_copy(dst_hbm.at[pl.ds(t * chunks_per_tile, chunks_per_tile)], idx_v)
    _fill_const_2d(ones_v, chunks_per_tile, CHUNK, 1.0)
    for k in range(CHUNK // LANES):
        zeros_v[pl.ds(k * LANES, LANES)] = jnp.zeros((LANES,), jnp.float32)
    zrows = n_pad // N_TILES
    for z0 in range(0, zrows, CHUNK):
        zlen = min(CHUNK, zrows - z0)
        pltpu.sync_copy(zeros_v.at[pl.ds(0, zlen)],
                        acc_sh.at[pl.ds(s * zrows + z0, zlen)])
    plsc.subcore_barrier()

    wave = 10
    for w0 in range(0, chunks_per_tile, wave):
        wlen = min(wave, chunks_per_tile - w0)
        for j in range(w0, w0 + wlen):
            pltpu.async_copy(ones_v.at[j], acc_sh.at[idx_v.at[j]], ssem, add=True)
        for j in range(w0, w0 + wlen):
            pltpu.make_async_copy(ones_v.at[j], acc_sh.at[idx_v.at[j]], ssem).wait()
    plsc.subcore_barrier()

    @pl.when(c == 0)
    def _():
        pltpu.sync_copy(acc_sh.at[pl.ds(s * zrows, zrows)],
                        deg_out0.at[pl.ds(s * zrows, zrows)])

    @pl.when(c == 1)
    def _():
        pltpu.sync_copy(acc_sh.at[pl.ds(s * zrows, zrows)],
                        deg_out1.at[pl.ds(s * zrows, zrows)])


def _agg_body(n_nodes, n_pad, chunks_per_tile,
              srcs_hbm, dsts_hbm, y_hbm, agg_out,
              sidx_v, didx_v, buf0, buf1, acc_sh,
              sem0, sem1, ssem0, ssem1):
    c = lax.axis_index("c")
    s = lax.axis_index("s")
    _fill_const_2d(buf0, CHUNK, HALF, 0.0)
    zrows = n_pad // N_TILES
    for z0 in range(0, zrows, CHUNK):
        zlen = min(CHUNK, zrows - z0)
        pltpu.sync_copy(buf0.at[pl.ds(0, zlen)],
                        acc_sh.at[pl.ds(s * zrows + z0, zlen)])
    plsc.subcore_barrier()

    phase_chunks = chunks_per_tile // IDX_PHASES
    n_outer = phase_chunks // 2

    def gather(j, buf, sem):
        return pltpu.make_async_copy(y_hbm.at[sidx_v.at[j]], buf, sem)

    def scatter_start(j, buf, sem):
        pltpu.async_copy(buf, acc_sh.at[didx_v.at[j]], sem, add=True)

    def scatter_wait(j, buf, sem):
        pltpu.make_async_copy(buf, acc_sh.at[didx_v.at[j]], sem).wait()

    for phase in range(IDX_PHASES):
        base = s * chunks_per_tile + phase * phase_chunks
        pltpu.sync_copy(srcs_hbm.at[c, pl.ds(base, phase_chunks)], sidx_v)
        pltpu.sync_copy(dsts_hbm.at[pl.ds(base, phase_chunks)], didx_v)
        gather(0, buf0, sem0).start()
        gather(1, buf1, sem1).start()

        def outer(g, _):
            for bi, (buf, gsem, ssem) in enumerate(((buf0, sem0, ssem0),
                                                    (buf1, sem1, ssem1))):
                j = 2 * g + bi
                gather(j, buf, gsem).wait()
                scatter_start(j, buf, ssem)
                scatter_wait(j, buf, ssem)

                @pl.when(g < n_outer - 1)
                def _():
                    gather(j + 2, buf, gsem).start()
            return 0

        lax.fori_loop(0, n_outer, outer, 0)
    plsc.subcore_barrier()
    pltpu.sync_copy(acc_sh.at[pl.ds(s * zrows, zrows)],
                    agg_out.at[c, pl.ds(s * zrows, zrows)])


def _mm_body(x_ref, w_ref, d0_ref, d1_ref, y_ref):
    xw = jnp.dot(x_ref[...], w_ref[...], preferred_element_type=jnp.float32)
    dsum = d0_ref[...] + d1_ref[...] + 1.0
    dinv = lax.rsqrt(dsum)
    y = xw * dinv
    y_ref[0] = y[:, :HALF]
    y_ref[1] = y[:, HALF:]


def _out_body(agg_ref, y_ref, d0_ref, d1_ref, b_ref, o_ref):
    dsum = d0_ref[...] + d1_ref[...] + 1.0
    dinv = lax.rsqrt(dsum)
    lo = dinv * (agg_ref[0] + y_ref[0]) + b_ref[0, :HALF][None, :]
    hi = dinv * (agg_ref[1] + y_ref[1]) + b_ref[0, HALF:][None, :]
    o_ref[...] = jnp.concatenate([lo, hi], axis=1)


def kernel(x, edge_index, W, b):
    n, in_ch = x.shape
    out_ch = W.shape[1]
    e = edge_index.shape[1]

    pad_unit = N_TILES * 16
    n_pad = ((n + pad_unit - 1) // pad_unit) * pad_unit
    if n_pad == n:
        n_pad = n + pad_unit
    e_align = N_SC * N_TILES * CHUNK
    e_pad = ((e + e_align - 1) // e_align) * e_align
    if e_pad == e:
        e_pad = e + e_align
    n_fill = e_pad - e

    src = edge_index[0]
    dst = edge_index[1]
    fill = jnp.arange(n_fill, dtype=jnp.int32)
    src_p = jnp.concatenate([src, fill % n])
    dst_p = jnp.concatenate([dst, n + fill % (n_pad - n)])
    srcs2 = jnp.stack([src_p, src_p + n]).reshape(N_SC, e_pad // CHUNK, CHUNK)
    dsts = dst_p.reshape(e_pad // CHUNK, CHUNK)

    mesh = plsc.VectorSubcoreMesh(core_axis_name="c", subcore_axis_name="s")

    deg_chunks = e_pad // (N_SC * N_TILES * CHUNK)
    deg_call = pl.kernel(
        functools.partial(_deg_body, n, n_pad, deg_chunks),
        out_type=[jax.ShapeDtypeStruct((n_pad,), jnp.float32),
                  jax.ShapeDtypeStruct((n_pad,), jnp.float32)],
        scratch_types=[
            pltpu.VMEM((deg_chunks, CHUNK), jnp.int32),
            pltpu.VMEM((deg_chunks, CHUNK), jnp.float32),
            pltpu.VMEM((CHUNK,), jnp.float32),
            pltpu.VMEM_SHARED((n_pad,), jnp.float32),
            pltpu.SemaphoreType.DMA,
        ],
        mesh=mesh,
    )
    dp0, dp1 = deg_call(dsts)
    d0 = dp0.reshape(n_pad, 1)
    d1 = dp1.reshape(n_pad, 1)

    blk = 2000
    grid = n // blk
    y2 = pl.pallas_call(
        _mm_body,
        grid=(grid,),
        in_specs=[
            pl.BlockSpec((blk, in_ch), lambda i: (i, 0)),
            pl.BlockSpec((in_ch, out_ch), lambda i: (0, 0)),
            pl.BlockSpec((blk, 1), lambda i: (i, 0)),
            pl.BlockSpec((blk, 1), lambda i: (i, 0)),
        ],
        out_specs=pl.BlockSpec((N_SC, blk, HALF), lambda i: (0, i, 0)),
        out_shape=jax.ShapeDtypeStruct((N_SC, n, HALF), jnp.float32),
    )(x, W, d0, d1)

    chunks_per_tile = e_pad // (N_TILES * CHUNK)
    agg_call = pl.kernel(
        functools.partial(_agg_body, n, n_pad, chunks_per_tile),
        out_type=jax.ShapeDtypeStruct((N_SC, n_pad, HALF), jnp.float32),
        scratch_types=[
            pltpu.VMEM((chunks_per_tile // IDX_PHASES, CHUNK), jnp.int32),
            pltpu.VMEM((chunks_per_tile // IDX_PHASES, CHUNK), jnp.int32),
            pltpu.VMEM((CHUNK, HALF), jnp.float32),
            pltpu.VMEM((CHUNK, HALF), jnp.float32),
            pltpu.VMEM_SHARED((n_pad, HALF), jnp.float32),
            pltpu.SemaphoreType.DMA,
            pltpu.SemaphoreType.DMA,
            pltpu.SemaphoreType.DMA,
            pltpu.SemaphoreType.DMA,
        ],
        mesh=mesh,
    )
    agg2 = agg_call(srcs2, dsts, y2.reshape(N_SC * n, HALF))

    out = pl.pallas_call(
        _out_body,
        grid=(grid,),
        in_specs=[
            pl.BlockSpec((N_SC, blk, HALF), lambda i: (0, i, 0)),
            pl.BlockSpec((N_SC, blk, HALF), lambda i: (0, i, 0)),
            pl.BlockSpec((blk, 1), lambda i: (i, 0)),
            pl.BlockSpec((blk, 1), lambda i: (i, 0)),
            pl.BlockSpec((1, out_ch), lambda i: (0, 0)),
        ],
        out_specs=pl.BlockSpec((blk, out_ch), lambda i: (i, 0)),
        out_shape=jax.ShapeDtypeStruct((n, out_ch), jnp.float32),
    )(agg2, y2, d0, d1, b.reshape(1, out_ch))
    return out

# --- scband reference (transcript-rebuilt; emitter-appended) ---
"""Pipeline reference for scband-gcnlayer-48498770707156 (READ-ONLY COPY).

The authoritative reference and input builder live on the scoring server;
editing this copy changes nothing except your own understanding.
"""

import jax, jax.numpy as jnp
import numpy as np

N_NODES = 10000
N_EDGES = 160000
IN_CH = 256
OUT_CH = 256


def setup_inputs(seed: int = 0) -> dict:
    key = jax.random.key(seed)
    k1, k2, k3 = jax.random.split(key, 3)
    x = jax.random.normal(k1, (N_NODES, IN_CH), dtype=jnp.float32)
    edge_index = jax.random.randint(k2, (2, N_EDGES), 0, N_NODES, dtype=jnp.int32)
    # GCNConv linear weight (glorot init) and bias (zeros), as in torch_geometric
    limit = float(np.sqrt(6.0 / (IN_CH + OUT_CH)))
    W = jax.random.uniform(k3, (IN_CH, OUT_CH), dtype=jnp.float32, minval=-limit, maxval=limit)
    b = jnp.zeros((OUT_CH,), dtype=jnp.float32)
    return {"x": x, "edge_index": edge_index, "W": W, "b": b}


def reference(x, edge_index, W, b):
    # Faithful GCNConv: add self-loops, symmetric degree normalization,
    # linear transform, scatter-add aggregation to dst nodes, then bias.
    n = x.shape[0]
    src = edge_index[0]
    dst = edge_index[1]
    loop = jnp.arange(n, dtype=src.dtype)
    src = jnp.concatenate([src, loop], axis=0)
    dst = jnp.concatenate([dst, loop], axis=0)
    edge_weight = jnp.ones(src.shape[0], dtype=x.dtype)
    # degree computed on destination index (PyG gcn_norm with flow source_to_target)
    deg = jnp.zeros((n,), dtype=x.dtype).at[dst].add(edge_weight)
    deg_inv_sqrt = jnp.where(deg > 0, 1.0 / jnp.sqrt(deg), 0.0)
    norm = deg_inv_sqrt[src] * edge_weight * deg_inv_sqrt[dst]
    xw = x @ W
    msgs = xw[src] * norm[:, None]
    out = jnp.zeros((n, W.shape[1]), dtype=x.dtype).at[dst].add(msgs)
    out = out + b
    return out

if __name__ == "__main__":
    import jax
    _d = setup_inputs()
    print(jax.jit(kernel)(*tuple(_d.values())))

</pallas_src>

<mosaic_0001>
#map = affine_map<(d0, d1) -> (0, 0, 0)>
#map1 = affine_map<(d0, d1) -> (0, 0)>
module attributes {stable_mosaic.version = 14 : i64} {
  func.func @_agg_body(%arg0: i32, %arg1: i32, %arg2: memref<2x1280x128xi32, #tpu.memory_space<hbm>>, %arg3: memref<1280x128xi32, #tpu.memory_space<hbm>>, %arg4: memref<20000x128xf32, #tpu.memory_space<hbm>>, %arg5: memref<2x10240x128xf32, #tpu.memory_space<hbm>>, %arg6: memref<40x128xi32, #tpu.memory_space<vmem>>, %arg7: memref<40x128xi32, #tpu.memory_space<vmem>>, %arg8: memref<128x128xf32, #tpu.memory_space<vmem>>, %arg9: memref<128x128xf32, #tpu.memory_space<vmem>>, %arg10: memref<10240x128xf32, #tpu.memory_space<vmem_shared>>, %arg11: memref<!tpu.dma_semaphore, #tpu.memory_space<semaphore_mem>>, %arg12: memref<!tpu.dma_semaphore, #tpu.memory_space<semaphore_mem>>, %arg13: memref<!tpu.dma_semaphore, #tpu.memory_space<semaphore_mem>>, %arg14: memref<!tpu.dma_semaphore, #tpu.memory_space<semaphore_mem>>) attributes {dimension_semantics = [#tpu.dimension_semantics<core_parallel>, #tpu.dimension_semantics<subcore_parallel>], iteration_bounds = array<i64: 2, 16>, scalar_prefetch = 0 : i64, scratch_operands = 9 : i64, tpu.core_type = #tpu.core_type<sc_vector_subcore>, window_params = [{transform_indices = #map}, {transform_indices = #map1}, {transform_indices = #map1}, {transform_indices = #map}]} {
    %scan3A = arith.constant 0 : i32
    %scan3A_0 = arith.constant 0 : i32
    %scan3A_1 = arith.constant 1024 : i32
    %scan3A_2 = arith.addi %scan3A_0, %scan3A_1 : i32
    %scan3A_3 = arith.constant 1 : i32
    %scan3A_4 = scf.for %scan3A_78 = %scan3A_0 to %scan3A_2 step %scan3A_3 iter_args(%scan3A_79 = %scan3A) -> (i32)  : i32 {
      %jit3A = arith.constant 8 : i32
      %div3A = arith.divsi %scan3A_78, %jit3A : i32
      %sign3A = arith.constant 0 : i32
      %sign3A_80 = arith.cmpi sgt, %scan3A_78, %sign3A : i32
      %sign3A_81 = arith.extui %sign3A_80 : i1 to i32
      %sign3A_82 = arith.constant 0 : i32
      %sign3A_83 = arith.cmpi slt, %scan3A_78, %sign3A_82 : i32
      %sign3A_84 = arith.extui %sign3A_83 : i1 to i32
      %sign3A_85 = arith.subi %sign3A_81, %sign3A_84 : i32
      %sign3A_86 = arith.constant 0 : i32
      %sign3A_87 = arith.cmpi sgt, %jit3A, %sign3A_86 : i32
      %sign3A_88 = arith.extui %sign3A_87 : i1 to i32
      %sign3A_89 = arith.constant 0 : i32
      %sign3A_90 = arith.cmpi slt, %jit3A, %sign3A_89 : i32
      %sign3A_91 = arith.extui %sign3A_90 : i1 to i32
      %sign3A_92 = arith.subi %sign3A_88, %sign3A_91 : i32
      %ne3A = arith.cmpi ne, %sign3A_85, %sign3A_92 : i32
      %rem3A = arith.remsi %scan3A_78, %jit3A : i32
      %ne3A_93 = arith.constant 0 : i32
      %ne3A_94 = arith.cmpi ne, %rem3A, %ne3A_93 : i32
      %and3A = arith.andi %ne3A, %ne3A_94 : i1
      %sub3A = arith.constant 1 : i32
      %sub3A_95 = arith.subi %div3A, %sub3A : i32
      %select_n3A = arith.select %and3A, %sub3A_95, %div3A : i32
      %jit3A_96 = arith.constant 8 : i32
      %eq3A = arith.constant 0 : i32
      %eq3A_97 = arith.cmpi eq, %jit3A_96, %eq3A : i32
      %jit3A_98 = arith.constant 1 : i32
      %select_n3A_99 = arith.select %eq3A_97, %jit3A_98, %jit3A_96 : i32
      %rem3A_100 = arith.remsi %scan3A_78, %select_n3A_99 : i32
      %ne3A_101 = arith.constant 0 : i32
      %ne3A_102 = arith.cmpi ne, %rem3A_100, %ne3A_101 : i32
      %lt3A = arith.constant 0 : i32
      %lt3A_103 = arith.cmpi slt, %rem3A_100, %lt3A : i32
      %lt3A_104 = arith.constant 0 : i32
      %lt3A_105 = arith.cmpi slt, %select_n3A_99, %lt3A_104 : i32
      %ne3A_106 = arith.xori %lt3A_103, %lt3A_105 : i1
      %and3A_107 = arith.andi %ne3A_106, %ne3A_102 : i1
      %add3A_108 = arith.addi %rem3A_100, %select_n3A_99 : i32
      %select_n3A_109 = arith.select %and3A_107, %add3A_108, %rem3A_100 : i32
      %mul3A_110 = arith.constant 16 : i32
      %mul3A_111 = arith.muli %select_n3A_109, %mul3A_110 : i32
      %broadcast_in_dim3A = arith.constant 0.000000e+00 : f32
      %broadcast_in_dim3A_112 = vector.broadcast %broadcast_in_dim3A : f32 to vector<16xf32>
      %swap3A = arith.index_cast %select_n3A : i32 to index
      %swap3A_113 = arith.index_cast %mul3A_111 : i32 to index
      %swap3A_114 = tpu.vector_load %arg8[%swap3A, %swap3A_113] {strides = array<i32>} : memref<128x128xf32, #tpu.memory_space<vmem>>, vector<1x16xf32>,
      %swap3A_115 = vector.shape_cast %swap3A_114 : vector<1x16xf32> to vector<16xf32>
      %swap3A_116 = vector.shape_cast %broadcast_in_dim3A_112 : vector<16xf32> to vector<1x16xf32>
      tpu.vector_store %arg8[%swap3A, %swap3A_113], %swap3A_116 {strides = array<i32>} : memref<128x128xf32, #tpu.memory_space<vmem>>, vector<1x16xf32>,
      %scan3A_117 = arith.constant 0 : i32
      scf.yield %scan3A_117 : i32
    }
    %scan3A_5 = arith.constant 1024 : i32
    %mul3A = arith.constant 640 : i32
    %mul3A_6 = arith.muli %arg1, %mul3A : i32
    %add3A = arith.constant 0 : i32
    %add3A_7 = arith.addi %mul3A_6, %add3A : i32
    "tpu.region"() ({
      %run_scoped3A = tpu.sem_alloc : memref<!tpu.dma_semaphore, #tpu.memory_space<semaphore_mem>>
      %dma_start3A_78 = arith.constant 0 : i32
      %dma_start3A_79 = arith.constant 0 : i32
      %dma_start3A_80 = tpu.memref_slice %arg8[%dma_start3A_78, %dma_start3A_79] : memref<128x128xf32, #tpu.memory_space<vmem>> -> memref<128x128xf32, #tpu.memory_space<vmem>>
      %dma_start3A_81 = arith.constant 0 : i32
      %dma_start3A_82 = tpu.memref_slice %arg10[%add3A_7, %dma_start3A_81] : memref<10240x128xf32, #tpu.memory_space<vmem_shared>> -> memref<128x128xf32, #tpu.memory_space<vmem_shared>>
      %dma_start3A_83 = arith.constant 0 : i32
      %dma_start3A_84 = tpu.memref_slice %arg10[%add3A_7, %dma_start3A_83] : memref<10240x128xf32, #tpu.memory_space<vmem_shared>> -> memref<128x128xf32, #tpu.memory_space<vmem_shared>>
      %dma_start3A_85 = arith.constant 0 : i32
      %dma_start3A_86 = arith.constant 0 : i32
      %dma_start3A_87 = tpu.memref_slice %arg8[%dma_start3A_85, %dma_start3A_86] : memref<128x128xf32, #tpu.memory_space<vmem>> -> memref<128x128xf32, #tpu.memory_space<vmem>>
      tpu.enqueue_dma source(%dma_start3A_87 : memref<128x128xf32, #tpu.memory_space<vmem>>) target(%dma_start3A_84 : memref<128x128xf32, #tpu.memory_space<vmem_shared>>) target_semaphore(%run_scoped3A : memref<!tpu.dma_semaphore, #tpu.memory_space<semaphore_mem>>)
      %dma_wait3A = arith.constant 0 : i32
      %dma_wait3A_88 = arith.constant 0 : i32
      %dma_wait3A_89 = tpu.memref_slice %arg8[%dma_wait3A, %dma_wait3A_88] : memref<128x128xf32, #tpu.memory_space<vmem>> -> memref<128x128xf32, #tpu.memory_space<vmem>>
      %dma_wait3A_90 = arith.constant 0 : i32
      %dma_wait3A_91 = tpu.memref_slice %arg10[%add3A_7, %dma_wait3A_90] : memref<10240x128xf32, #tpu.memory_space<vmem_shared>> -> memref<128x128xf32, #tpu.memory_space<vmem_shared>>
      %dma_wait3A_92 = arith.constant 0 : i32
      %dma_wait3A_93 = tpu.memref_slice %arg10[%add3A_7, %dma_wait3A_92] : memref<10240x128xf32, #tpu.memory_space<vmem_shared>> -> memref<128x128xf32, #tpu.memory_space<vmem_shared>>
      %dma_wait3A_94 = arith.constant 0 : i32
      %dma_wait3A_95 = arith.constant 0 : i32
      %dma_wait3A_96 = tpu.memref_slice %arg8[%dma_wait3A_94, %dma_wait3A_95] : memref<128x128xf32, #tpu.memory_space<vmem>> -> memref<128x128xf32, #tpu.memory_space<vmem>>
      tpu.wait_dma2 semaphore(%run_scoped3A : memref<!tpu.dma_semaphore, #tpu.memory_space<semaphore_mem>>) src(%dma_wait3A_96 : memref<128x128xf32, #tpu.memory_space<vmem>>) dst(%dma_wait3A_93 : memref<128x128xf32, #tpu.memory_space<vmem_shared>>)
      tpu.yield
    }) : () -> ()
    %mul3A_8 = arith.constant 640 : i32
    %mul3A_9 = arith.muli %arg1, %mul3A_8 : i32
    %add3A_10 = arith.constant 128 : i32
    %add3A_11 = arith.addi %mul3A_9, %add3A_10 : i32
    "tpu.region"() ({
      %run_scoped3A = tpu.sem_alloc : memref<!tpu.dma_semaphore, #tpu.memory_space<semaphore_mem>>
      %dma_start3A_78 = arith.constant 0 : i32
      %dma_start3A_79 = arith.constant 0 : i32
      %dma_start3A_80 = tpu.memref_slice %arg8[%dma_start3A_78, %dma_start3A_79] : memref<128x128xf32, #tpu.memory_space<vmem>> -> memref<128x128xf32, #tpu.memory_space<vmem>>
      %dma_start3A_81 = arith.constant 0 : i32
      %dma_start3A_82 = tpu.memref_slice %arg10[%add3A_11, %dma_start3A_81] : memref<10240x128xf32, #tpu.memory_space<vmem_shared>> -> memref<128x128xf32, #tpu.memory_space<vmem_shared>>
      %dma_start3A_83 = arith.constant 0 : i32
      %dma_start3A_84 = tpu.memref_slice %arg10[%add3A_11, %dma_start3A_83] : memref<10240x128xf32, #tpu.memory_space<vmem_shared>> -> memref<128x128xf32, #tpu.memory_space<vmem_shared>>
      %dma_start3A_85 = arith.constant 0 : i32
      %dma_start3A_86 = arith.constant 0 : i32
      %dma_start3A_87 = tpu.memref_slice %arg8[%dma_start3A_85, %dma_start3A_86] : memref<128x128xf32, #tpu.memory_space<vmem>> -> memref<128x128xf32, #tpu.memory_space<vmem>>
      tpu.enqueue_dma source(%dma_start3A_87 : memref<128x128xf32, #tpu.memory_space<vmem>>) target(%dma_start3A_84 : memref<128x128xf32, #tpu.memory_space<vmem_shared>>) target_semaphore(%run_scoped3A : memref<!tpu.dma_semaphore, #tpu.memory_space<semaphore_mem>>)
      %dma_wait3A = arith.constant 0 : i32
      %dma_wait3A_88 = arith.constant 0 : i32
      %dma_wait3A_89 = tpu.memref_slice %arg8[%dma_wait3A, %dma_wait3A_88] : memref<128x128xf32, #tpu.memory_space<vmem>> -> memref<128x128xf32, #tpu.memory_space<vmem>>
      %dma_wait3A_90 = arith.constant 0 : i32
      %dma_wait3A_91 = tpu.memref_slice %arg10[%add3A_11, %dma_wait3A_90] : memref<10240x128xf32, #tpu.memory_space<vmem_shared>> -> memref<128x128xf32, #tpu.memory_space<vmem_shared>>
      %dma_wait3A_92 = arith.constant 0 : i32
      %dma_wait3A_93 = tpu.memref_slice %arg10[%add3A_11, %dma_wait3A_92] : memref<10240x128xf32, #tpu.memory_space<vmem_shared>> -> memref<128x128xf32, #tpu.memory_space<vmem_shared>>
      %dma_wait3A_94 = arith.constant 0 : i32
      %dma_wait3A_95 = arith.constant 0 : i32
      %dma_wait3A_96 = tpu.memref_slice %arg8[%dma_wait3A_94, %dma_wait3A_95] : memref<128x128xf32, #tpu.memory_space<vmem>> -> memref<128x128xf32, #tpu.memory_space<vmem>>
      tpu.wait_dma2 semaphore(%run_scoped3A : memref<!tpu.dma_semaphore, #tpu.memory_space<semaphore_mem>>) src(%dma_wait3A_96 : memref<128x128xf32, #tpu.memory_space<vmem>>) dst(%dma_wait3A_93 : memref<128x128xf32, #tpu.memory_space<vmem_shared>>)
      tpu.yield
    }) : () -> ()
    %mul3A_12 = arith.constant 640 : i32
    %mul3A_13 = arith.muli %arg1, %mul3A_12 : i32
    %add3A_14 = arith.constant 256 : i32
    %add3A_15 = arith.addi %mul3A_13, %add3A_14 : i32
    "tpu.region"() ({
      %run_scoped3A = tpu.sem_alloc : memref<!tpu.dma_semaphore, #tpu.memory_space<semaphore_mem>>
      %dma_start3A_78 = arith.constant 0 : i32
      %dma_start3A_79 = arith.constant 0 : i32
      %dma_start3A_80 = tpu.memref_slice %arg8[%dma_start3A_78, %dma_start3A_79] : memref<128x128xf32, #tpu.memory_space<vmem>> -> memref<128x128xf32, #tpu.memory_space<vmem>>
      %dma_start3A_81 = arith.constant 0 : i32
      %dma_start3A_82 = tpu.memref_slice %arg10[%add3A_15, %dma_start3A_81] : memref<10240x128xf32, #tpu.memory_space<vmem_shared>> -> memref<128x128xf32, #tpu.memory_space<vmem_shared>>
      %dma_start3A_83 = arith.constant 0 : i32
      %dma_start3A_84 = tpu.memref_slice %arg10[%add3A_15, %dma_start3A_83] : memref<10240x128xf32, #tpu.memory_space<vmem_shared>> -> memref<128x128xf32, #tpu.memory_space<vmem_shared>>
      %dma_start3A_85 = arith.constant 0 : i32
      %dma_start3A_86 = arith.constant 0 : i32
      %dma_start3A_87 = tpu.memref_slice %arg8[%dma_start3A_85, %dma_start3A_86] : memref<128x128xf32, #tpu.memory_space<vmem>> -> memref<128x128xf32, #tpu.memory_space<vmem>>
      tpu.enqueue_dma source(%dma_start3A_87 : memref<128x128xf32, #tpu.memory_space<vmem>>) target(%dma_start3A_84 : memref<128x128xf32, #tpu.memory_space<vmem_shared>>) target_semaphore(%run_scoped3A : memref<!tpu.dma_semaphore, #tpu.memory_space<semaphore_mem>>)
      %dma_wait3A = arith.constant 0 : i32
      %dma_wait3A_88 = arith.constant 0 : i32
      %dma_wait3A_89 = tpu.memref_slice %arg8[%dma_wait3A, %dma_wait3A_88] : memref<128x128xf32, #tpu.memory_space<vmem>> -> memref<128x128xf32, #tpu.memory_space<vmem>>
      %dma_wait3A_90 = arith.constant 0 : i32
      %dma_wait3A_91 = tpu.memref_slice %arg10[%add3A_15, %dma_wait3A_90] : memref<10240x128xf32, #tpu.memory_space<vmem_shared>> -> memref<128x128xf32, #tpu.memory_space<vmem_shared>>
      %dma_wait3A_92 = arith.constant 0 : i32
      %dma_wait3A_93 = tpu.memref_slice %arg10[%add3A_15, %dma_wait3A_92] : memref<10240x128xf32, #tpu.memory_space<vmem_shared>> -> memref<128x128xf32, #tpu.memory_space<vmem_shared>>
      %dma_wait3A_94 = arith.constant 0 : i32
      %dma_wait3A_95 = arith.constant 0 : i32
      %dma_wait3A_96 = tpu.memref_slice %arg8[%dma_wait3A_94, %dma_wait3A_95] : memref<128x128xf32, #tpu.memory_space<vmem>> -> memref<128x128xf32, #tpu.memory_space<vmem>>
      tpu.wait_dma2 semaphore(%run_scoped3A : memref<!tpu.dma_semaphore, #tpu.memory_space<semaphore_mem>>) src(%dma_wait3A_96 : memref<128x128xf32, #tpu.memory_space<vmem>>) dst(%dma_wait3A_93 : memref<128x128xf32, #tpu.memory_space<vmem_shared>>)
      tpu.yield
    }) : () -> ()
    %mul3A_16 = arith.constant 640 : i32
    %mul3A_17 = arith.muli %arg1, %mul3A_16 : i32
    %add3A_18 = arith.constant 384 : i32
    %add3A_19 = arith.addi %mul3A_17, %add3A_18 : i32
    "tpu.region"() ({
      %run_scoped3A = tpu.sem_alloc : memref<!tpu.dma_semaphore, #tpu.memory_space<semaphore_mem>>
      %dma_start3A_78 = arith.constant 0 : i32
      %dma_start3A_79 = arith.constant 0 : i32
      %dma_start3A_80 = tpu.memref_slice %arg8[%dma_start3A_78, %dma_start3A_79] : memref<128x128xf32, #tpu.memory_space<vmem>> -> memref<128x128xf32, #tpu.memory_space<vmem>>
      %dma_start3A_81 = arith.constant 0 : i32
      %dma_start3A_82 = tpu.memref_slice %arg10[%add3A_19, %dma_start3A_81] : memref<10240x128xf32, #tpu.memory_space<vmem_shared>> -> memref<128x128xf32, #tpu.memory_space<vmem_shared>>
      %dma_start3A_83 = arith.constant 0 : i32
      %dma_start3A_84 = tpu.memref_slice %arg10[%add3A_19, %dma_start3A_83] : memref<10240x128xf32, #tpu.memory_space<vmem_shared>> -> memref<128x128xf32, #tpu.memory_space<vmem_shared>>
      %dma_start3A_85 = arith.constant 0 : i32
      %dma_start3A_86 = arith.constant 0 : i32
      %dma_start3A_87 = tpu.memref_slice %arg8[%dma_start3A_85, %dma_start3A_86] : memref<128x128xf32, #tpu.memory_space<vmem>> -> memref<128x128xf32, #tpu.memory_space<vmem>>
      tpu.enqueue_dma source(%dma_start3A_87 : memref<128x128xf32, #tpu.memory_space<vmem>>) target(%dma_start3A_84 : memref<128x128xf32, #tpu.memory_space<vmem_shared>>) target_semaphore(%run_scoped3A : memref<!tpu.dma_semaphore, #tpu.memory_space<semaphore_mem>>)
      %dma_wait3A = arith.constant 0 : i32
      %dma_wait3A_88 = arith.constant 0 : i32
      %dma_wait3A_89 = tpu.memref_slice %arg8[%dma_wait3A, %dma_wait3A_88] : memref<128x128xf32, #tpu.memory_space<vmem>> -> memref<128x128xf32, #tpu.memory_space<vmem>>
      %dma_wait3A_90 = arith.constant 0 : i32
      %dma_wait3A_91 = tpu.memref_slice %arg10[%add3A_19, %dma_wait3A_90] : memref<10240x128xf32, #tpu.memory_space<vmem_shared>> -> memref<128x128xf32, #tpu.memory_space<vmem_shared>>
      %dma_wait3A_92 = arith.constant 0 : i32
      %dma_wait3A_93 = tpu.memref_slice %arg10[%add3A_19, %dma_wait3A_92] : memref<10240x128xf32, #tpu.memory_space<vmem_shared>> -> memref<128x128xf32, #tpu.memory_space<vmem_shared>>
      %dma_wait3A_94 = arith.constant 0 : i32
      %dma_wait3A_95 = arith.constant 0 : i32
      %dma_wait3A_96 = tpu.memref_slice %arg8[%dma_wait3A_94, %dma_wait3A_95] : memref<128x128xf32, #tpu.memory_space<vmem>> -> memref<128x128xf32, #tpu.memory_space<vmem>>
      tpu.wait_dma2 semaphore(%run_scoped3A : memref<!tpu.dma_semaphore, #tpu.memory_space<semaphore_mem>>) src(%dma_wait3A_96 : memref<128x128xf32, #tpu.memory_space<vmem>>) dst(%dma_wait3A_93 : memref<128x128xf32, #tpu.memory_space<vmem_shared>>)
      tpu.yield
    }) : () -> ()
    %mul3A_20 = arith.constant 640 : i32
    %mul3A_21 = arith.muli %arg1, %mul3A_20 : i32
    %add3A_22 = arith.constant 512 : i32
    %add3A_23 = arith.addi %mul3A_21, %add3A_22 : i32
    "tpu.region"() ({
      %run_scoped3A = tpu.sem_alloc : memref<!tpu.dma_semaphore, #tpu.memory_space<semaphore_mem>>
      %dma_start3A_78 = arith.constant 0 : i32
      %dma_start3A_79 = arith.constant 0 : i32
      %dma_start3A_80 = tpu.memref_slice %arg8[%dma_start3A_78, %dma_start3A_79] : memref<128x128xf32, #tpu.memory_space<vmem>> -> memref<128x128xf32, #tpu.memory_space<vmem>>
      %dma_start3A_81 = arith.constant 0 : i32
      %dma_start3A_82 = tpu.memref_slice %arg10[%add3A_23, %dma_start3A_81] : memref<10240x128xf32, #tpu.memory_space<vmem_shared>> -> memref<128x128xf32, #tpu.memory_space<vmem_shared>>
      %dma_start3A_83 = arith.constant 0 : i32
      %dma_start3A_84 = tpu.memref_slice %arg10[%add3A_23, %dma_start3A_83] : memref<10240x128xf32, #tpu.memory_space<vmem_shared>> -> memref<128x128xf32, #tpu.memory_space<vmem_shared>>
      %dma_start3A_85 = arith.constant 0 : i32
      %dma_start3A_86 = arith.constant 0 : i32
      %dma_start3A_87 = tpu.memref_slice %arg8[%dma_start3A_85, %dma_start3A_86] : memref<128x128xf32, #tpu.memory_space<vmem>> -> memref<128x128xf32, #tpu.memory_space<vmem>>
      tpu.enqueue_dma source(%dma_start3A_87 : memref<128x128xf32, #tpu.memory_space<vmem>>) target(%dma_start3A_84 : memref<128x128xf32, #tpu.memory_space<vmem_shared>>) target_semaphore(%run_scoped3A : memref<!tpu.dma_semaphore, #tpu.memory_space<semaphore_mem>>)
      %dma_wait3A = arith.constant 0 : i32
      %dma_wait3A_88 = arith.constant 0 : i32
      %dma_wait3A_89 = tpu.memref_slice %arg8[%dma_wait3A, %dma_wait3A_88] : memref<128x128xf32, #tpu.memory_space<vmem>> -> memref<128x128xf32, #tpu.memory_space<vmem>>
      %dma_wait3A_90 = arith.constant 0 : i32
      %dma_wait3A_91 = tpu.memref_slice %arg10[%add3A_23, %dma_wait3A_90] : memref<10240x128xf32, #tpu.memory_space<vmem_shared>> -> memref<128x128xf32, #tpu.memory_space<vmem_shared>>
      %dma_wait3A_92 = arith.constant 0 : i32
      %dma_wait3A_93 = tpu.memref_slice %arg10[%add3A_23, %dma_wait3A_92] : memref<10240x128xf32, #tpu.memory_space<vmem_shared>> -> memref<128x128xf32, #tpu.memory_space<vmem_shared>>
      %dma_wait3A_94 = arith.constant 0 : i32
      %dma_wait3A_95 = arith.constant 0 : i32
      %dma_wait3A_96 = tpu.memref_slice %arg8[%dma_wait3A_94, %dma_wait3A_95] : memref<128x128xf32, #tpu.memory_space<vmem>> -> memref<128x128xf32, #tpu.memory_space<vmem>>
      tpu.wait_dma2 semaphore(%run_scoped3A : memref<!tpu.dma_semaphore, #tpu.memory_space<semaphore_mem>>) src(%dma_wait3A_96 : memref<128x128xf32, #tpu.memory_space<vmem>>) dst(%dma_wait3A_93 : memref<128x128xf32, #tpu.memory_space<vmem_shared>>)
      tpu.yield
    }) : () -> ()
    %barrier3A = arith.constant 0 : index
    tpu.barrier barrier_id(%barrier3A)
    %mul3A_24 = arith.constant 80 : i32
    %mul3A_25 = arith.muli %arg1, %mul3A_24 : i32
    %add3A_26 = arith.constant 0 : i32
    %add3A_27 = arith.addi %mul3A_25, %add3A_26 : i32
    "tpu.region"() ({
      %run_scoped3A = tpu.sem_alloc : memref<!tpu.dma_semaphore, #tpu.memory_space<semaphore_mem>>
      %dma_start3A_78 = arith.constant 0 : i32
      %dma_start3A_79 = tpu.memref_slice %arg2[%arg0, %add3A_27, %dma_start3A_78] : memref<2x1280x128xi32, #tpu.memory_space<hbm>> -> memref<1x40x128xi32, #tpu.memory_space<hbm>>
      %dma_start3A_80 = tpu.memref_squeeze %dma_start3A_79 : memref<1x40x128xi32, #tpu.memory_space<hbm>> -> memref<40x128xi32, #tpu.memory_space<hbm>>
      %dma_start3A_81 = arith.constant 0 : i32
      %dma_start3A_82 = tpu.memref_slice %arg2[%arg0, %add3A_27, %dma_start3A_81] : memref<2x1280x128xi32, #tpu.memory_space<hbm>> -> memref<1x40x128xi32, #tpu.memory_space<hbm>>
      %dma_start3A_83 = tpu.memref_squeeze %dma_start3A_82 : memref<1x40x128xi32, #tpu.memory_space<hbm>> -> memref<40x128xi32, #tpu.memory_space<hbm>>
      tpu.enqueue_dma source(%dma_start3A_83 : memref<40x128xi32, #tpu.memory_space<hbm>>) target(%arg6 : memref<40x128xi32, #tpu.memory_space<vmem>>) target_semaphore(%run_scoped3A : memref<!tpu.dma_semaphore, #tpu.memory_space<semaphore_mem>>)
      %dma_wait3A = arith.constant 0 : i32
      %dma_wait3A_84 = tpu.memref_slice %arg2[%arg0, %add3A_27, %dma_wait3A] : memref<2x1280x128xi32, #tpu.memory_space<hbm>> -> memref<1x40x128xi32, #tpu.memory_space<hbm>>
      %dma_wait3A_85 = tpu.memref_squeeze %dma_wait3A_84 : memref<1x40x128xi32, #tpu.memory_space<hbm>> -> memref<40x128xi32, #tpu.memory_space<hbm>>
      %dma_wait3A_86 = arith.constant 0 : i32
      %dma_wait3A_87 = tpu.memref_slice %arg2[%arg0, %add3A_27, %dma_wait3A_86] : memref<2x1280x128xi32, #tpu.memory_space<hbm>> -> memref<1x40x128xi32, #tpu.memory_space<hbm>>
      %dma_wait3A_88 = tpu.memref_squeeze %dma_wait3A_87 : memref<1x40x128xi32, #tpu.memory_space<hbm>> -> memref<40x128xi32, #tpu.memory_space<hbm>>
      tpu.wait_dma2 semaphore(%run_scoped3A : memref<!tpu.dma_semaphore, #tpu.memory_space<semaphore_mem>>) src(%dma_wait3A_88 : memref<40x128xi32, #tpu.memory_space<hbm>>) dst(%arg6 : memref<40x128xi32, #tpu.memory_space<vmem>>)
      tpu.yield
    }) : () -> ()
    "tpu.region"() ({
      %run_scoped3A = tpu.sem_alloc : memref<!tpu.dma_semaphore, #tpu.memory_space<semaphore_mem>>
      %dma_start3A_78 = arith.constant 0 : i32
      %dma_start3A_79 = tpu.memref_slice %arg3[%add3A_27, %dma_start3A_78] : memref<1280x128xi32, #tpu.memory_space<hbm>> -> memref<40x128xi32, #tpu.memory_space<hbm>>
      %dma_start3A_80 = arith.constant 0 : i32
      %dma_start3A_81 = tpu.memref_slice %arg3[%add3A_27, %dma_start3A_80] : memref<1280x128xi32, #tpu.memory_space<hbm>> -> memref<40x128xi32, #tpu.memory_space<hbm>>
      tpu.enqueue_dma source(%dma_start3A_81 : memref<40x128xi32, #tpu.memory_space<hbm>>) target(%arg7 : memref<40x128xi32, #tpu.memory_space<vmem>>) target_semaphore(%run_scoped3A : memref<!tpu.dma_semaphore, #tpu.memory_space<semaphore_mem>>)
      %dma_wait3A = arith.constant 0 : i32
      %dma_wait3A_82 = tpu.memref_slice %arg3[%add3A_27, %dma_wait3A] : memref<1280x128xi32, #tpu.memory_space<hbm>> -> memref<40x128xi32, #tpu.memory_space<hbm>>
      %dma_wait3A_83 = arith.constant 0 : i32
      %dma_wait3A_84 = tpu.memref_slice %arg3[%add3A_27, %dma_wait3A_83] : memref<1280x128xi32, #tpu.memory_space<hbm>> -> memref<40x128xi32, #tpu.memory_space<hbm>>
      tpu.wait_dma2 semaphore(%run_scoped3A : memref<!tpu.dma_semaphore, #tpu.memory_space<semaphore_mem>>) src(%dma_wait3A_84 : memref<40x128xi32, #tpu.memory_space<hbm>>) dst(%arg7 : memref<40x128xi32, #tpu.memory_space<vmem>>)
      tpu.yield
    }) : () -> ()
    %dma_start3A = arith.constant 0 : i32
    %dma_start3A_28 = arith.constant 0 : i32
    %dma_start3A_29 = tpu.memref_slice %arg6[%dma_start3A, %dma_start3A_28] : memref<40x128xi32, #tpu.memory_space<vmem>> -> memref<1x128xi32, #tpu.memory_space<vmem>>
    %dma_start3A_30 = tpu.memref_squeeze %dma_start3A_29 : memref<1x128xi32, #tpu.memory_space<vmem>> -> memref<128xi32, #tpu.memory_space<vmem>>
    %dma_start3A_31 = arith.constant 0 : i32
    %dma_start3A_32 = arith.constant 0 : i32
    %dma_start3A_33 = tpu.memref_slice %arg4[%dma_start3A_31, %dma_start3A_32] : memref<20000x128xf32, #tpu.memory_space<hbm>> -> memref<20000x128xf32, #tpu.memory_space<hbm>>
    tpu.enqueue_indirect_dma source(%dma_start3A_33 : memref<20000x128xf32, #tpu.memory_space<hbm>>) target(%arg8 : memref<128x128xf32, #tpu.memory_space<vmem>>) offsets(%dma_start3A_30 : memref<128xi32, #tpu.memory_space<vmem>>) semaphore(%arg11 : memref<!tpu.dma_semaphore, #tpu.memory_space<semaphore_mem>>)
    %dma_start3A_34 = arith.constant 1 : i32
    %dma_start3A_35 = arith.constant 0 : i32
    %dma_start3A_36 = tpu.memref_slice %arg6[%dma_start3A_34, %dma_start3A_35] : memref<40x128xi32, #tpu.memory_space<vmem>> -> memref<1x128xi32, #tpu.memory_space<vmem>>
    %dma_start3A_37 = tpu.memref_squeeze %dma_start3A_36 : memref<1x128xi32, #tpu.memory_space<vmem>> -> memref<128xi32, #tpu.memory_space<vmem>>
    %dma_start3A_38 = arith.constant 0 : i32
    %dma_start3A_39 = arith.constant 0 : i32
    %dma_start3A_40 = tpu.memref_slice %arg4[%dma_start3A_38, %dma_start3A_39] : memref<20000x128xf32, #tpu.memory_space<hbm>> -> memref<20000x128xf32, #tpu.memory_space<hbm>>
    tpu.enqueue_indirect_dma source(%dma_start3A_40 : memref<20000x128xf32, #tpu.memory_space<hbm>>) target(%arg9 : memref<128x128xf32, #tpu.memory_space<vmem>>) offsets(%dma_start3A_37 : memref<128xi32, #tpu.memory_space<vmem>>) semaphore(%arg12 : memref<!tpu.dma_semaphore, #tpu.memory_space<semaphore_mem>>)
    %scan3A_41 = arith.constant 0 : i32
    %scan3A_42 = arith.constant 0 : i32
    %scan3A_43 = arith.constant 20 : i32
    %scan3A_44 = arith.addi %scan3A_42, %scan3A_43 : i32
    %scan3A_45 = arith.constant 1 : i32
    %scan3A_46 = scf.for %scan3A_78 = %scan3A_42 to %scan3A_44 step %scan3A_45 iter_args(%scan3A_79 = %scan3A_41) -> (i32)  : i32 {
      %mul3A_80 = arith.constant 2 : i32
      %mul3A_81 = arith.muli %mul3A_80, %scan3A_78 : i32
      %add3A_82 = arith.constant 0 : i32
      %add3A_83 = arith.addi %mul3A_81, %add3A_82 : i32
      %dma_wait3A = arith.constant 0 : i32
      %dma_wait3A_84 = tpu.memref_slice %arg6[%add3A_83, %dma_wait3A] : memref<40x128xi32, #tpu.memory_space<vmem>> -> memref<1x128xi32, #tpu.memory_space<vmem>>
      %dma_wait3A_85 = tpu.memref_squeeze %dma_wait3A_84 : memref<1x128xi32, #tpu.memory_space<vmem>> -> memref<128xi32, #tpu.memory_space<vmem>>
      %dma_wait3A_86 = arith.constant 0 : i32
      %dma_wait3A_87 = arith.constant 0 : i32
      %dma_wait3A_88 = tpu.memref_slice %arg4[%dma_wait3A_86, %dma_wait3A_87] : memref<20000x128xf32, #tpu.memory_space<hbm>> -> memref<20000x128xf32, #tpu.memory_space<hbm>>
      tpu.wait_indirect_dma semaphore(%arg11 : memref<!tpu.dma_semaphore, #tpu.memory_space<semaphore_mem>>) src(%dma_wait3A_88 : memref<20000x128xf32, #tpu.memory_space<hbm>>) dst(%arg8 : memref<128x128xf32, #tpu.memory_space<vmem>>)
      %dma_start3A_89 = arith.constant 0 : i32
      %dma_start3A_90 = tpu.memref_slice %arg7[%add3A_83, %dma_start3A_89] : memref<40x128xi32, #tpu.memory_space<vmem>> -> memref<1x128xi32, #tpu.memory_space<vmem>>
      %dma_start3A_91 = tpu.memref_squeeze %dma_start3A_90 : memref<1x128xi32, #tpu.memory_space<vmem>> -> memref<128xi32, #tpu.memory_space<vmem>>
      %dma_start3A_92 = arith.constant 0 : i32
      %dma_start3A_93 = arith.constant 0 : i32
      %dma_start3A_94 = tpu.memref_slice %arg10[%dma_start3A_92, %dma_start3A_93] : memref<10240x128xf32, #tpu.memory_space<vmem_shared>> -> memref<10240x128xf32, #tpu.memory_space<vmem_shared>>
      tpu.enqueue_indirect_dma source(%arg8 : memref<128x128xf32, #tpu.memory_space<vmem>>) target(%dma_start3A_94 : memref<10240x128xf32, #tpu.memory_space<vmem_shared>>) offsets(%dma_start3A_91 : memref<128xi32, #tpu.memory_space<vmem>>) semaphore(%arg13 : memref<!tpu.dma_semaphore, #tpu.memory_space<semaphore_mem>>) {add = true}
      %dma_wait3A_95 = arith.constant 0 : i32
      %dma_wait3A_96 = tpu.memref_slice %arg7[%add3A_83, %dma_wait3A_95] : memref<40x128xi32, #tpu.memory_space<vmem>> -> memref<1x128xi32, #tpu.memory_space<vmem>>
      %dma_wait3A_97 = tpu.memref_squeeze %dma_wait3A_96 : memref<1x128xi32, #tpu.memory_space<vmem>> -> memref<128xi32, #tpu.memory_space<vmem>>
      %dma_wait3A_98 = arith.constant 0 : i32
      %dma_wait3A_99 = arith.constant 0 : i32
      %dma_wait3A_100 = tpu.memref_slice %arg10[%dma_wait3A_98, %dma_wait3A_99] : memref<10240x128xf32, #tpu.memory_space<vmem_shared>> -> memref<10240x128xf32, #tpu.memory_space<vmem_shared>>
      tpu.wait_indirect_dma semaphore(%arg13 : memref<!tpu.dma_semaphore, #tpu.memory_space<semaphore_mem>>) src(%arg8 : memref<128x128xf32, #tpu.memory_space<vmem>>) dst(%dma_wait3A_100 : memref<10240x128xf32, #tpu.memory_space<vmem_shared>>)
      %lt3A = arith.constant 19 : i32
      %lt3A_101 = arith.cmpi slt, %scan3A_78, %lt3A : i32
      %convert_element_type3A = arith.extui %lt3A_101 : i1 to i32
      %cond3A = arith.constant 0 : i32
      %cond3A_102 = arith.cmpi ne, %convert_element_type3A, %cond3A : i32
      scf.if %cond3A_102 {
        %add3A_131 = arith.constant 2 : i32
        %add3A_132 = arith.addi %add3A_83, %add3A_131 : i32
        %dma_start3A_133 = arith.constant 0 : i32
        %dma_start3A_134 = tpu.memref_slice %arg6[%add3A_132, %dma_start3A_133] : memref<40x128xi32, #tpu.memory_space<vmem>> -> memref<1x128xi32, #tpu.memory_space<vmem>>
        %dma_start3A_135 = tpu.memref_squeeze %dma_start3A_134 : memref<1x128xi32, #tpu.memory_space<vmem>> -> memref<128xi32, #tpu.memory_space<vmem>>
        %dma_start3A_136 = arith.constant 0 : i32
        %dma_start3A_137 = arith.constant 0 : i32
        %dma_start3A_138 = tpu.memref_slice %arg4[%dma_start3A_136, %dma_start3A_137] : memref<20000x128xf32, #tpu.memory_space<hbm>> -> memref<20000x128xf32, #tpu.memory_space<hbm>>
        tpu.enqueue_indirect_dma source(%dma_start3A_138 : memref<20000x128xf32, #tpu.memory_space<hbm>>) target(%arg8 : memref<128x128xf32, #tpu.memory_space<vmem>>) offsets(%dma_start3A_135 : memref<128xi32, #tpu.memory_space<vmem>>) semaphore(%arg11 : memref<!tpu.dma_semaphore, #tpu.memory_space<semaphore_mem>>)
      } else {
      }
      %mul3A_103 = arith.constant 2 : i32
      %mul3A_104 = arith.muli %mul3A_103, %scan3A_78 : i32
      %add3A_105 = arith.constant 1 : i32
      %add3A_106 = arith.addi %mul3A_104, %add3A_105 : i32
      %dma_wait3A_107 = arith.constant 0 : i32
      %dma_wait3A_108 = tpu.memref_slice %arg6[%add3A_106, %dma_wait3A_107] : memref<40x128xi32, #tpu.memory_space<vmem>> -> memref<1x128xi32, #tpu.memory_space<vmem>>
      %dma_wait3A_109 = tpu.memref_squeeze %dma_wait3A_108 : memref<1x128xi32, #tpu.memory_space<vmem>> -> memref<128xi32, #tpu.memory_space<vmem>>
      %dma_wait3A_110 = arith.constant 0 : i32
      %dma_wait3A_111 = arith.constant 0 : i32
      %dma_wait3A_112 = tpu.memref_slice %arg4[%dma_wait3A_110, %dma_wait3A_111] : memref<20000x128xf32, #tpu.memory_space<hbm>> -> memref<20000x128xf32, #tpu.memory_space<hbm>>
      tpu.wait_indirect_dma semaphore(%arg12 : memref<!tpu.dma_semaphore, #tpu.memory_space<semaphore_mem>>) src(%dma_wait3A_112 : memref<20000x128xf32, #tpu.memory_space<hbm>>) dst(%arg9 : memref<128x128xf32, #tpu.memory_space<vmem>>)
      %dma_start3A_113 = arith.constant 0 : i32
      %dma_start3A_114 = tpu.memref_slice %arg7[%add3A_106, %dma_start3A_113] : memref<40x128xi32, #tpu.memory_space<vmem>> -> memref<1x128xi32, #tpu.memory_space<vmem>>
      %dma_start3A_115 = tpu.memref_squeeze %dma_start3A_114 : memref<1x128xi32, #tpu.memory_space<vmem>> -> memref<128xi32, #tpu.memory_space<vmem>>
      %dma_start3A_116 = arith.constant 0 : i32
      %dma_start3A_117 = arith.constant 0 : i32
      %dma_start3A_118 = tpu.memref_slice %arg10[%dma_start3A_116, %dma_start3A_117] : memref<10240x128xf32, #tpu.memory_space<vmem_shared>> -> memref<10240x128xf32, #tpu.memory_space<vmem_shared>>
      tpu.enqueue_indirect_dma source(%arg9 : memref<128x128xf32, #tpu.memory_space<vmem>>) target(%dma_start3A_118 : memref<10240x128xf32, #tpu.memory_space<vmem_shared>>) offsets(%dma_start3A_115 : memref<128xi32, #tpu.memory_space<vmem>>) semaphore(%arg14 : memref<!tpu.dma_semaphore, #tpu.memory_space<semaphore_mem>>) {add = true}
      %dma_wait3A_119 = arith.constant 0 : i32
      %dma_wait3A_120 = tpu.memref_slice %arg7[%add3A_106, %dma_wait3A_119] : memref<40x128xi32, #tpu.memory_space<vmem>> -> memref<1x128xi32, #tpu.memory_space<vmem>>
      %dma_wait3A_121 = tpu.memref_squeeze %dma_wait3A_120 : memref<1x128xi32, #tpu.memory_space<vmem>> -> memref<128xi32, #tpu.memory_space<vmem>>
      %dma_wait3A_122 = arith.constant 0 : i32
      %dma_wait3A_123 = arith.constant 0 : i32
      %dma_wait3A_124 = tpu.memref_slice %arg10[%dma_wait3A_122, %dma_wait3A_123] : memref<10240x128xf32, #tpu.memory_space<vmem_shared>> -> memref<10240x128xf32, #tpu.memory_space<vmem_shared>>
      tpu.wait_indirect_dma semaphore(%arg14 : memref<!tpu.dma_semaphore, #tpu.memory_space<semaphore_mem>>) src(%arg9 : memref<128x128xf32, #tpu.memory_space<vmem>>) dst(%dma_wait3A_124 : memref<10240x128xf32, #tpu.memory_space<vmem_shared>>)
      %lt3A_125 = arith.constant 19 : i32
      %lt3A_126 = arith.cmpi slt, %scan3A_78, %lt3A_125 : i32
      %convert_element_type3A_127 = arith.extui %lt3A_126 : i1 to i32
      %cond3A_128 = arith.constant 0 : i32
      %cond3A_129 = arith.cmpi ne, %convert_element_type3A_127, %cond3A_128 : i32
      scf.if %cond3A_129 {
        %add3A_131 = arith.constant 2 : i32
        %add3A_132 = arith.addi %add3A_106, %add3A_131 : i32
        %dma_start3A_133 = arith.constant 0 : i32
        %dma_start3A_134 = tpu.memref_slice %arg6[%add3A_132, %dma_start3A_133] : memref<40x128xi32, #tpu.memory_space<vmem>> -> memref<1x128xi32, #tpu.memory_space<vmem>>
        %dma_start3A_135 = tpu.memref_squeeze %dma_start3A_134 : memref<1x128xi32, #tpu.memory_space<vmem>> -> memref<128xi32, #tpu.memory_space<vmem>>
        %dma_start3A_136 = arith.constant 0 : i32
        %dma_start3A_137 = arith.constant 0 : i32
        %dma_start3A_138 = tpu.memref_slice %arg4[%dma_start3A_136, %dma_start3A_137] : memref<20000x128xf32, #tpu.memory_space<hbm>> -> memref<20000x128xf32, #tpu.memory_space<hbm>>
        tpu.enqueue_indirect_dma source(%dma_start3A_138 : memref<20000x128xf32, #tpu.memory_space<hbm>>) target(%arg9 : memref<128x128xf32, #tpu.memory_space<vmem>>) offsets(%dma_start3A_135 : memref<128xi32, #tpu.memory_space<vmem>>) semaphore(%arg12 : memref<!tpu.dma_semaphore, #tpu.memory_space<semaphore_mem>>)
      } else {
      }
      %scan3A_130 = arith.constant 0 : i32
      scf.yield %scan3A_130 : i32
    }
    %scan3A_47 = arith.constant 20 : i32
    %mul3A_48 = arith.constant 80 : i32
    %mul3A_49 = arith.muli %arg1, %mul3A_48 : i32
    %add3A_50 = arith.constant 40 : i32
    %add3A_51 = arith.addi %mul3A_49, %add3A_50 : i32
    "tpu.region"() ({
      %run_scoped3A = tpu.sem_alloc : memref<!tpu.dma_semaphore, #tpu.memory_space<semaphore_mem>>
      %dma_start3A_78 = arith.constant 0 : i32
      %dma_start3A_79 = tpu.memref_slice %arg2[%arg0, %add3A_51, %dma_start3A_78] : memref<2x1280x128xi32, #tpu.memory_space<hbm>> -> memref<1x40x128xi32, #tpu.memory_space<hbm>>
      %dma_start3A_80 = tpu.memref_squeeze %dma_start3A_79 : memref<1x40x128xi32, #tpu.memory_space<hbm>> -> memref<40x128xi32, #tpu.memory_space<hbm>>
      %dma_start3A_81 = arith.constant 0 : i32
      %dma_start3A_82 = tpu.memref_slice %arg2[%arg0, %add3A_51, %dma_start3A_81] : memref<2x1280x128xi32, #tpu.memory_space<hbm>> -> memref<1x40x128xi32, #tpu.memory_space<hbm>>
      %dma_start3A_83 = tpu.memref_squeeze %dma_start3A_82 : memref<1x40x128xi32, #tpu.memory_space<hbm>> -> memref<40x128xi32, #tpu.memory_space<hbm>>
      tpu.enqueue_dma source(%dma_start3A_83 : memref<40x128xi32, #tpu.memory_space<hbm>>) target(%arg6 : memref<40x128xi32, #tpu.memory_space<vmem>>) target_semaphore(%run_scoped3A : memref<!tpu.dma_semaphore, #tpu.memory_space<semaphore_mem>>)
      %dma_wait3A = arith.constant 0 : i32
      %dma_wait3A_84 = tpu.memref_slice %arg2[%arg0, %add3A_51, %dma_wait3A] : memref<2x1280x128xi32, #tpu.memory_space<hbm>> -> memref<1x40x128xi32, #tpu.memory_space<hbm>>
      %dma_wait3A_85 = tpu.memref_squeeze %dma_wait3A_84 : memref<1x40x128xi32, #tpu.memory_space<hbm>> -> memref<40x128xi32, #tpu.memory_space<hbm>>
      %dma_wait3A_86 = arith.constant 0 : i32
      %dma_wait3A_87 = tpu.memref_slice %arg2[%arg0, %add3A_51, %dma_wait3A_86] : memref<2x1280x128xi32, #tpu.memory_space<hbm>> -> memref<1x40x128xi32, #tpu.memory_space<hbm>>
      %dma_wait3A_88 = tpu.memref_squeeze %dma_wait3A_87 : memref<1x40x128xi32, #tpu.memory_space<hbm>> -> memref<40x128xi32, #tpu.memory_space<hbm>>
      tpu.wait_dma2 semaphore(%run_scoped3A : memref<!tpu.dma_semaphore, #tpu.memory_space<semaphore_mem>>) src(%dma_wait3A_88 : memref<40x128xi32, #tpu.memory_space<hbm>>) dst(%arg6 : memref<40x128xi32, #tpu.memory_space<vmem>>)
      tpu.yield
    }) : () -> ()
    "tpu.region"() ({
      %run_scoped3A = tpu.sem_alloc : memref<!tpu.dma_semaphore, #tpu.memory_space<semaphore_mem>>
      %dma_start3A_78 = arith.constant 0 : i32
      %dma_start3A_79 = tpu.memref_slice %arg3[%add3A_51, %dma_start3A_78] : memref<1280x128xi32, #tpu.memory_space<hbm>> -> memref<40x128xi32, #tpu.memory_space<hbm>>
      %dma_start3A_80 = arith.constant 0 : i32
      %dma_start3A_81 = tpu.memref_slice %arg3[%add3A_51, %dma_start3A_80] : memref<1280x128xi32, #tpu.memory_space<hbm>> -> memref<40x128xi32, #tpu.memory_space<hbm>>
      tpu.enqueue_dma source(%dma_start3A_81 : memref<40x128xi32, #tpu.memory_space<hbm>>) target(%arg7 : memref<40x128xi32, #tpu.memory_space<vmem>>) target_semaphore(%run_scoped3A : memref<!tpu.dma_semaphore, #tpu.memory_space<semaphore_mem>>)
      %dma_wait3A = arith.constant 0 : i32
      %dma_wait3A_82 = tpu.memref_slice %arg3[%add3A_51, %dma_wait3A] : memref<1280x128xi32, #tpu.memory_space<hbm>> -> memref<40x128xi32, #tpu.memory_space<hbm>>
      %dma_wait3A_83 = arith.constant 0 : i32
      %dma_wait3A_84 = tpu.memref_slice %arg3[%add3A_51, %dma_wait3A_83] : memref<1280x128xi32, #tpu.memory_space<hbm>> -> memref<40x128xi32, #tpu.memory_space<hbm>>
      tpu.wait_dma2 semaphore(%run_scoped3A : memref<!tpu.dma_semaphore, #tpu.memory_space<semaphore_mem>>) src(%dma_wait3A_84 : memref<40x128xi32, #tpu.memory_space<hbm>>) dst(%arg7 : memref<40x128xi32, #tpu.memory_space<vmem>>)
      tpu.yield
    }) : () -> ()
    %dma_start3A_52 = arith.constant 0 : i32
    %dma_start3A_53 = arith.constant 0 : i32
    %dma_start3A_54 = tpu.memref_slice %arg6[%dma_start3A_52, %dma_start3A_53] : memref<40x128xi32, #tpu.memory_space<vmem>> -> memref<1x128xi32, #tpu.memory_space<vmem>>
    %dma_start3A_55 = tpu.memref_squeeze %dma_start3A_54 : memref<1x128xi32, #tpu.memory_space<vmem>> -> memref<128xi32, #tpu.memory_space<vmem>>
    %dma_start3A_56 = arith.constant 0 : i32
    %dma_start3A_57 = arith.constant 0 : i32
    %dma_start3A_58 = tpu.memref_slice %arg4[%dma_start3A_56, %dma_start3A_57] : memref<20000x128xf32, #tpu.memory_space<hbm>> -> memref<20000x128xf32, #tpu.memory_space<hbm>>
    tpu.enqueue_indirect_dma source(%dma_start3A_58 : memref<20000x128xf32, #tpu.memory_space<hbm>>) target(%arg8 : memref<128x128xf32, #tpu.memory_space<vmem>>) offsets(%dma_start3A_55 : memref<128xi32, #tpu.memory_space<vmem>>) semaphore(%arg11 : memref<!tpu.dma_semaphore, #tpu.memory_space<semaphore_mem>>)
    %dma_start3A_59 = arith.constant 1 : i32
    %dma_start3A_60 = arith.constant 0 : i32
    %dma_start3A_61 = tpu.memref_slice %arg6[%dma_start3A_59, %dma_start3A_60] : memref<40x128xi32, #tpu.memory_space<vmem>> -> memref<1x128xi32, #tpu.memory_space<vmem>>
    %dma_start3A_62 = tpu.memref_squeeze %dma_start3A_61 : memref<1x128xi32, #tpu.memory_space<vmem>> -> memref<128xi32, #tpu.memory_space<vmem>>
    %dma_start3A_63 = arith.constant 0 : i32
    %dma_start3A_64 = arith.constant 0 : i32
    %dma_start3A_65 = tpu.memref_slice %arg4[%dma_start3A_63, %dma_start3A_64] : memref<20000x128xf32, #tpu.memory_space<hbm>> -> memref<20000x128xf32, #tpu.memory_space<hbm>>
    tpu.enqueue_indirect_dma source(%dma_start3A_65 : memref<20000x128xf32, #tpu.memory_space<hbm>>) target(%arg9 : memref<128x128xf32, #tpu.memory_space<vmem>>) offsets(%dma_start3A_62 : memref<128xi32, #tpu.memory_space<vmem>>) semaphore(%arg12 : memref<!tpu.dma_semaphore, #tpu.memory_space<semaphore_mem>>)
    %scan3A_66 = arith.constant 0 : i32
    %scan3A_67 = arith.constant 0 : i32
    %scan3A_68 = arith.constant 20 : i32
    %scan3A_69 = arith.addi %scan3A_67, %scan3A_68 : i32
    %scan3A_70 = arith.constant 1 : i32
    %scan3A_71 = scf.for %scan3A_78 = %scan3A_67 to %scan3A_69 step %scan3A_70 iter_args(%scan3A_79 = %scan3A_66) -> (i32)  : i32 {
      %mul3A_80 = arith.constant 2 : i32
      %mul3A_81 = arith.muli %mul3A_80, %scan3A_78 : i32
      %add3A_82 = arith.constant 0 : i32
      %add3A_83 = arith.addi %mul3A_81, %add3A_82 : i32
      %dma_wait3A = arith.constant 0 : i32
      %dma_wait3A_84 = tpu.memref_slice %arg6[%add3A_83, %dma_wait3A] : memref<40x128xi32, #tpu.memory_space<vmem>> -> memref<1x128xi32, #tpu.memory_space<vmem>>
      %dma_wait3A_85 = tpu.memref_squeeze %dma_wait3A_84 : memref<1x128xi32, #tpu.memory_space<vmem>> -> memref<128xi32, #tpu.memory_space<vmem>>
      %dma_wait3A_86 = arith.constant 0 : i32
      %dma_wait3A_87 = arith.constant 0 : i32
      %dma_wait3A_88 = tpu.memref_slice %arg4[%dma_wait3A_86, %dma_wait3A_87] : memref<20000x128xf32, #tpu.memory_space<hbm>> -> memref<20000x128xf32, #tpu.memory_space<hbm>>
      tpu.wait_indirect_dma semaphore(%arg11 : memref<!tpu.dma_semaphore, #tpu.memory_space<semaphore_mem>>) src(%dma_wait3A_88 : memref<20000x128xf32, #tpu.memory_space<hbm>>) dst(%arg8 : memref<128x128xf32, #tpu.memory_space<vmem>>)
      %dma_start3A_89 = arith.constant 0 : i32
      %dma_start3A_90 = tpu.memref_slice %arg7[%add3A_83, %dma_start3A_89] : memref<40x128xi32, #tpu.memory_space<vmem>> -> memref<1x128xi32, #tpu.memory_space<vmem>>
      %dma_start3A_91 = tpu.memref_squeeze %dma_start3A_90 : memref<1x128xi32, #tpu.memory_space<vmem>> -> memref<128xi32, #tpu.memory_space<vmem>>
      %dma_start3A_92 = arith.constant 0 : i32
      %dma_start3A_93 = arith.constant 0 : i32
      %dma_start3A_94 = tpu.memref_slice %arg10[%dma_start3A_92, %dma_start3A_93] : memref<10240x128xf32, #tpu.memory_space<vmem_shared>> -> memref<10240x128xf32, #tpu.memory_space<vmem_shared>>
      tpu.enqueue_indirect_dma source(%arg8 : memref<128x128xf32, #tpu.memory_space<vmem>>) target(%dma_start3A_94 : memref<10240x128xf32, #tpu.memory_space<vmem_shared>>) offsets(%dma_start3A_91 : memref<128xi32, #tpu.memory_space<vmem>>) semaphore(%arg13 : memref<!tpu.dma_semaphore, #tpu.memory_space<semaphore_mem>>) {add = true}
      %dma_wait3A_95 = arith.constant 0 : i32
      %dma_wait3A_96 = tpu.memref_slice %arg7[%add3A_83, %dma_wait3A_95] : memref<40x128xi32, #tpu.memory_space<vmem>> -> memref<1x128xi32, #tpu.memory_space<vmem>>
      %dma_wait3A_97 = tpu.memref_squeeze %dma_wait3A_96 : memref<1x128xi32, #tpu.memory_space<vmem>> -> memref<128xi32, #tpu.memory_space<vmem>>
      %dma_wait3A_98 = arith.constant 0 : i32
      %dma_wait3A_99 = arith.constant 0 : i32
      %dma_wait3A_100 = tpu.memref_slice %arg10[%dma_wait3A_98, %dma_wait3A_99] : memref<10240x128xf32, #tpu.memory_space<vmem_shared>> -> memref<10240x128xf32, #tpu.memory_space<vmem_shared>>
      tpu.wait_indirect_dma semaphore(%arg13 : memref<!tpu.dma_semaphore, #tpu.memory_space<semaphore_mem>>) src(%arg8 : memref<128x128xf32, #tpu.memory_space<vmem>>) dst(%dma_wait3A_100 : memref<10240x128xf32, #tpu.memory_space<vmem_shared>>)
      %lt3A = arith.constant 19 : i32
      %lt3A_101 = arith.cmpi slt, %scan3A_78, %lt3A : i32
      %convert_element_type3A = arith.extui %lt3A_101 : i1 to i32
      %cond3A = arith.constant 0 : i32
      %cond3A_102 = arith.cmpi ne, %convert_element_type3A, %cond3A : i32
      scf.if %cond3A_102 {
        %add3A_131 = arith.constant 2 : i32
        %add3A_132 = arith.addi %add3A_83, %add3A_131 : i32
        %dma_start3A_133 = arith.constant 0 : i32
        %dma_start3A_134 = tpu.memref_slice %arg6[%add3A_132, %dma_start3A_133] : memref<40x128xi32, #tpu.memory_space<vmem>> -> memref<1x128xi32, #tpu.memory_space<vmem>>
        %dma_start3A_135 = tpu.memref_squeeze %dma_start3A_134 : memref<1x128xi32, #tpu.memory_space<vmem>> -> memref<128xi32, #tpu.memory_space<vmem>>
        %dma_start3A_136 = arith.constant 0 : i32
        %dma_start3A_137 = arith.constant 0 : i32
        %dma_start3A_138 = tpu.memref_slice %arg4[%dma_start3A_136, %dma_start3A_137] : memref<20000x128xf32, #tpu.memory_space<hbm>> -> memref<20000x128xf32, #tpu.memory_space<hbm>>
        tpu.enqueue_indirect_dma source(%dma_start3A_138 : memref<20000x128xf32, #tpu.memory_space<hbm>>) target(%arg8 : memref<128x128xf32, #tpu.memory_space<vmem>>) offsets(%dma_start3A_135 : memref<128xi32, #tpu.memory_space<vmem>>) semaphore(%arg11 : memref<!tpu.dma_semaphore, #tpu.memory_space<semaphore_mem>>)
      } else {
      }
      %mul3A_103 = arith.constant 2 : i32
      %mul3A_104 = arith.muli %mul3A_103, %scan3A_78 : i32
      %add3A_105 = arith.constant 1 : i32
      %add3A_106 = arith.addi %mul3A_104, %add3A_105 : i32
      %dma_wait3A_107 = arith.constant 0 : i32
      %dma_wait3A_108 = tpu.memref_slice %arg6[%add3A_106, %dma_wait3A_107] : memref<40x128xi32, #tpu.memory_space<vmem>> -> memref<1x128xi32, #tpu.memory_space<vmem>>
      %dma_wait3A_109 = tpu.memref_squeeze %dma_wait3A_108 : memref<1x128xi32, #tpu.memory_space<vmem>> -> memref<128xi32, #tpu.memory_space<vmem>>
      %dma_wait3A_110 = arith.constant 0 : i32
      %dma_wait3A_111 = arith.constant 0 : i32
      %dma_wait3A_112 = tpu.memref_slice %arg4[%dma_wait3A_110, %dma_wait3A_111] : memref<20000x128xf32, #tpu.memory_space<hbm>> -> memref<20000x128xf32, #tpu.memory_space<hbm>>
      tpu.wait_indirect_dma semaphore(%arg12 : memref<!tpu.dma_semaphore, #tpu.memory_space<semaphore_mem>>) src(%dma_wait3A_112 : memref<20000x128xf32, #tpu.memory_space<hbm>>) dst(%arg9 : memref<128x128xf32, #tpu.memory_space<vmem>>)
      %dma_start3A_113 = arith.constant 0 : i32
      %dma_start3A_114 = tpu.memref_slice %arg7[%add3A_106, %dma_start3A_113] : memref<40x128xi32, #tpu.memory_space<vmem>> -> memref<1x128xi32, #tpu.memory_space<vmem>>
      %dma_start3A_115 = tpu.memref_squeeze %dma_start3A_114 : memref<1x128xi32, #tpu.memory_space<vmem>> -> memref<128xi32, #tpu.memory_space<vmem>>
      %dma_start3A_116 = arith.constant 0 : i32
      %dma_start3A_117 = arith.constant 0 : i32
      %dma_start3A_118 = tpu.memref_slice %arg10[%dma_start3A_116, %dma_start3A_117] : memref<10240x128xf32, #tpu.memory_space<vmem_shared>> -> memref<10240x128xf32, #tpu.memory_space<vmem_shared>>
      tpu.enqueue_indirect_dma source(%arg9 : memref<128x128xf32, #tpu.memory_space<vmem>>) target(%dma_start3A_118 : memref<10240x128xf32, #tpu.memory_space<vmem_shared>>) offsets(%dma_start3A_115 : memref<128xi32, #tpu.memory_space<vmem>>) semaphore(%arg14 : memref<!tpu.dma_semaphore, #tpu.memory_space<semaphore_mem>>) {add = true}
      %dma_wait3A_119 = arith.constant 0 : i32
      %dma_wait3A_120 = tpu.memref_slice %arg7[%add3A_106, %dma_wait3A_119] : memref<40x128xi32, #tpu.memory_space<vmem>> -> memref<1x128xi32, #tpu.memory_space<vmem>>
      %dma_wait3A_121 = tpu.memref_squeeze %dma_wait3A_120 : memref<1x128xi32, #tpu.memory_space<vmem>> -> memref<128xi32, #tpu.memory_space<vmem>>
      %dma_wait3A_122 = arith.constant 0 : i32
      %dma_wait3A_123 = arith.constant 0 : i32
      %dma_wait3A_124 = tpu.memref_slice %arg10[%dma_wait3A_122, %dma_wait3A_123] : memref<10240x128xf32, #tpu.memory_space<vmem_shared>> -> memref<10240x128xf32, #tpu.memory_space<vmem_shared>>
      tpu.wait_indirect_dma semaphore(%arg14 : memref<!tpu.dma_semaphore, #tpu.memory_space<semaphore_mem>>) src(%arg9 : memref<128x128xf32, #tpu.memory_space<vmem>>) dst(%dma_wait3A_124 : memref<10240x128xf32, #tpu.memory_space<vmem_shared>>)
      %lt3A_125 = arith.constant 19 : i32
      %lt3A_126 = arith.cmpi slt, %scan3A_78, %lt3A_125 : i32
      %convert_element_type3A_127 = arith.extui %lt3A_126 : i1 to i32
      %cond3A_128 = arith.constant 0 : i32
      %cond3A_129 = arith.cmpi ne, %convert_element_type3A_127, %cond3A_128 : i32
      scf.if %cond3A_129 {
        %add3A_131 = arith.constant 2 : i32
        %add3A_132 = arith.addi %add3A_106, %add3A_131 : i32
        %dma_start3A_133 = arith.constant 0 : i32
        %dma_start3A_134 = tpu.memref_slice %arg6[%add3A_132, %dma_start3A_133] : memref<40x128xi32, #tpu.memory_space<vmem>> -> memref<1x128xi32, #tpu.memory_space<vmem>>
        %dma_start3A_135 = tpu.memref_squeeze %dma_start3A_134 : memref<1x128xi32, #tpu.memory_space<vmem>> -> memref<128xi32, #tpu.memory_space<vmem>>
        %dma_start3A_136 = arith.constant 0 : i32
        %dma_start3A_137 = arith.constant 0 : i32
        %dma_start3A_138 = tpu.memref_slice %arg4[%dma_start3A_136, %dma_start3A_137] : memref<20000x128xf32, #tpu.memory_space<hbm>> -> memref<20000x128xf32, #tpu.memory_space<hbm>>
        tpu.enqueue_indirect_dma source(%dma_start3A_138 : memref<20000x128xf32, #tpu.memory_space<hbm>>) target(%arg9 : memref<128x128xf32, #tpu.memory_space<vmem>>) offsets(%dma_start3A_135 : memref<128xi32, #tpu.memory_space<vmem>>) semaphore(%arg12 : memref<!tpu.dma_semaphore, #tpu.memory_space<semaphore_mem>>)
      } else {
      }
      %scan3A_130 = arith.constant 0 : i32
      scf.yield %scan3A_130 : i32
    }
    %scan3A_72 = arith.constant 20 : i32
    %barrier3A_73 = arith.constant 0 : index
    tpu.barrier barrier_id(%barrier3A_73)
    %mul3A_74 = arith.constant 640 : i32
    %mul3A_75 = arith.muli %arg1, %mul3A_74 : i32
    %mul3A_76 = arith.constant 640 : i32
    %mul3A_77 = arith.muli %arg1, %mul3A_76 : i32
    "tpu.region"() ({
      %run_scoped3A = tpu.sem_alloc : memref<!tpu.dma_semaphore, #tpu.memory_space<semaphore_mem>>
      %dma_start3A_78 = arith.constant 0 : i32
      %dma_start3A_79 = tpu.memref_slice %arg5[%arg0, %mul3A_77, %dma_start3A_78] : memref<2x10240x128xf32, #tpu.memory_space<hbm>> -> memref<1x640x128xf32, #tpu.memory_space<hbm>>
      %dma_start3A_80 = tpu.memref_squeeze %dma_start3A_79 : memref<1x640x128xf32, #tpu.memory_space<hbm>> -> memref<640x128xf32, #tpu.memory_space<hbm>>
      %dma_start3A_81 = arith.constant 0 : i32
      %dma_start3A_82 = tpu.memref_slice %arg10[%mul3A_75, %dma_start3A_81] : memref<10240x128xf32, #tpu.memory_space<vmem_shared>> -> memref<640x128xf32, #tpu.memory_space<vmem_shared>>
      tpu.enqueue_dma source(%dma_start3A_82 : memref<640x128xf32, #tpu.memory_space<vmem_shared>>) target(%dma_start3A_80 : memref<640x128xf32, #tpu.memory_space<hbm>>) target_semaphore(%run_scoped3A : memref<!tpu.dma_semaphore, #tpu.memory_space<semaphore_mem>>)
      %dma_wait3A = arith.constant 0 : i32
      %dma_wait3A_83 = tpu.memref_slice %arg5[%arg0, %mul3A_77, %dma_wait3A] : memref<2x10240x128xf32, #tpu.memory_space<hbm>> -> memref<1x640x128xf32, #tpu.memory_space<hbm>>
      %dma_wait3A_84 = tpu.memref_squeeze %dma_wait3A_83 : memref<1x640x128xf32, #tpu.memory_space<hbm>> -> memref<640x128xf32, #tpu.memory_space<hbm>>
      %dma_wait3A_85 = arith.constant 0 : i32
      %dma_wait3A_86 = tpu.memref_slice %arg10[%mul3A_75, %dma_wait3A_85] : memref<10240x128xf32, #tpu.memory_space<vmem_shared>> -> memref<640x128xf32, #tpu.memory_space<vmem_shared>>
      tpu.wait_dma2 semaphore(%run_scoped3A : memref<!tpu.dma_semaphore, #tpu.memory_space<semaphore_mem>>) src(%dma_wait3A_86 : memref<640x128xf32, #tpu.memory_space<vmem_shared>>) dst(%dma_wait3A_84 : memref<640x128xf32, #tpu.memory_space<hbm>>)
      tpu.yield
    }) : () -> ()
    return
  }
}

#map = affine_map<(d0, d1) -> (0, 0)>
#map1 = affine_map<(d0, d1) -> (0)>
module attributes {stable_mosaic.version = 14 : i64} {
  func.func @_deg_body(%arg0: i32, %arg1: i32, %arg2: memref<1280x128xi32, #tpu.memory_space<hbm>>, %arg3: memref<10240xf32, #tpu.memory_space<hbm>>, %arg4: memref<10240xf32, #tpu.memory_space<hbm>>, %arg5: memref<40x128xi32, #tpu.memory_space<vmem>>, %arg6: memref<40x128xf32, #tpu.memory_space<vmem>>, %arg7: memref<128xf32, #tpu.memory_space<vmem>>, %arg8: memref<10240xf32, #tpu.memory_space<vmem_shared>>, %arg9: memref<!tpu.dma_semaphore, #tpu.memory_space<semaphore_mem>>) attributes {dimension_semantics = [#tpu.dimension_semantics<core_parallel>, #tpu.dimension_semantics<subcore_parallel>], iteration_bounds = array<i64: 2, 16>, scalar_prefetch = 0 : i64, scratch_operands = 5 : i64, tpu.core_type = #tpu.core_type<sc_vector_subcore>, window_params = [{transform_indices = #map}, {transform_indices = #map1}, {transform_indices = #map1}]} {
    %mul3A = arith.constant 16 : i32
    %mul3A_0 = arith.muli %arg0, %mul3A : i32
    %add3A = arith.addi %mul3A_0, %arg1 : i32
    %mul3A_1 = arith.constant 40 : i32
    %mul3A_2 = arith.muli %add3A, %mul3A_1 : i32
    "tpu.region"() ({
      %run_scoped3A = tpu.sem_alloc : memref<!tpu.dma_semaphore, #tpu.memory_space<semaphore_mem>>
      %dma_start3A_881 = arith.constant 0 : i32
      %dma_start3A_882 = tpu.memref_slice %arg2[%mul3A_2, %dma_start3A_881] : memref<1280x128xi32, #tpu.memory_space<hbm>> -> memref<40x128xi32, #tpu.memory_space<hbm>>
      %dma_start3A_883 = arith.constant 0 : i32
      %dma_start3A_884 = tpu.memref_slice %arg2[%mul3A_2, %dma_start3A_883] : memref<1280x128xi32, #tpu.memory_space<hbm>> -> memref<40x128xi32, #tpu.memory_space<hbm>>
      tpu.enqueue_dma source(%dma_start3A_884 : memref<40x128xi32, #tpu.memory_space<hbm>>) target(%arg5 : memref<40x128xi32, #tpu.memory_space<vmem>>) target_semaphore(%run_scoped3A : memref<!tpu.dma_semaphore, #tpu.memory_space<semaphore_mem>>)
      %dma_wait3A_885 = arith.constant 0 : i32
      %dma_wait3A_886 = tpu.memref_slice %arg2[%mul3A_2, %dma_wait3A_885] : memref<1280x128xi32, #tpu.memory_space<hbm>> -> memref<40x128xi32, #tpu.memory_space<hbm>>
      %dma_wait3A_887 = arith.constant 0 : i32
      %dma_wait3A_888 = tpu.memref_slice %arg2[%mul3A_2, %dma_wait3A_887] : memref<1280x128xi32, #tpu.memory_space<hbm>> -> memref<40x128xi32, #tpu.memory_space<hbm>>
      tpu.wait_dma2 semaphore(%run_scoped3A : memref<!tpu.dma_semaphore, #tpu.memory_space<semaphore_mem>>) src(%dma_wait3A_888 : memref<40x128xi32, #tpu.memory_space<hbm>>) dst(%arg5 : memref<40x128xi32, #tpu.memory_space<vmem>>)
      tpu.yield
    }) : () -> ()
    %scan3A = arith.constant 0 : i32
    %scan3A_3 = arith.constant 0 : i32
    %scan3A_4 = arith.constant 320 : i32
    %scan3A_5 = arith.addi %scan3A_3, %scan3A_4 : i32
    %scan3A_6 = arith.constant 1 : i32
    %scan3A_7 = scf.for %scan3A_881 = %scan3A_3 to %scan3A_5 step %scan3A_6 iter_args(%scan3A_882 = %scan3A) -> (i32)  : i32 {
      %jit3A = arith.constant 8 : i32
      %div3A = arith.divsi %scan3A_881, %jit3A : i32
      %sign3A = arith.constant 0 : i32
      %sign3A_883 = arith.cmpi sgt, %scan3A_881, %sign3A : i32
      %sign3A_884 = arith.extui %sign3A_883 : i1 to i32
      %sign3A_885 = arith.constant 0 : i32
      %sign3A_886 = arith.cmpi slt, %scan3A_881, %sign3A_885 : i32
      %sign3A_887 = arith.extui %sign3A_886 : i1 to i32
      %sign3A_888 = arith.subi %sign3A_884, %sign3A_887 : i32
      %sign3A_889 = arith.constant 0 : i32
      %sign3A_890 = arith.cmpi sgt, %jit3A, %sign3A_889 : i32
      %sign3A_891 = arith.extui %sign3A_890 : i1 to i32
      %sign3A_892 = arith.constant 0 : i32
      %sign3A_893 = arith.cmpi slt, %jit3A, %sign3A_892 : i32
      %sign3A_894 = arith.extui %sign3A_893 : i1 to i32
      %sign3A_895 = arith.subi %sign3A_891, %sign3A_894 : i32
      %ne3A = arith.cmpi ne, %sign3A_888, %sign3A_895 : i32
      %rem3A = arith.remsi %scan3A_881, %jit3A : i32
      %ne3A_896 = arith.constant 0 : i32
      %ne3A_897 = arith.cmpi ne, %rem3A, %ne3A_896 : i32
      %and3A = arith.andi %ne3A, %ne3A_897 : i1
      %sub3A = arith.constant 1 : i32
      %sub3A_898 = arith.subi %div3A, %sub3A : i32
      %select_n3A = arith.select %and3A, %sub3A_898, %div3A : i32
      %jit3A_899 = arith.constant 8 : i32
      %eq3A_900 = arith.constant 0 : i32
      %eq3A_901 = arith.cmpi eq, %jit3A_899, %eq3A_900 : i32
      %jit3A_902 = arith.constant 1 : i32
      %select_n3A_903 = arith.select %eq3A_901, %jit3A_902, %jit3A_899 : i32
      %rem3A_904 = arith.remsi %scan3A_881, %select_n3A_903 : i32
      %ne3A_905 = arith.constant 0 : i32
      %ne3A_906 = arith.cmpi ne, %rem3A_904, %ne3A_905 : i32
      %lt3A = arith.constant 0 : i32
      %lt3A_907 = arith.cmpi slt, %rem3A_904, %lt3A : i32
      %lt3A_908 = arith.constant 0 : i32
      %lt3A_909 = arith.cmpi slt, %select_n3A_903, %lt3A_908 : i32
      %ne3A_910 = arith.xori %lt3A_907, %lt3A_909 : i1
      %and3A_911 = arith.andi %ne3A_910, %ne3A_906 : i1
      %add3A_912 = arith.addi %rem3A_904, %select_n3A_903 : i32
      %select_n3A_913 = arith.select %and3A_911, %add3A_912, %rem3A_904 : i32
      %mul3A_914 = arith.constant 16 : i32
      %mul3A_915 = arith.muli %select_n3A_913, %mul3A_914 : i32
      %broadcast_in_dim3A_916 = arith.constant 1.000000e+00 : f32
      %broadcast_in_dim3A_917 = vector.broadcast %broadcast_in_dim3A_916 : f32 to vector<16xf32>
      %swap3A_918 = arith.index_cast %select_n3A : i32 to index
      %swap3A_919 = arith.index_cast %mul3A_915 : i32 to index
      %swap3A_920 = tpu.vector_load %arg6[%swap3A_918, %swap3A_919] {strides = array<i32>} : memref<40x128xf32, #tpu.memory_space<vmem>>, vector<1x16xf32>,
      %swap3A_921 = vector.shape_cast %swap3A_920 : vector<1x16xf32> to vector<16xf32>
      %swap3A_922 = vector.shape_cast %broadcast_in_dim3A_917 : vector<16xf32> to vector<1x16xf32>
      tpu.vector_store %arg6[%swap3A_918, %swap3A_919], %swap3A_922 {strides = array<i32>} : memref<40x128xf32, #tpu.memory_space<vmem>>, vector<1x16xf32>,
      %scan3A_923 = arith.constant 0 : i32
      scf.yield %scan3A_923 : i32
    }
    %scan3A_8 = arith.constant 320 : i32
    %broadcast_in_dim3A = arith.constant 0.000000e+00 : f32
    %broadcast_in_dim3A_9 = vector.broadcast %broadcast_in_dim3A : f32 to vector<16xf32>
    %swap3A = arith.constant 0 : index
    %swap3A_10 = tpu.vector_load %arg7[%swap3A] {strides = array<i32>} : memref<128xf32, #tpu.memory_space<vmem>>, vector<16xf32>,
    %swap3A_11 = vector.shape_cast %swap3A_10 : vector<16xf32> to vector<16xf32>
    %swap3A_12 = vector.shape_cast %broadcast_in_dim3A_9 : vector<16xf32> to vector<16xf32>
    tpu.vector_store %arg7[%swap3A], %swap3A_12 {strides = array<i32>} : memref<128xf32, #tpu.memory_space<vmem>>, vector<16xf32>,
    %broadcast_in_dim3A_13 = arith.constant 0.000000e+00 : f32
    %broadcast_in_dim3A_14 = vector.broadcast %broadcast_in_dim3A_13 : f32 to vector<16xf32>
    %swap3A_15 = arith.constant 16 : index
    %swap3A_16 = tpu.vector_load %arg7[%swap3A_15] {strides = array<i32>} : memref<128xf32, #tpu.memory_space<vmem>>, vector<16xf32>,
    %swap3A_17 = vector.shape_cast %swap3A_16 : vector<16xf32> to vector<16xf32>
    %swap3A_18 = vector.shape_cast %broadcast_in_dim3A_14 : vector<16xf32> to vector<16xf32>
    tpu.vector_store %arg7[%swap3A_15], %swap3A_18 {strides = array<i32>} : memref<128xf32, #tpu.memory_space<vmem>>, vector<16xf32>,
    %broadcast_in_dim3A_19 = arith.constant 0.000000e+00 : f32
    %broadcast_in_dim3A_20 = vector.broadcast %broadcast_in_dim3A_19 : f32 to vector<16xf32>
    %swap3A_21 = arith.constant 32 : index
    %swap3A_22 = tpu.vector_load %arg7[%swap3A_21] {strides = array<i32>} : memref<128xf32, #tpu.memory_space<vmem>>, vector<16xf32>,
    %swap3A_23 = vector.shape_cast %swap3A_22 : vector<16xf32> to vector<16xf32>
    %swap3A_24 = vector.shape_cast %broadcast_in_dim3A_20 : vector<16xf32> to vector<16xf32>
    tpu.vector_store %arg7[%swap3A_21], %swap3A_24 {strides = array<i32>} : memref<128xf32, #tpu.memory_space<vmem>>, vector<16xf32>,
    %broadcast_in_dim3A_25 = arith.constant 0.000000e+00 : f32
    %broadcast_in_dim3A_26 = vector.broadcast %broadcast_in_dim3A_25 : f32 to vector<16xf32>
    %swap3A_27 = arith.constant 48 : index
    %swap3A_28 = tpu.vector_load %arg7[%swap3A_27] {strides = array<i32>} : memref<128xf32, #tpu.memory_space<vmem>>, vector<16xf32>,
    %swap3A_29 = vector.shape_cast %swap3A_28 : vector<16xf32> to vector<16xf32>
    %swap3A_30 = vector.shape_cast %broadcast_in_dim3A_26 : vector<16xf32> to vector<16xf32>
    tpu.vector_store %arg7[%swap3A_27], %swap3A_30 {strides = array<i32>} : memref<128xf32, #tpu.memory_space<vmem>>, vector<16xf32>,
    %broadcast_in_dim3A_31 = arith.constant 0.000000e+00 : f32
    %broadcast_in_dim3A_32 = vector.broadcast %broadcast_in_dim3A_31 : f32 to vector<16xf32>
    %swap3A_33 = arith.constant 64 : index
    %swap3A_34 = tpu.vector_load %arg7[%swap3A_33] {strides = array<i32>} : memref<128xf32, #tpu.memory_space<vmem>>, vector<16xf32>,
    %swap3A_35 = vector.shape_cast %swap3A_34 : vector<16xf32> to vector<16xf32>
    %swap3A_36 = vector.shape_cast %broadcast_in_dim3A_32 : vector<16xf32> to vector<16xf32>
    tpu.vector_store %arg7[%swap3A_33], %swap3A_36 {strides = array<i32>} : memref<128xf32, #tpu.memory_space<vmem>>, vector<16xf32>,
    %broadcast_in_dim3A_37 = arith.constant 0.000000e+00 : f32
    %broadcast_in_dim3A_38 = vector.broadcast %broadcast_in_dim3A_37 : f32 to vector<16xf32>
    %swap3A_39 = arith.constant 80 : index
    %swap3A_40 = tpu.vector_load %arg7[%swap3A_39] {strides = array<i32>} : memref<128xf32, #tpu.memory_space<vmem>>, vector<16xf32>,
    %swap3A_41 = vector.shape_cast %swap3A_40 : vector<16xf32> to vector<16xf32>
    %swap3A_42 = vector.shape_cast %broadcast_in_dim3A_38 : vector<16xf32> to vector<16xf32>
    tpu.vector_store %arg7[%swap3A_39], %swap3A_42 {strides = array<i32>} : memref<128xf32, #tpu.memory_space<vmem>>, vector<16xf32>,
    %broadcast_in_dim3A_43 = arith.constant 0.000000e+00 : f32
    %broadcast_in_dim3A_44 = vector.broadcast %broadcast_in_dim3A_43 : f32 to vector<16xf32>
    %swap3A_45 = arith.constant 96 : index
    %swap3A_46 = tpu.vector_load %arg7[%swap3A_45] {strides = array<i32>} : memref<128xf32, #tpu.memory_space<vmem>>, vector<16xf32>,
    %swap3A_47 = vector.shape_cast %swap3A_46 : vector<16xf32> to vector<16xf32>
    %swap3A_48 = vector.shape_cast %broadcast_in_dim3A_44 : vector<16xf32> to vector<16xf32>
    tpu.vector_store %arg7[%swap3A_45], %swap3A_48 {strides = array<i32>} : memref<128xf32, #tpu.memory_space<vmem>>, vector<16xf32>,
    %broadcast_in_dim3A_49 = arith.constant 0.000000e+00 : f32
    %broadcast_in_dim3A_50 = vector.broadcast %broadcast_in_dim3A_49 : f32 to vector<16xf32>
    %swap3A_51 = arith.constant 112 : index
    %swap3A_52 = tpu.vector_load %arg7[%swap3A_51] {strides = array<i32>} : memref<128xf32, #tpu.memory_space<vmem>>, vector<16xf32>,
    %swap3A_53 = vector.shape_cast %swap3A_52 : vector<16xf32> to vector<16xf32>
    %swap3A_54 = vector.shape_cast %broadcast_in_dim3A_50 : vector<16xf32> to vector<16xf32>
    tpu.vector_store %arg7[%swap3A_51], %swap3A_54 {strides = array<i32>} : memref<128xf32, #tpu.memory_space<vmem>>, vector<16xf32>,
    %mul3A_55 = arith.constant 640 : i32
    %mul3A_56 = arith.muli %arg1, %mul3A_55 : i32
    %add3A_57 = arith.constant 0 : i32
    %add3A_58 = arith.addi %mul3A_56, %add3A_57 : i32
    "tpu.region"() ({
      %run_scoped3A = tpu.sem_alloc : memref<!tpu.dma_semaphore, #tpu.memory_space<semaphore_mem>>
      %dma_start3A_881 = arith.constant 0 : i32
      %dma_start3A_882 = tpu.memref_slice %arg7[%dma_start3A_881] : memref<128xf32, #tpu.memory_space<vmem>> -> memref<128xf32, #tpu.memory_space<vmem>>
      %dma_start3A_883 = tpu.memref_slice %arg8[%add3A_58] : memref<10240xf32, #tpu.memory_space<vmem_shared>> -> memref<128xf32, #tpu.memory_space<vmem_shared>>
      %dma_start3A_884 = tpu.memref_slice %arg8[%add3A_58] : memref<10240xf32, #tpu.memory_space<vmem_shared>> -> memref<128xf32, #tpu.memory_space<vmem_shared>>
      %dma_start3A_885 = arith.constant 0 : i32
      %dma_start3A_886 = tpu.memref_slice %arg7[%dma_start3A_885] : memref<128xf32, #tpu.memory_space<vmem>> -> memref<128xf32, #tpu.memory_space<vmem>>
      tpu.enqueue_dma source(%dma_start3A_886 : memref<128xf32, #tpu.memory_space<vmem>>) target(%dma_start3A_884 : memref<128xf32, #tpu.memory_space<vmem_shared>>) target_semaphore(%run_scoped3A : memref<!tpu.dma_semaphore, #tpu.memory_space<semaphore_mem>>)
      %dma_wait3A_887 = arith.constant 0 : i32
      %dma_wait3A_888 = tpu.memref_slice %arg7[%dma_wait3A_887] : memref<128xf32, #tpu.memory_space<vmem>> -> memref<128xf32, #tpu.memory_space<vmem>>
      %dma_wait3A_889 = tpu.memref_slice %arg8[%add3A_58] : memref<10240xf32, #tpu.memory_space<vmem_shared>> -> memref<128xf32, #tpu.memory_space<vmem_shared>>
      %dma_wait3A_890 = tpu.memref_slice %arg8[%add3A_58] : memref<10240xf32, #tpu.memory_space<vmem_shared>> -> memref<128xf32, #tpu.memory_space<vmem_shared>>
      %dma_wait3A_891 = arith.constant 0 : i32
      %dma_wait3A_892 = tpu.memref_slice %arg7[%dma_wait3A_891] : memref<128xf32, #tpu.memory_space<vmem>> -> memref<128xf32, #tpu.memory_space<vmem>>
      tpu.wait_dma2 semaphore(%run_scoped3A : memref<!tpu.dma_semaphore, #tpu.memory_space<semaphore_mem>>) src(%dma_wait3A_892 : memref<128xf32, #tpu.memory_space<vmem>>) dst(%dma_wait3A_890 : memref<128xf32, #tpu.memory_space<vmem_shared>>)
      tpu.yield
    }) : () -> ()
    %mul3A_59 = arith.constant 640 : i32
    %mul3A_60 = arith.muli %arg1, %mul3A_59 : i32
    %add3A_61 = arith.constant 128 : i32
    %add3A_62 = arith.addi %mul3A_60, %add3A_61 : i32
    "tpu.region"() ({
      %run_scoped3A = tpu.sem_alloc : memref<!tpu.dma_semaphore, #tpu.memory_space<semaphore_mem>>
      %dma_start3A_881 = arith.constant 0 : i32
      %dma_start3A_882 = tpu.memref_slice %arg7[%dma_start3A_881] : memref<128xf32, #tpu.memory_space<vmem>> -> memref<128xf32, #tpu.memory_space<vmem>>
      %dma_start3A_883 = tpu.memref_slice %arg8[%add3A_62] : memref<10240xf32, #tpu.memory_space<vmem_shared>> -> memref<128xf32, #tpu.memory_space<vmem_shared>>
      %dma_start3A_884 = tpu.memref_slice %arg8[%add3A_62] : memref<10240xf32, #tpu.memory_space<vmem_shared>> -> memref<128xf32, #tpu.memory_space<vmem_shared>>
      %dma_start3A_885 = arith.constant 0 : i32
      %dma_start3A_886 = tpu.memref_slice %arg7[%dma_start3A_885] : memref<128xf32, #tpu.memory_space<vmem>> -> memref<128xf32, #tpu.memory_space<vmem>>
      tpu.enqueue_dma source(%dma_start3A_886 : memref<128xf32, #tpu.memory_space<vmem>>) target(%dma_start3A_884 : memref<128xf32, #tpu.memory_space<vmem_shared>>) target_semaphore(%run_scoped3A : memref<!tpu.dma_semaphore, #tpu.memory_space<semaphore_mem>>)
      %dma_wait3A_887 = arith.constant 0 : i32
      %dma_wait3A_888 = tpu.memref_slice %arg7[%dma_wait3A_887] : memref<128xf32, #tpu.memory_space<vmem>> -> memref<128xf32, #tpu.memory_space<vmem>>
      %dma_wait3A_889 = tpu.memref_slice %arg8[%add3A_62] : memref<10240xf32, #tpu.memory_space<vmem_shared>> -> memref<128xf32, #tpu.memory_space<vmem_shared>>
      %dma_wait3A_890 = tpu.memref_slice %arg8[%add3A_62] : memref<10240xf32, #tpu.memory_space<vmem_shared>> -> memref<128xf32, #tpu.memory_space<vmem_shared>>
      %dma_wait3A_891 = arith.constant 0 : i32
      %dma_wait3A_892 = tpu.memref_slice %arg7[%dma_wait3A_891] : memref<128xf32, #tpu.memory_space<vmem>> -> memref<128xf32, #tpu.memory_space<vmem>>
      tpu.wait_dma2 semaphore(%run_scoped3A : memref<!tpu.dma_semaphore, #tpu.memory_space<semaphore_mem>>) src(%dma_wait3A_892 : memref<128xf32, #tpu.memory_space<vmem>>) dst(%dma_wait3A_890 : memref<128xf32, #tpu.memory_space<vmem_shared>>)
      tpu.yield
    }) : () -> ()
    %mul3A_63 = arith.constant 640 : i32
    %mul3A_64 = arith.muli %arg1, %mul3A_63 : i32
    %add3A_65 = arith.constant 256 : i32
    %add3A_66 = arith.addi %mul3A_64, %add3A_65 : i32
    "tpu.region"() ({
      %run_scoped3A = tpu.sem_alloc : memref<!tpu.dma_semaphore, #tpu.memory_space<semaphore_mem>>
      %dma_start3A_881 = arith.constant 0 : i32
      %dma_start3A_882 = tpu.memref_slice %arg7[%dma_start3A_881] : memref<128xf32, #tpu.memory_space<vmem>> -> memref<128xf32, #tpu.memory_space<vmem>>
      %dma_start3A_883 = tpu.memref_slice %arg8[%add3A_66] : memref<10240xf32, #tpu.memory_space<vmem_shared>> -> memref<128xf32, #tpu.memory_space<vmem_shared>>
      %dma_start3A_884 = tpu.memref_slice %arg8[%add3A_66] : memref<10240xf32, #tpu.memory_space<vmem_shared>> -> memref<128xf32, #tpu.memory_space<vmem_shared>>
      %dma_start3A_885 = arith.constant 0 : i32
      %dma_start3A_886 = tpu.memref_slice %arg7[%dma_start3A_885] : memref<128xf32, #tpu.memory_space<vmem>> -> memref<128xf32, #tpu.memory_space<vmem>>
      tpu.enqueue_dma source(%dma_start3A_886 : memref<128xf32, #tpu.memory_space<vmem>>) target(%dma_start3A_884 : memref<128xf32, #tpu.memory_space<vmem_shared>>) target_semaphore(%run_scoped3A : memref<!tpu.dma_semaphore, #tpu.memory_space<semaphore_mem>>)
      %dma_wait3A_887 = arith.constant 0 : i32
      %dma_wait3A_888 = tpu.memref_slice %arg7[%dma_wait3A_887] : memref<128xf32, #tpu.memory_space<vmem>> -> memref<128xf32, #tpu.memory_space<vmem>>
      %dma_wait3A_889 = tpu.memref_slice %arg8[%add3A_66] : memref<10240xf32, #tpu.memory_space<vmem_shared>> -> memref<128xf32, #tpu.memory_space<vmem_shared>>
      %dma_wait3A_890 = tpu.memref_slice %arg8[%add3A_66] : memref<10240xf32, #tpu.memory_space<vmem_shared>> -> memref<128xf32, #tpu.memory_space<vmem_shared>>
      %dma_wait3A_891 = arith.constant 0 : i32
      %dma_wait3A_892 = tpu.memref_slice %arg7[%dma_wait3A_891] : memref<128xf32, #tpu.memory_space<vmem>> -> memref<128xf32, #tpu.memory_space<vmem>>
      tpu.wait_dma2 semaphore(%run_scoped3A : memref<!tpu.dma_semaphore, #tpu.memory_space<semaphore_mem>>) src(%dma_wait3A_892 : memref<128xf32, #tpu.memory_space<vmem>>) dst(%dma_wait3A_890 : memref<128xf32, #tpu.memory_space<vmem_shared>>)
      tpu.yield
    }) : () -> ()
    %mul3A_67 = arith.constant 640 : i32
    %mul3A_68 = arith.muli %arg1, %mul3A_67 : i32
    %add3A_69 = arith.constant 384 : i32
    %add3A_70 = arith.addi %mul3A_68, %add3A_69 : i32
    "tpu.region"() ({
      %run_scoped3A = tpu.sem_alloc : memref<!tpu.dma_semaphore, #tpu.memory_space<semaphore_mem>>
      %dma_start3A_881 = arith.constant 0 : i32
      %dma_start3A_882 = tpu.memref_slice %arg7[%dma_start3A_881] : memref<128xf32, #tpu.memory_space<vmem>> -> memref<128xf32, #tpu.memory_space<vmem>>
      %dma_start3A_883 = tpu.memref_slice %arg8[%add3A_70] : memref<10240xf32, #tpu.memory_space<vmem_shared>> -> memref<128xf32, #tpu.memory_space<vmem_shared>>
      %dma_start3A_884 = tpu.memref_slice %arg8[%add3A_70] : memref<10240xf32, #tpu.memory_space<vmem_shared>> -> memref<128xf32, #tpu.memory_space<vmem_shared>>
      %dma_start3A_885 = arith.constant 0 : i32
      %dma_start3A_886 = tpu.memref_slice %arg7[%dma_start3A_885] : memref<128xf32, #tpu.memory_space<vmem>> -> memref<128xf32, #tpu.memory_space<vmem>>
      tpu.enqueue_dma source(%dma_start3A_886 : memref<128xf32, #tpu.memory_space<vmem>>) target(%dma_start3A_884 : memref<128xf32, #tpu.memory_space<vmem_shared>>) target_semaphore(%run_scoped3A : memref<!tpu.dma_semaphore, #tpu.memory_space<semaphore_mem>>)
      %dma_wait3A_887 = arith.constant 0 : i32
      %dma_wait3A_888 = tpu.memref_slice %arg7[%dma_wait3A_887] : memref<128xf32, #tpu.memory_space<vmem>> -> memref<128xf32, #tpu.memory_space<vmem>>
      %dma_wait3A_889 = tpu.memref_slice %arg8[%add3A_70] : memref<10240xf32, #tpu.memory_space<vmem_shared>> -> memref<128xf32, #tpu.memory_space<vmem_shared>>
      %dma_wait3A_890 = tpu.memref_slice %arg8[%add3A_70] : memref<10240xf32, #tpu.memory_space<vmem_shared>> -> memref<128xf32, #tpu.memory_space<vmem_shared>>
      %dma_wait3A_891 = arith.constant 0 : i32
      %dma_wait3A_892 = tpu.memref_slice %arg7[%dma_wait3A_891] : memref<128xf32, #tpu.memory_space<vmem>> -> memref<128xf32, #tpu.memory_space<vmem>>
      tpu.wait_dma2 semaphore(%run_scoped3A : memref<!tpu.dma_semaphore, #tpu.memory_space<semaphore_mem>>) src(%dma_wait3A_892 : memref<128xf32, #tpu.memory_space<vmem>>) dst(%dma_wait3A_890 : memref<128xf32, #tpu.memory_space<vmem_shared>>)
      tpu.yield
    }) : () -> ()
    %mul3A_71 = arith.constant 640 : i32
    %mul3A_72 = arith.muli %arg1, %mul3A_71 : i32
    %add3A_73 = arith.constant 512 : i32
    %add3A_74 = arith.addi %mul3A_72, %add3A_73 : i32
    "tpu.region"() ({
      %run_scoped3A = tpu.sem_alloc : memref<!tpu.dma_semaphore, #tpu.memory_space<semaphore_mem>>
      %dma_start3A_881 = arith.constant 0 : i32
      %dma_start3A_882 = tpu.memref_slice %arg7[%dma_start3A_881] : memref<128xf32, #tpu.memory_space<vmem>> -> memref<128xf32, #tpu.memory_space<vmem>>
      %dma_start3A_883 = tpu.memref_slice %arg8[%add3A_74] : memref<10240xf32, #tpu.memory_space<vmem_shared>> -> memref<128xf32, #tpu.memory_space<vmem_shared>>
      %dma_start3A_884 = tpu.memref_slice %arg8[%add3A_74] : memref<10240xf32, #tpu.memory_space<vmem_shared>> -> memref<128xf32, #tpu.memory_space<vmem_shared>>
      %dma_start3A_885 = arith.constant 0 : i32
      %dma_start3A_886 = tpu.memref_slice %arg7[%dma_start3A_885] : memref<128xf32, #tpu.memory_space<vmem>> -> memref<128xf32, #tpu.memory_space<vmem>>
      tpu.enqueue_dma source(%dma_start3A_886 : memref<128xf32, #tpu.memory_space<vmem>>) target(%dma_start3A_884 : memref<128xf32, #tpu.memory_space<vmem_shared>>) target_semaphore(%run_scoped3A : memref<!tpu.dma_semaphore, #tpu.memory_space<semaphore_mem>>)
      %dma_wait3A_887 = arith.constant 0 : i32
      %dma_wait3A_888 = tpu.memref_slice %arg7[%dma_wait3A_887] : memref<128xf32, #tpu.memory_space<vmem>> -> memref<128xf32, #tpu.memory_space<vmem>>
      %dma_wait3A_889 = tpu.memref_slice %arg8[%add3A_74] : memref<10240xf32, #tpu.memory_space<vmem_shared>> -> memref<128xf32, #tpu.memory_space<vmem_shared>>
      %dma_wait3A_890 = tpu.memref_slice %arg8[%add3A_74] : memref<10240xf32, #tpu.memory_space<vmem_shared>> -> memref<128xf32, #tpu.memory_space<vmem_shared>>
      %dma_wait3A_891 = arith.constant 0 : i32
      %dma_wait3A_892 = tpu.memref_slice %arg7[%dma_wait3A_891] : memref<128xf32, #tpu.memory_space<vmem>> -> memref<128xf32, #tpu.memory_space<vmem>>
      tpu.wait_dma2 semaphore(%run_scoped3A : memref<!tpu.dma_semaphore, #tpu.memory_space<semaphore_mem>>) src(%dma_wait3A_892 : memref<128xf32, #tpu.memory_space<vmem>>) dst(%dma_wait3A_890 : memref<128xf32, #tpu.memory_space<vmem_shared>>)
      tpu.yield
    }) : () -> ()
    %barrier3A = arith.constant 0 : index
    tpu.barrier barrier_id(%barrier3A)
    %dma_start3A = arith.constant 0 : i32
    %dma_start3A_75 = arith.constant 0 : i32
    %dma_start3A_76 = arith.constant 0 : i32
    %dma_start3A_77 = tpu.memref_slice %arg6[%dma_start3A, %dma_start3A_76] : memref<40x128xf32, #tpu.memory_space<vmem>> -> memref<1x128xf32, #tpu.memory_space<vmem>>
    %dma_start3A_78 = tpu.memref_squeeze %dma_start3A_77 : memref<1x128xf32, #tpu.memory_space<vmem>> -> memref<128xf32, #tpu.memory_space<vmem>>
    %dma_start3A_79 = arith.constant 0 : i32
    %dma_start3A_80 = tpu.memref_slice %arg5[%dma_start3A_75, %dma_start3A_79] : memref<40x128xi32, #tpu.memory_space<vmem>> -> memref<1x128xi32, #tpu.memory_space<vmem>>
    %dma_start3A_81 = tpu.memref_squeeze %dma_start3A_80 : memref<1x128xi32, #tpu.memory_space<vmem>> -> memref<128xi32, #tpu.memory_space<vmem>>
    %dma_start3A_82 = arith.constant 0 : i32
    %dma_start3A_83 = tpu.memref_slice %arg8[%dma_start3A_82] : memref<10240xf32, #tpu.memory_space<vmem_shared>> -> memref<10240xf32, #tpu.memory_space<vmem_shared>>
    tpu.enqueue_indirect_dma source(%dma_start3A_78 : memref<128xf32, #tpu.memory_space<vmem>>) target(%dma_start3A_83 : memref<10240xf32, #tpu.memory_space<vmem_shared>>) offsets(%dma_start3A_81 : memref<128xi32, #tpu.memory_space<vmem>>) semaphore(%arg9 : memref<!tpu.dma_semaphore, #tpu.memory_space<semaphore_mem>>) {add = true}
    %dma_start3A_84 = arith.constant 1 : i32
    %dma_start3A_85 = arith.constant 1 : i32
    %dma_start3A_86 = arith.constant 0 : i32
    %dma_start3A_87 = tpu.memref_slice %arg6[%dma_start3A_84, %dma_start3A_86] : memref<40x128xf32, #tpu.memory_space<vmem>> -> memref<1x128xf32, #tpu.memory_space<vmem>>
    %dma_start3A_88 = tpu.memref_squeeze %dma_start3A_87 : memref<1x128xf32, #tpu.memory_space<vmem>> -> memref<128xf32, #tpu.memory_space<vmem>>
    %dma_start3A_89 = arith.constant 0 : i32
    %dma_start3A_90 = tpu.memref_slice %arg5[%dma_start3A_85, %dma_start3A_89] : memref<40x128xi32, #tpu.memory_space<vmem>> -> memref<1x128xi32, #tpu.memory_space<vmem>>
    %dma_start3A_91 = tpu.memref_squeeze %dma_start3A_90 : memref<1x128xi32, #tpu.memory_space<vmem>> -> memref<128xi32, #tpu.memory_space<vmem>>
    %dma_start3A_92 = arith.constant 0 : i32
    %dma_start3A_93 = tpu.memref_slice %arg8[%dma_start3A_92] : memref<10240xf32, #tpu.memory_space<vmem_shared>> -> memref<10240xf32, #tpu.memory_space<vmem_shared>>
    tpu.enqueue_indirect_dma source(%dma_start3A_88 : memref<128xf32, #tpu.memory_space<vmem>>) target(%dma_start3A_93 : memref<10240xf32, #tpu.memory_space<vmem_shared>>) offsets(%dma_start3A_91 : memref<128xi32, #tpu.memory_space<vmem>>) semaphore(%arg9 : memref<!tpu.dma_semaphore, #tpu.memory_space<semaphore_mem>>) {add = true}
    %dma_start3A_94 = arith.constant 2 : i32
    %dma_start3A_95 = arith.constant 2 : i32
    %dma_start3A_96 = arith.constant 0 : i32
    %dma_start3A_97 = tpu.memref_slice %arg6[%dma_start3A_94, %dma_start3A_96] : memref<40x128xf32, #tpu.memory_space<vmem>> -> memref<1x128xf32, #tpu.memory_space<vmem>>
    %dma_start3A_98 = tpu.memref_squeeze %dma_start3A_97 : memref<1x128xf32, #tpu.memory_space<vmem>> -> memref<128xf32, #tpu.memory_space<vmem>>
    %dma_start3A_99 = arith.constant 0 : i32
    %dma_start3A_100 = tpu.memref_slice %arg5[%dma_start3A_95, %dma_start3A_99] : memref<40x128xi32, #tpu.memory_space<vmem>> -> memref<1x128xi32, #tpu.memory_space<vmem>>
    %dma_start3A_101 = tpu.memref_squeeze %dma_start3A_100 : memref<1x128xi32, #tpu.memory_space<vmem>> -> memref<128xi32, #tpu.memory_space<vmem>>
    %dma_start3A_102 = arith.constant 0 : i32
    %dma_start3A_103 = tpu.memref_slice %arg8[%dma_start3A_102] : memref<10240xf32, #tpu.memory_space<vmem_shared>> -> memref<10240xf32, #tpu.memory_space<vmem_shared>>
    tpu.enqueue_indirect_dma source(%dma_start3A_98 : memref<128xf32, #tpu.memory_space<vmem>>) target(%dma_start3A_103 : memref<10240xf32, #tpu.memory_space<vmem_shared>>) offsets(%dma_start3A_101 : memref<128xi32, #tpu.memory_space<vmem>>) semaphore(%arg9 : memref<!tpu.dma_semaphore, #tpu.memory_space<semaphore_mem>>) {add = true}
    %dma_start3A_104 = arith.constant 3 : i32
    %dma_start3A_105 = arith.constant 3 : i32
    %dma_start3A_106 = arith.constant 0 : i32
    %dma_start3A_107 = tpu.memref_slice %arg6[%dma_start3A_104, %dma_start3A_106] : memref<40x128xf32, #tpu.memory_space<vmem>> -> memref<1x128xf32, #tpu.memory_space<vmem>>
    %dma_start3A_108 = tpu.memref_squeeze %dma_start3A_107 : memref<1x128xf32, #tpu.memory_space<vmem>> -> memref<128xf32, #tpu.memory_space<vmem>>
    %dma_start3A_109 = arith.constant 0 : i32
    %dma_start3A_110 = tpu.memref_slice %arg5[%dma_start3A_105, %dma_start3A_109] : memref<40x128xi32, #tpu.memory_space<vmem>> -> memref<1x128xi32, #tpu.memory_space<vmem>>
    %dma_start3A_111 = tpu.memref_squeeze %dma_start3A_110 : memref<1x128xi32, #tpu.memory_space<vmem>> -> memref<128xi32, #tpu.memory_space<vmem>>
    %dma_start3A_112 = arith.constant 0 : i32
    %dma_start3A_113 = tpu.memref_slice %arg8[%dma_start3A_112] : memref<10240xf32, #tpu.memory_space<vmem_shared>> -> memref<10240xf32, #tpu.memory_space<vmem_shared>>
    tpu.enqueue_indirect_dma source(%dma_start3A_108 : memref<128xf32, #tpu.memory_space<vmem>>) target(%dma_start3A_113 : memref<10240xf32, #tpu.memory_space<vmem_shared>>) offsets(%dma_start3A_111 : memref<128xi32, #tpu.memory_space<vmem>>) semaphore(%arg9 : memref<!tpu.dma_semaphore, #tpu.memory_space<semaphore_mem>>) {add = true}
    %dma_start3A_114 = arith.constant 4 : i32
    %dma_start3A_115 = arith.constant 4 : i32
    %dma_start3A_116 = arith.constant 0 : i32
    %dma_start3A_117 = tpu.memref_slice %arg6[%dma_start3A_114, %dma_start3A_116] : memref<40x128xf32, #tpu.memory_space<vmem>> -> memref<1x128xf32, #tpu.memory_space<vmem>>
    %dma_start3A_118 = tpu.memref_squeeze %dma_start3A_117 : memref<1x128xf32, #tpu.memory_space<vmem>> -> memref<128xf32, #tpu.memory_space<vmem>>
    %dma_start3A_119 = arith.constant 0 : i32
    %dma_start3A_120 = tpu.memref_slice %arg5[%dma_start3A_115, %dma_start3A_119] : memref<40x128xi32, #tpu.memory_space<vmem>> -> memref<1x128xi32, #tpu.memory_space<vmem>>
    %dma_start3A_121 = tpu.memref_squeeze %dma_start3A_120 : memref<1x128xi32, #tpu.memory_space<vmem>> -> memref<128xi32, #tpu.memory_space<vmem>>
    %dma_start3A_122 = arith.constant 0 : i32
    %dma_start3A_123 = tpu.memref_slice %arg8[%dma_start3A_122] : memref<10240xf32, #tpu.memory_space<vmem_shared>> -> memref<10240xf32, #tpu.memory_space<vmem_shared>>
    tpu.enqueue_indirect_dma source(%dma_start3A_118 : memref<128xf32, #tpu.memory_space<vmem>>) target(%dma_start3A_123 : memref<10240xf32, #tpu.memory_space<vmem_shared>>) offsets(%dma_start3A_121 : memref<128xi32, #tpu.memory_space<vmem>>) semaphore(%arg9 : memref<!tpu.dma_semaphore, #tpu.memory_space<semaphore_mem>>) {add = true}
    %dma_start3A_124 = arith.constant 5 : i32
    %dma_start3A_125 = arith.constant 5 : i32
    %dma_start3A_126 = arith.constant 0 : i32
    %dma_start3A_127 = tpu.memref_slice %arg6[%dma_start3A_124, %dma_start3A_126] : memref<40x128xf32, #tpu.memory_space<vmem>> -> memref<1x128xf32, #tpu.memory_space<vmem>>
    %dma_start3A_128 = tpu.memref_squeeze %dma_start3A_127 : memref<1x128xf32, #tpu.memory_space<vmem>> -> memref<128xf32, #tpu.memory_space<vmem>>
    %dma_start3A_129 = arith.constant 0 : i32
    %dma_start3A_130 = tpu.memref_slice %arg5[%dma_start3A_125, %dma_start3A_129] : memref<40x128xi32, #tpu.memory_space<vmem>> -> memref<1x128xi32, #tpu.memory_space<vmem>>
    %dma_start3A_131 = tpu.memref_squeeze %dma_start3A_130 : memref<1x128xi32, #tpu.memory_space<vmem>> -> memref<128xi32, #tpu.memory_space<vmem>>
    %dma_start3A_132 = arith.constant 0 : i32
    %dma_start3A_133 = tpu.memref_slice %arg8[%dma_start3A_132] : memref<10240xf32, #tpu.memory_space<vmem_shared>> -> memref<10240xf32, #tpu.memory_space<vmem_shared>>
    tpu.enqueue_indirect_dma source(%dma_start3A_128 : memref<128xf32, #tpu.memory_space<vmem>>) target(%dma_start3A_133 : memref<10240xf32, #tpu.memory_space<vmem_shared>>) offsets(%dma_start3A_131 : memref<128xi32, #tpu.memory_space<vmem>>) semaphore(%arg9 : memref<!tpu.dma_semaphore, #tpu.memory_space<semaphore_mem>>) {add = true}
    %dma_start3A_134 = arith.constant 6 : i32
    %dma_start3A_135 = arith.constant 6 : i32
    %dma_start3A_136 = arith.constant 0 : i32
    %dma_start3A_137 = tpu.memref_slice %arg6[%dma_start3A_134, %dma_start3A_136] : memref<40x128xf32, #tpu.memory_space<vmem>> -> memref<1x128xf32, #tpu.memory_space<vmem>>
    %dma_start3A_138 = tpu.memref_squeeze %dma_start3A_137 : memref<1x128xf32, #tpu.memory_space<vmem>> -> memref<128xf32, #tpu.memory_space<vmem>>
    %dma_start3A_139 = arith.constant 0 : i32
    %dma_start3A_140 = tpu.memref_slice %arg5[%dma_start3A_135, %dma_start3A_139] : memref<40x128xi32, #tpu.memory_space<vmem>> -> memref<1x128xi32, #tpu.memory_space<vmem>>
    %dma_start3A_141 = tpu.memref_squeeze %dma_start3A_140 : memref<1x128xi32, #tpu.memory_space<vmem>> -> memref<128xi32, #tpu.memory_space<vmem>>
    %dma_start3A_142 = arith.constant 0 : i32
    %dma_start3A_143 = tpu.memref_slice %arg8[%dma_start3A_142] : memref<10240xf32, #tpu.memory_space<vmem_shared>> -> memref<10240xf32, #tpu.memory_space<vmem_shared>>
    tpu.enqueue_indirect_dma source(%dma_start3A_138 : memref<128xf32, #tpu.memory_space<vmem>>) target(%dma_start3A_143 : memref<10240xf32, #tpu.memory_space<vmem_shared>>) offsets(%dma_start3A_141 : memref<128xi32, #tpu.memory_space<vmem>>) semaphore(%arg9 : memref<!tpu.dma_semaphore, #tpu.memory_space<semaphore_mem>>) {add = true}
    %dma_start3A_144 = arith.constant 7 : i32
    %dma_start3A_145 = arith.constant 7 : i32
    %dma_start3A_146 = arith.constant 0 : i32
    %dma_start3A_147 = tpu.memref_slice %arg6[%dma_start3A_144, %dma_start3A_146] : memref<40x128xf32, #tpu.memory_space<vmem>> -> memref<1x128xf32, #tpu.memory_space<vmem>>
    %dma_start3A_148 = tpu.memref_squeeze %dma_start3A_147 : memref<1x128xf32, #tpu.memory_space<vmem>> -> memref<128xf32, #tpu.memory_space<vmem>>
    %dma_start3A_149 = arith.constant 0 : i32
    %dma_start3A_150 = tpu.memref_slice %arg5[%dma_start3A_145, %dma_start3A_149] : memref<40x128xi32, #tpu.memory_space<vmem>> -> memref<1x128xi32, #tpu.memory_space<vmem>>
    %dma_start3A_151 = tpu.memref_squeeze %dma_start3A_150 : memref<1x128xi32, #tpu.memory_space<vmem>> -> memref<128xi32, #tpu.memory_space<vmem>>
    %dma_start3A_152 = arith.constant 0 : i32
    %dma_start3A_153 = tpu.memref_slice %arg8[%dma_start3A_152] : memref<10240xf32, #tpu.memory_space<vmem_shared>> -> memref<10240xf32, #tpu.memory_space<vmem_shared>>
    tpu.enqueue_indirect_dma source(%dma_start3A_148 : memref<128xf32, #tpu.memory_space<vmem>>) target(%dma_start3A_153 : memref<10240xf32, #tpu.memory_space<vmem_shared>>) offsets(%dma_start3A_151 : memref<128xi32, #tpu.memory_space<vmem>>) semaphore(%arg9 : memref<!tpu.dma_semaphore, #tpu.memory_space<semaphore_mem>>) {add = true}
    %dma_start3A_154 = arith.constant 8 : i32
    %dma_start3A_155 = arith.constant 8 : i32
    %dma_start3A_156 = arith.constant 0 : i32
    %dma_start3A_157 = tpu.memref_slice %arg6[%dma_start3A_154, %dma_start3A_156] : memref<40x128xf32, #tpu.memory_space<vmem>> -> memref<1x128xf32, #tpu.memory_space<vmem>>
    %dma_start3A_158 = tpu.memref_squeeze %dma_start3A_157 : memref<1x128xf32, #tpu.memory_space<vmem>> -> memref<128xf32, #tpu.memory_space<vmem>>
    %dma_start3A_159 = arith.constant 0 : i32
    %dma_start3A_160 = tpu.memref_slice %arg5[%dma_start3A_155, %dma_start3A_159] : memref<40x128xi32, #tpu.memory_space<vmem>> -> memref<1x128xi32, #tpu.memory_space<vmem>>
    %dma_start3A_161 = tpu.memref_squeeze %dma_start3A_160 : memref<1x128xi32, #tpu.memory_space<vmem>> -> memref<128xi32, #tpu.memory_space<vmem>>
    %dma_start3A_162 = arith.constant 0 : i32
    %dma_start3A_163 = tpu.memref_slice %arg8[%dma_start3A_162] : memref<10240xf32, #tpu.memory_space<vmem_shared>> -> memref<10240xf32, #tpu.memory_space<vmem_shared>>
    tpu.enqueue_indirect_dma source(%dma_start3A_158 : memref<128xf32, #tpu.memory_space<vmem>>) target(%dma_start3A_163 : memref<10240xf32, #tpu.memory_space<vmem_shared>>) offsets(%dma_start3A_161 : memref<128xi32, #tpu.memory_space<vmem>>) semaphore(%arg9 : memref<!tpu.dma_semaphore, #tpu.memory_space<semaphore_mem>>) {add = true}
    %dma_start3A_164 = arith.constant 9 : i32
    %dma_start3A_165 = arith.constant 9 : i32
    %dma_start3A_166 = arith.constant 0 : i32
    %dma_start3A_167 = tpu.memref_slice %arg6[%dma_start3A_164, %dma_start3A_166] : memref<40x128xf32, #tpu.memory_space<vmem>> -> memref<1x128xf32, #tpu.memory_space<vmem>>
    %dma_start3A_168 = tpu.memref_squeeze %dma_start3A_167 : memref<1x128xf32, #tpu.memory_space<vmem>> -> memref<128xf32, #tpu.memory_space<vmem>>
    %dma_start3A_169 = arith.constant 0 : i32
    %dma_start3A_170 = tpu.memref_slice %arg5[%dma_start3A_165, %dma_start3A_169] : memref<40x128xi32, #tpu.memory_space<vmem>> -> memref<1x128xi32, #tpu.memory_space<vmem>>
    %dma_start3A_171 = tpu.memref_squeeze %dma_start3A_170 : memref<1x128xi32, #tpu.memory_space<vmem>> -> memref<128xi32, #tpu.memory_space<vmem>>
    %dma_start3A_172 = arith.constant 0 : i32
    %dma_start3A_173 = tpu.memref_slice %arg8[%dma_start3A_172] : memref<10240xf32, #tpu.memory_space<vmem_shared>> -> memref<10240xf32, #tpu.memory_space<vmem_shared>>
    tpu.enqueue_indirect_dma source(%dma_start3A_168 : memref<128xf32, #tpu.memory_space<vmem>>) target(%dma_start3A_173 : memref<10240xf32, #tpu.memory_space<vmem_shared>>) offsets(%dma_start3A_171 : memref<128xi32, #tpu.memory_space<vmem>>) semaphore(%arg9 : memref<!tpu.dma_semaphore, #tpu.memory_space<semaphore_mem>>) {add = true}
    %dma_wait3A = arith.constant 0 : i32
    %dma_wait3A_174 = arith.constant 0 : i32
    %dma_wait3A_175 = arith.constant 0 : i32
    %dma_wait3A_176 = tpu.memref_slice %arg6[%dma_wait3A, %dma_wait3A_175] : memref<40x128xf32, #tpu.memory_space<vmem>> -> memref<1x128xf32, #tpu.memory_space<vmem>>
    %dma_wait3A_177 = tpu.memref_squeeze %dma_wait3A_176 : memref<1x128xf32, #tpu.memory_space<vmem>> -> memref<128xf32, #tpu.memory_space<vmem>>
    %dma_wait3A_178 = arith.constant 0 : i32
    %dma_wait3A_179 = tpu.memref_slice %arg5[%dma_wait3A_174, %dma_wait3A_178] : memref<40x128xi32, #tpu.memory_space<vmem>> -> memref<1x128xi32, #tpu.memory_space<vmem>>
    %dma_wait3A_180 = tpu.memref_squeeze %dma_wait3A_179 : memref<1x128xi32, #tpu.memory_space<vmem>> -> memref<128xi32, #tpu.memory_space<vmem>>
    %dma_wait3A_181 = arith.constant 0 : i32
    %dma_wait3A_182 = tpu.memref_slice %arg8[%dma_wait3A_181] : memref<10240xf32, #tpu.memory_space<vmem_shared>> -> memref<10240xf32, #tpu.memory_space<vmem_shared>>
    tpu.wait_indirect_dma semaphore(%arg9 : memref<!tpu.dma_semaphore, #tpu.memory_space<semaphore_mem>>) src(%dma_wait3A_177 : memref<128xf32, #tpu.memory_space<vmem>>) dst(%dma_wait3A_182 : memref<10240xf32, #tpu.memory_space<vmem_shared>>)
    %dma_wait3A_183 = arith.constant 1 : i32
    %dma_wait3A_184 = arith.constant 1 : i32
    %dma_wait3A_185 = arith.constant 0 : i32
    %dma_wait3A_186 = tpu.memref_slice %arg6[%dma_wait3A_183, %dma_wait3A_185] : memref<40x128xf32, #tpu.memory_space<vmem>> -> memref<1x128xf32, #tpu.memory_space<vmem>>
    %dma_wait3A_187 = tpu.memref_squeeze %dma_wait3A_186 : memref<1x128xf32, #tpu.memory_space<vmem>> -> memref<128xf32, #tpu.memory_space<vmem>>
    %dma_wait3A_188 = arith.constant 0 : i32
    %dma_wait3A_189 = tpu.memref_slice %arg5[%dma_wait3A_184, %dma_wait3A_188] : memref<40x128xi32, #tpu.memory_space<vmem>> -> memref<1x128xi32, #tpu.memory_space<vmem>>
    %dma_wait3A_190 = tpu.memref_squeeze %dma_wait3A_189 : memref<1x128xi32, #tpu.memory_space<vmem>> -> memref<128xi32, #tpu.memory_space<vmem>>
    %dma_wait3A_191 = arith.constant 0 : i32
    %dma_wait3A_192 = tpu.memref_slice %arg8[%dma_wait3A_191] : memref<10240xf32, #tpu.memory_space<vmem_shared>> -> memref<10240xf32, #tpu.memory_space<vmem_shared>>
    tpu.wait_indirect_dma semaphore(%arg9 : memref<!tpu.dma_semaphore, #tpu.memory_space<semaphore_mem>>) src(%dma_wait3A_187 : memref<128xf32, #tpu.memory_space<vmem>>) dst(%dma_wait3A_192 : memref<10240xf32, #tpu.memory_space<vmem_shared>>)
    %dma_wait3A_193 = arith.constant 2 : i32
    %dma_wait3A_194 = arith.constant 2 : i32
    %dma_wait3A_195 = arith.constant 0 : i32
    %dma_wait3A_196 = tpu.memref_slice %arg6[%dma_wait3A_193, %dma_wait3A_195] : memref<40x128xf32, #tpu.memory_space<vmem>> -> memref<1x128xf32, #tpu.memory_space<vmem>>
    %dma_wait3A_197 = tpu.memref_squeeze %dma_wait3A_196 : memref<1x128xf32, #tpu.memory_space<vmem>> -> memref<128xf32, #tpu.memory_space<vmem>>
    %dma_wait3A_198 = arith.constant 0 : i32
    %dma_wait3A_199 = tpu.memref_slice %arg5[%dma_wait3A_194, %dma_wait3A_198] : memref<40x128xi32, #tpu.memory_space<vmem>> -> memref<1x128xi32, #tpu.memory_space<vmem>>
    %dma_wait3A_200 = tpu.memref_squeeze %dma_wait3A_199 : memref<1x128xi32, #tpu.memory_space<vmem>> -> memref<128xi32, #tpu.memory_space<vmem>>
    %dma_wait3A_201 = arith.constant 0 : i32
    %dma_wait3A_202 = tpu.memref_slice %arg8[%dma_wait3A_201] : memref<10240xf32, #tpu.memory_space<vmem_shared>> -> memref<10240xf32, #tpu.memory_space<vmem_shared>>
    tpu.wait_indirect_dma semaphore(%arg9 : memref<!tpu.dma_semaphore, #tpu.memory_space<semaphore_mem>>) src(%dma_wait3A_197 : memref<128xf32, #tpu.memory_space<vmem>>) dst(%dma_wait3A_202 : memref<10240xf32, #tpu.memory_space<vmem_shared>>)
    %dma_wait3A_203 = arith.constant 3 : i32
    %dma_wait3A_204 = arith.constant 3 : i32
    %dma_wait3A_205 = arith.constant 0 : i32
    %dma_wait3A_206 = tpu.memref_slice %arg6[%dma_wait3A_203, %dma_wait3A_205] : memref<40x128xf32, #tpu.memory_space<vmem>> -> memref<1x128xf32, #tpu.memory_space<vmem>>
    %dma_wait3A_207 = tpu.memref_squeeze %dma_wait3A_206 : memref<1x128xf32, #tpu.memory_space<vmem>> -> memref<128xf32, #tpu.memory_space<vmem>>
    %dma_wait3A_208 = arith.constant 0 : i32
    %dma_wait3A_209 = tpu.memref_slice %arg5[%dma_wait3A_204, %dma_wait3A_208] : memref<40x128xi32, #tpu.memory_space<vmem>> -> memref<1x128xi32, #tpu.memory_space<vmem>>
    %dma_wait3A_210 = tpu.memref_squeeze %dma_wait3A_209 : memref<1x128xi32, #tpu.memory_space<vmem>> -> memref<128xi32, #tpu.memory_space<vmem>>
    %dma_wait3A_211 = arith.constant 0 : i32
    %dma_wait3A_212 = tpu.memref_slice %arg8[%dma_wait3A_211] : memref<10240xf32, #tpu.memory_space<vmem_shared>> -> memref<10240xf32, #tpu.memory_space<vmem_shared>>
    tpu.wait_indirect_dma semaphore(%arg9 : memref<!tpu.dma_semaphore, #tpu.memory_space<semaphore_mem>>) src(%dma_wait3A_207 : memref<128xf32, #tpu.memory_space<vmem>>) dst(%dma_wait3A_212 : memref<10240xf32, #tpu.memory_space<vmem_shared>>)
    %dma_wait3A_213 = arith.constant 4 : i32
    %dma_wait3A_214 = arith.constant 4 : i32
    %dma_wait3A_215 = arith.constant 0 : i32
    %dma_wait3A_216 = tpu.memref_slice %arg6[%dma_wait3A_213, %dma_wait3A_215] : memref<40x128xf32, #tpu.memory_space<vmem>> -> memref<1x128xf32, #tpu.memory_space<vmem>>
    %dma_wait3A_217 = tpu.memref_squeeze %dma_wait3A_216 : memref<1x128xf32, #tpu.memory_space<vmem>> -> memref<128xf32, #tpu.memory_space<vmem>>
    %dma_wait3A_218 = arith.constant 0 : i32
    %dma_wait3A_219 = tpu.memref_slice %arg5[%dma_wait3A_214, %dma_wait3A_218] : memref<40x128xi32, #tpu.memory_space<vmem>> -> memref<1x128xi32, #tpu.memory_space<vmem>>
    %dma_wait3A_220 = tpu.memref_squeeze %dma_wait3A_219 : memref<1x128xi32, #tpu.memory_space<vmem>> -> memref<128xi32, #tpu.memory_space<vmem>>
    %dma_wait3A_221 = arith.constant 0 : i32
    %dma_wait3A_222 = tpu.memref_slice %arg8[%dma_wait3A_221] : memref<10240xf32, #tpu.memory_space<vmem_shared>> -> memref<10240xf32, #tpu.memory_space<vmem_shared>>
    tpu.wait_indirect_dma semaphore(%arg9 : memref<!tpu.dma_semaphore, #tpu.memory_space<semaphore_mem>>) src(%dma_wait3A_217 : memref<128xf32, #tpu.memory_space<vmem>>) dst(%dma_wait3A_222 : memref<10240xf32, #tpu.memory_space<vmem_shared>>)
    %dma_wait3A_223 = arith.constant 5 : i32
    %dma_wait3A_224 = arith.constant 5 : i32
    %dma_wait3A_225 = arith.constant 0 : i32
    %dma_wait3A_226 = tpu.memref_slice %arg6[%dma_wait3A_223, %dma_wait3A_225] : memref<40x128xf32, #tpu.memory_space<vmem>> -> memref<1x128xf32, #tpu.memory_space<vmem>>
    %dma_wait3A_227 = tpu.memref_squeeze %dma_wait3A_226 : memref<1x128xf32, #tpu.memory_space<vmem>> -> memref<128xf32, #tpu.memory_space<vmem>>
    %dma_wait3A_228 = arith.constant 0 : i32
    %dma_wait3A_229 = tpu.memref_slice %arg5[%dma_wait3A_224, %dma_wait3A_228] : memref<40x128xi32, #tpu.memory_space<vmem>> -> memref<1x128xi32, #tpu.memory_space<vmem>>
    %dma_wait3A_230 = tpu.memref_squeeze %dma_wait3A_229 : memref<1x128xi32, #tpu.memory_space<vmem>> -> memref<128xi32, #tpu.memory_space<vmem>>
    %dma_wait3A_231 = arith.constant 0 : i32
    %dma_wait3A_232 = tpu.memref_slice %arg8[%dma_wait3A_231] : memref<10240xf32, #tpu.memory_space<vmem_shared>> -> memref<10240xf32, #tpu.memory_space<vmem_shared>>
    tpu.wait_indirect_dma semaphore(%arg9 : memref<!tpu.dma_semaphore, #tpu.memory_space<semaphore_mem>>) src(%dma_wait3A_227 : memref<128xf32, #tpu.memory_space<vmem>>) dst(%dma_wait3A_232 : memref<10240xf32, #tpu.memory_space<vmem_shared>>)
    %dma_wait3A_233 = arith.constant 6 : i32
    %dma_wait3A_234 = arith.constant 6 : i32
    %dma_wait3A_235 = arith.constant 0 : i32
    %dma_wait3A_236 = tpu.memref_slice %arg6[%dma_wait3A_233, %dma_wait3A_235] : memref<40x128xf32, #tpu.memory_space<vmem>> -> memref<1x128xf32, #tpu.memory_space<vmem>>
    %dma_wait3A_237 = tpu.memref_squeeze %dma_wait3A_236 : memref<1x128xf32, #tpu.memory_space<vmem>> -> memref<128xf32, #tpu.memory_space<vmem>>
    %dma_wait3A_238 = arith.constant 0 : i32
    %dma_wait3A_239 = tpu.memref_slice %arg5[%dma_wait3A_234, %dma_wait3A_238] : memref<40x128xi32, #tpu.memory_space<vmem>> -> memref<1x128xi32, #tpu.memory_space<vmem>>
    %dma_wait3A_240 = tpu.memref_squeeze %dma_wait3A_239 : memref<1x128xi32, #tpu.memory_space<vmem>> -> memref<128xi32, #tpu.memory_space<vmem>>
    %dma_wait3A_241 = arith.constant 0 : i32
    %dma_wait3A_242 = tpu.memref_slice %arg8[%dma_wait3A_241] : memref<10240xf32, #tpu.memory_space<vmem_shared>> -> memref<10240xf32, #tpu.memory_space<vmem_shared>>
    tpu.wait_indirect_dma semaphore(%arg9 : memref<!tpu.dma_semaphore, #tpu.memory_space<semaphore_mem>>) src(%dma_wait3A_237 : memref<128xf32, #tpu.memory_space<vmem>>) dst(%dma_wait3A_242 : memref<10240xf32, #tpu.memory_space<vmem_shared>>)
    %dma_wait3A_243 = arith.constant 7 : i32
    %dma_wait3A_244 = arith.constant 7 : i32
    %dma_wait3A_245 = arith.constant 0 : i32
    %dma_wait3A_246 = tpu.memref_slice %arg6[%dma_wait3A_243, %dma_wait3A_245] : memref<40x128xf32, #tpu.memory_space<vmem>> -> memref<1x128xf32, #tpu.memory_space<vmem>>
    %dma_wait3A_247 = tpu.memref_squeeze %dma_wait3A_246 : memref<1x128xf32, #tpu.memory_space<vmem>> -> memref<128xf32, #tpu.memory_space<vmem>>
    %dma_wait3A_248 = arith.constant 0 : i32
    %dma_wait3A_249 = tpu.memref_slice %arg5[%dma_wait3A_244, %dma_wait3A_248] : memref<40x128xi32, #tpu.memory_space<vmem>> -> memref<1x128xi32, #tpu.memory_space<vmem>>
    %dma_wait3A_250 = tpu.memref_squeeze %dma_wait3A_249 : memref<1x128xi32, #tpu.memory_space<vmem>> -> memref<128xi32, #tpu.memory_space<vmem>>
    %dma_wait3A_251 = arith.constant 0 : i32
    %dma_wait3A_252 = tpu.memref_slice %arg8[%dma_wait3A_251] : memref<10240xf32, #tpu.memory_space<vmem_shared>> -> memref<10240xf32, #tpu.memory_space<vmem_shared>>
    tpu.wait_indirect_dma semaphore(%arg9 : memref<!tpu.dma_semaphore, #tpu.memory_space<semaphore_mem>>) src(%dma_wait3A_247 : memref<128xf32, #tpu.memory_space<vmem>>) dst(%dma_wait3A_252 : memref<10240xf32, #tpu.memory_space<vmem_shared>>)
    %dma_wait3A_253 = arith.constant 8 : i32
    %dma_wait3A_254 = arith.constant 8 : i32
    %dma_wait3A_255 = arith.constant 0 : i32
    %dma_wait3A_256 = tpu.memref_slice %arg6[%dma_wait3A_253, %dma_wait3A_255] : memref<40x128xf32, #tpu.memory_space<vmem>> -> memref<1x128xf32, #tpu.memory_space<vmem>>
    %dma_wait3A_257 = tpu.memref_squeeze %dma_wait3A_256 : memref<1x128xf32, #tpu.memory_space<vmem>> -> memref<128xf32, #tpu.memory_space<vmem>>
    %dma_wait3A_258 = arith.constant 0 : i32
    %dma_wait3A_259 = tpu.memref_slice %arg5[%dma_wait3A_254, %dma_wait3A_258] : memref<40x128xi32, #tpu.memory_space<vmem>> -> memref<1x128xi32, #tpu.memory_space<vmem>>
    %dma_wait3A_260 = tpu.memref_squeeze %dma_wait3A_259 : memref<1x128xi32, #tpu.memory_space<vmem>> -> memref<128xi32, #tpu.memory_space<vmem>>
    %dma_wait3A_261 = arith.constant 0 : i32
    %dma_wait3A_262 = tpu.memref_slice %arg8[%dma_wait3A_261] : memref<10240xf32, #tpu.memory_space<vmem_shared>> -> memref<10240xf32, #tpu.memory_space<vmem_shared>>
    tpu.wait_indirect_dma semaphore(%arg9 : memref<!tpu.dma_semaphore, #tpu.memory_space<semaphore_mem>>) src(%dma_wait3A_257 : memref<128xf32, #tpu.memory_space<vmem>>) dst(%dma_wait3A_262 : memref<10240xf32, #tpu.memory_space<vmem_shared>>)
    %dma_wait3A_263 = arith.constant 9 : i32
    %dma_wait3A_264 = arith.constant 9 : i32
    %dma_wait3A_265 = arith.constant 0 : i32
    %dma_wait3A_266 = tpu.memref_slice %arg6[%dma_wait3A_263, %dma_wait3A_265] : memref<40x128xf32, #tpu.memory_space<vmem>> -> memref<1x128xf32, #tpu.memory_space<vmem>>
    %dma_wait3A_267 = tpu.memref_squeeze %dma_wait3A_266 : memref<1x128xf32, #tpu.memory_space<vmem>> -> memref<128xf32, #tpu.memory_space<vmem>>
    %dma_wait3A_268 = arith.constant 0 : i32
    %dma_wait3A_269 = tpu.memref_slice %arg5[%dma_wait3A_264, %dma_wait3A_268] : memref<40x128xi32, #tpu.memory_space<vmem>> -> memref<1x128xi32, #tpu.memory_space<vmem>>
    %dma_wait3A_270 = tpu.memref_squeeze %dma_wait3A_269 : memref<1x128xi32, #tpu.memory_space<vmem>> -> memref<128xi32, #tpu.memory_space<vmem>>
    %dma_wait3A_271 = arith.constant 0 : i32
    %dma_wait3A_272 = tpu.memref_slice %arg8[%dma_wait3A_271] : memref<10240xf32, #tpu.memory_space<vmem_shared>> -> memref<10240xf32, #tpu.memory_space<vmem_shared>>
    tpu.wait_indirect_dma semaphore(%arg9 : memref<!tpu.dma_semaphore, #tpu.memory_space<semaphore_mem>>) src(%dma_wait3A_267 : memref<128xf32, #tpu.memory_space<vmem>>) dst(%dma_wait3A_272 : memref<10240xf32, #tpu.memory_space<vmem_shared>>)
    %dma_start3A_273 = arith.constant 10 : i32
    %dma_start3A_274 = arith.constant 10 : i32
    %dma_start3A_275 = arith.constant 0 : i32
    %dma_start3A_276 = tpu.memref_slice %arg6[%dma_start3A_273, %dma_start3A_275] : memref<40x128xf32, #tpu.memory_space<vmem>> -> memref<1x128xf32, #tpu.memory_space<vmem>>
    %dma_start3A_277 = tpu.memref_squeeze %dma_start3A_276 : memref<1x128xf32, #tpu.memory_space<vmem>> -> memref<128xf32, #tpu.memory_space<vmem>>
    %dma_start3A_278 = arith.constant 0 : i32
    %dma_start3A_279 = tpu.memref_slice %arg5[%dma_start3A_274, %dma_start3A_278] : memref<40x128xi32, #tpu.memory_space<vmem>> -> memref<1x128xi32, #tpu.memory_space<vmem>>
    %dma_start3A_280 = tpu.memref_squeeze %dma_start3A_279 : memref<1x128xi32, #tpu.memory_space<vmem>> -> memref<128xi32, #tpu.memory_space<vmem>>
    %dma_start3A_281 = arith.constant 0 : i32
    %dma_start3A_282 = tpu.memref_slice %arg8[%dma_start3A_281] : memref<10240xf32, #tpu.memory_space<vmem_shared>> -> memref<10240xf32, #tpu.memory_space<vmem_shared>>
    tpu.enqueue_indirect_dma source(%dma_start3A_277 : memref<128xf32, #tpu.memory_space<vmem>>) target(%dma_start3A_282 : memref<10240xf32, #tpu.memory_space<vmem_shared>>) offsets(%dma_start3A_280 : memref<128xi32, #tpu.memory_space<vmem>>) semaphore(%arg9 : memref<!tpu.dma_semaphore, #tpu.memory_space<semaphore_mem>>) {add = true}
    %dma_start3A_283 = arith.constant 11 : i32
    %dma_start3A_284 = arith.constant 11 : i32
    %dma_start3A_285 = arith.constant 0 : i32
    %dma_start3A_286 = tpu.memref_slice %arg6[%dma_start3A_283, %dma_start3A_285] : memref<40x128xf32, #tpu.memory_space<vmem>> -> memref<1x128xf32, #tpu.memory_space<vmem>>
    %dma_start3A_287 = tpu.memref_squeeze %dma_start3A_286 : memref<1x128xf32, #tpu.memory_space<vmem>> -> memref<128xf32, #tpu.memory_space<vmem>>
    %dma_start3A_288 = arith.constant 0 : i32
    %dma_start3A_289 = tpu.memref_slice %arg5[%dma_start3A_284, %dma_start3A_288] : memref<40x128xi32, #tpu.memory_space<vmem>> -> memref<1x128xi32, #tpu.memory_space<vmem>>
    %dma_start3A_290 = tpu.memref_squeeze %dma_start3A_289 : memref<1x128xi32, #tpu.memory_space<vmem>> -> memref<128xi32, #tpu.memory_space<vmem>>
    %dma_start3A_291 = arith.constant 0 : i32
    %dma_start3A_292 = tpu.memref_slice %arg8[%dma_start3A_291] : memref<10240xf32, #tpu.memory_space<vmem_shared>> -> memref<10240xf32, #tpu.memory_space<vmem_shared>>
    tpu.enqueue_indirect_dma source(%dma_start3A_287 : memref<128xf32, #tpu.memory_space<vmem>>) target(%dma_start3A_292 : memref<10240xf32, #tpu.memory_space<vmem_shared>>) offsets(%dma_start3A_290 : memref<128xi32, #tpu.memory_space<vmem>>) semaphore(%arg9 : memref<!tpu.dma_semaphore, #tpu.memory_space<semaphore_mem>>) {add = true}
    %dma_start3A_293 = arith.constant 12 : i32
    %dma_start3A_294 = arith.constant 12 : i32
    %dma_start3A_295 = arith.constant 0 : i32
    %dma_start3A_296 = tpu.memref_slice %arg6[%dma_start3A_293, %dma_start3A_295] : memref<40x128xf32, #tpu.memory_space<vmem>> -> memref<1x128xf32, #tpu.memory_space<vmem>>
    %dma_start3A_297 = tpu.memref_squeeze %dma_start3A_296 : memref<1x128xf32, #tpu.memory_space<vmem>> -> memref<128xf32, #tpu.memory_space<vmem>>
    %dma_start3A_298 = arith.constant 0 : i32
    %dma_start3A_299 = tpu.memref_slice %arg5[%dma_start3A_294, %dma_start3A_298] : memref<40x128xi32, #tpu.memory_space<vmem>> -> memref<1x128xi32, #tpu.memory_space<vmem>>
    %dma_start3A_300 = tpu.memref_squeeze %dma_start3A_299 : memref<1x128xi32, #tpu.memory_space<vmem>> -> memref<128xi32, #tpu.memory_space<vmem>>
    %dma_start3A_301 = arith.constant 0 : i32
    %dma_start3A_302 = tpu.memref_slice %arg8[%dma_start3A_301] : memref<10240xf32, #tpu.memory_space<vmem_shared>> -> memref<10240xf32, #tpu.memory_space<vmem_shared>>
    tpu.enqueue_indirect_dma source(%dma_start3A_297 : memref<128xf32, #tpu.memory_space<vmem>>) target(%dma_start3A_302 : memref<10240xf32, #tpu.memory_space<vmem_shared>>) offsets(%dma_start3A_300 : memref<128xi32, #tpu.memory_space<vmem>>) semaphore(%arg9 : memref<!tpu.dma_semaphore, #tpu.memory_space<semaphore_mem>>) {add = true}
    %dma_start3A_303 = arith.constant 13 : i32
    %dma_start3A_304 = arith.constant 13 : i32
    %dma_start3A_305 = arith.constant 0 : i32
    %dma_start3A_306 = tpu.memref_slice %arg6[%dma_start3A_303, %dma_start3A_305] : memref<40x128xf32, #tpu.memory_space<vmem>> -> memref<1x128xf32, #tpu.memory_space<vmem>>
    %dma_start3A_307 = tpu.memref_squeeze %dma_start3A_306 : memref<1x128xf32, #tpu.memory_space<vmem>> -> memref<128xf32, #tpu.memory_space<vmem>>
    %dma_start3A_308 = arith.constant 0 : i32
    %dma_start3A_309 = tpu.memref_slice %arg5[%dma_start3A_304, %dma_start3A_308] : memref<40x128xi32, #tpu.memory_space<vmem>> -> memref<1x128xi32, #tpu.memory_space<vmem>>
    %dma_start3A_310 = tpu.memref_squeeze %dma_start3A_309 : memref<1x128xi32, #tpu.memory_space<vmem>> -> memref<128xi32, #tpu.memory_space<vmem>>
    %dma_start3A_311 = arith.constant 0 : i32
    %dma_start3A_312 = tpu.memref_slice %arg8[%dma_start3A_311] : memref<10240xf32, #tpu.memory_space<vmem_shared>> -> memref<10240xf32, #tpu.memory_space<vmem_shared>>
    tpu.enqueue_indirect_dma source(%dma_start3A_307 : memref<128xf32, #tpu.memory_space<vmem>>) target(%dma_start3A_312 : memref<10240xf32, #tpu.memory_space<vmem_shared>>) offsets(%dma_start3A_310 : memref<128xi32, #tpu.memory_space<vmem>>) semaphore(%arg9 : memref<!tpu.dma_semaphore, #tpu.memory_space<semaphore_mem>>) {add = true}
    %dma_start3A_313 = arith.constant 14 : i32
    %dma_start3A_314 = arith.constant 14 : i32
    %dma_start3A_315 = arith.constant 0 : i32
    %dma_start3A_316 = tpu.memref_slice %arg6[%dma_start3A_313, %dma_start3A_315] : memref<40x128xf32, #tpu.memory_space<vmem>> -> memref<1x128xf32, #tpu.memory_space<vmem>>
    %dma_start3A_317 = tpu.memref_squeeze %dma_start3A_316 : memref<1x128xf32, #tpu.memory_space<vmem>> -> memref<128xf32, #tpu.memory_space<vmem>>
    %dma_start3A_318 = arith.constant 0 : i32
    %dma_start3A_319 = tpu.memref_slice %arg5[%dma_start3A_314, %dma_start3A_318] : memref<40x128xi32, #tpu.memory_space<vmem>> -> memref<1x128xi32, #tpu.memory_space<vmem>>
    %dma_start3A_320 = tpu.memref_squeeze %dma_start3A_319 : memref<1x128xi32, #tpu.memory_space<vmem>> -> memref<128xi32, #tpu.memory_space<vmem>>
    %dma_start3A_321 = arith.constant 0 : i32
    %dma_start3A_322 = tpu.memref_slice %arg8[%dma_start3A_321] : memref<10240xf32, #tpu.memory_space<vmem_shared>> -> memref<10240xf32, #tpu.memory_space<vmem_shared>>
    tpu.enqueue_indirect_dma source(%dma_start3A_317 : memref<128xf32, #tpu.memory_space<vmem>>) target(%dma_start3A_322 : memref<10240xf32, #tpu.memory_space<vmem_shared>>) offsets(%dma_start3A_320 : memref<128xi32, #tpu.memory_space<vmem>>) semaphore(%arg9 : memref<!tpu.dma_semaphore, #tpu.memory_space<semaphore_mem>>) {add = true}
    %dma_start3A_323 = arith.constant 15 : i32
    %dma_start3A_324 = arith.constant 15 : i32
    %dma_start3A_325 = arith.constant 0 : i32
    %dma_start3A_326 = tpu.memref_slice %arg6[%dma_start3A_323, %dma_start3A_325] : memref<40x128xf32, #tpu.memory_space<vmem>> -> memref<1x128xf32, #tpu.memory_space<vmem>>
    %dma_start3A_327 = tpu.memref_squeeze %dma_start3A_326 : memref<1x128xf32, #tpu.memory_space<vmem>> -> memref<128xf32, #tpu.memory_space<vmem>>
    %dma_start3A_328 = arith.constant 0 : i32
    %dma_start3A_329 = tpu.memref_slice %arg5[%dma_start3A_324, %dma_start3A_328] : memref<40x128xi32, #tpu.memory_space<vmem>> -> memref<1x128xi32, #tpu.memory_space<vmem>>
    %dma_start3A_330 = tpu.memref_squeeze %dma_start3A_329 : memref<1x128xi32, #tpu.memory_space<vmem>> -> memref<128xi32, #tpu.memory_space<vmem>>
    %dma_start3A_331 = arith.constant 0 : i32
    %dma_start3A_332 = tpu.memref_slice %arg8[%dma_start3A_331] : memref<10240xf32, #tpu.memory_space<vmem_shared>> -> memref<10240xf32, #tpu.memory_space<vmem_shared>>
    tpu.enqueue_indirect_dma source(%dma_start3A_327 : memref<128xf32, #tpu.memory_space<vmem>>) target(%dma_start3A_332 : memref<10240xf32, #tpu.memory_space<vmem_shared>>) offsets(%dma_start3A_330 : memref<128xi32, #tpu.memory_space<vmem>>) semaphore(%arg9 : memref<!tpu.dma_semaphore, #tpu.memory_space<semaphore_mem>>) {add = true}
    %dma_start3A_333 = arith.constant 16 : i32
    %dma_start3A_334 = arith.constant 16 : i32
    %dma_start3A_335 = arith.constant 0 : i32
    %dma_start3A_336 = tpu.memref_slice %arg6[%dma_start3A_333, %dma_start3A_335] : memref<40x128xf32, #tpu.memory_space<vmem>> -> memref<1x128xf32, #tpu.memory_space<vmem>>
    %dma_start3A_337 = tpu.memref_squeeze %dma_start3A_336 : memref<1x128xf32, #tpu.memory_space<vmem>> -> memref<128xf32, #tpu.memory_space<vmem>>
    %dma_start3A_338 = arith.constant 0 : i32
    %dma_start3A_339 = tpu.memref_slice %arg5[%dma_start3A_334, %dma_start3A_338] : memref<40x128xi32, #tpu.memory_space<vmem>> -> memref<1x128xi32, #tpu.memory_space<vmem>>
    %dma_start3A_340 = tpu.memref_squeeze %dma_start3A_339 : memref<1x128xi32, #tpu.memory_space<vmem>> -> memref<128xi32, #tpu.memory_space<vmem>>
    %dma_start3A_341 = arith.constant 0 : i32
    %dma_start3A_342 = tpu.memref_slice %arg8[%dma_start3A_341] : memref<10240xf32, #tpu.memory_space<vmem_shared>> -> memref<10240xf32, #tpu.memory_space<vmem_shared>>
    tpu.enqueue_indirect_dma source(%dma_start3A_337 : memref<128xf32, #tpu.memory_space<vmem>>) target(%dma_start3A_342 : memref<10240xf32, #tpu.memory_space<vmem_shared>>) offsets(%dma_start3A_340 : memref<128xi32, #tpu.memory_space<vmem>>) semaphore(%arg9 : memref<!tpu.dma_semaphore, #tpu.memory_space<semaphore_mem>>) {add = true}
    %dma_start3A_343 = arith.constant 17 : i32
    %dma_start3A_344 = arith.constant 17 : i32
    %dma_start3A_345 = arith.constant 0 : i32
    %dma_start3A_346 = tpu.memref_slice %arg6[%dma_start3A_343, %dma_start3A_345] : memref<40x128xf32, #tpu.memory_space<vmem>> -> memref<1x128xf32, #tpu.memory_space<vmem>>
    %dma_start3A_347 = tpu.memref_squeeze %dma_start3A_346 : memref<1x128xf32, #tpu.memory_space<vmem>> -> memref<128xf32, #tpu.memory_space<vmem>>
    %dma_start3A_348 = arith.constant 0 : i32
    %dma_start3A_349 = tpu.memref_slice %arg5[%dma_start3A_344, %dma_start3A_348] : memref<40x128xi32, #tpu.memory_space<vmem>> -> memref<1x128xi32, #tpu.memory_space<vmem>>
    %dma_start3A_350 = tpu.memref_squeeze %dma_start3A_349 : memref<1x128xi32, #tpu.memory_space<vmem>> -> memref<128xi32, #tpu.memory_space<vmem>>
    %dma_start3A_351 = arith.constant 0 : i32
    %dma_start3A_352 = tpu.memref_slice %arg8[%dma_start3A_351] : memref<10240xf32, #tpu.memory_space<vmem_shared>> -> memref<10240xf32, #tpu.memory_space<vmem_shared>>
    tpu.enqueue_indirect_dma source(%dma_start3A_347 : memref<128xf32, #tpu.memory_space<vmem>>) target(%dma_start3A_352 : memref<10240xf32, #tpu.memory_space<vmem_shared>>) offsets(%dma_start3A_350 : memref<128xi32, #tpu.memory_space<vmem>>) semaphore(%arg9 : memref<!tpu.dma_semaphore, #tpu.memory_space<semaphore_mem>>) {add = true}
    %dma_start3A_353 = arith.constant 18 : i32
    %dma_start3A_354 = arith.constant 18 : i32
    %dma_start3A_355 = arith.constant 0 : i32
    %dma_start3A_356 = tpu.memref_slice %arg6[%dma_start3A_353, %dma_start3A_355] : memref<40x128xf32, #tpu.memory_space<vmem>> -> memref<1x128xf32, #tpu.memory_space<vmem>>
    %dma_start3A_357 = tpu.memref_squeeze %dma_start3A_356 : memref<1x128xf32, #tpu.memory_space<vmem>> -> memref<128xf32, #tpu.memory_space<vmem>>
    %dma_start3A_358 = arith.constant 0 : i32
    %dma_start3A_359 = tpu.memref_slice %arg5[%dma_start3A_354, %dma_start3A_358] : memref<40x128xi32, #tpu.memory_space<vmem>> -> memref<1x128xi32, #tpu.memory_space<vmem>>
    %dma_start3A_360 = tpu.memref_squeeze %dma_start3A_359 : memref<1x128xi32, #tpu.memory_space<vmem>> -> memref<128xi32, #tpu.memory_space<vmem>>
    %dma_start3A_361 = arith.constant 0 : i32
    %dma_start3A_362 = tpu.memref_slice %arg8[%dma_start3A_361] : memref<10240xf32, #tpu.memory_space<vmem_shared>> -> memref<10240xf32, #tpu.memory_space<vmem_shared>>
    tpu.enqueue_indirect_dma source(%dma_start3A_357 : memref<128xf32, #tpu.memory_space<vmem>>) target(%dma_start3A_362 : memref<10240xf32, #tpu.memory_space<vmem_shared>>) offsets(%dma_start3A_360 : memref<128xi32, #tpu.memory_space<vmem>>) semaphore(%arg9 : memref<!tpu.dma_semaphore, #tpu.memory_space<semaphore_mem>>) {add = true}
    %dma_start3A_363 = arith.constant 19 : i32
    %dma_start3A_364 = arith.constant 19 : i32
    %dma_start3A_365 = arith.constant 0 : i32
    %dma_start3A_366 = tpu.memref_slice %arg6[%dma_start3A_363, %dma_start3A_365] : memref<40x128xf32, #tpu.memory_space<vmem>> -> memref<1x128xf32, #tpu.memory_space<vmem>>
    %dma_start3A_367 = tpu.memref_squeeze %dma_start3A_366 : memref<1x128xf32, #tpu.memory_space<vmem>> -> memref<128xf32, #tpu.memory_space<vmem>>
    %dma_start3A_368 = arith.constant 0 : i32
    %dma_start3A_369 = tpu.memref_slice %arg5[%dma_start3A_364, %dma_start3A_368] : memref<40x128xi32, #tpu.memory_space<vmem>> -> memref<1x128xi32, #tpu.memory_space<vmem>>
    %dma_start3A_370 = tpu.memref_squeeze %dma_start3A_369 : memref<1x128xi32, #tpu.memory_space<vmem>> -> memref<128xi32, #tpu.memory_space<vmem>>
    %dma_start3A_371 = arith.constant 0 : i32
    %dma_start3A_372 = tpu.memref_slice %arg8[%dma_start3A_371] : memref<10240xf32, #tpu.memory_space<vmem_shared>> -> memref<10240xf32, #tpu.memory_space<vmem_shared>>
    tpu.enqueue_indirect_dma source(%dma_start3A_367 : memref<128xf32, #tpu.memory_space<vmem>>) target(%dma_start3A_372 : memref<10240xf32, #tpu.memory_space<vmem_shared>>) offsets(%dma_start3A_370 : memref<128xi32, #tpu.memory_space<vmem>>) semaphore(%arg9 : memref<!tpu.dma_semaphore, #tpu.memory_space<semaphore_mem>>) {add = true}
    %dma_wait3A_373 = arith.constant 10 : i32
    %dma_wait3A_374 = arith.constant 10 : i32
    %dma_wait3A_375 = arith.constant 0 : i32
    %dma_wait3A_376 = tpu.memref_slice %arg6[%dma_wait3A_373, %dma_wait3A_375] : memref<40x128xf32, #tpu.memory_space<vmem>> -> memref<1x128xf32, #tpu.memory_space<vmem>>
    %dma_wait3A_377 = tpu.memref_squeeze %dma_wait3A_376 : memref<1x128xf32, #tpu.memory_space<vmem>> -> memref<128xf32, #tpu.memory_space<vmem>>
    %dma_wait3A_378 = arith.constant 0 : i32
    %dma_wait3A_379 = tpu.memref_slice %arg5[%dma_wait3A_374, %dma_wait3A_378] : memref<40x128xi32, #tpu.memory_space<vmem>> -> memref<1x128xi32, #tpu.memory_space<vmem>>
    %dma_wait3A_380 = tpu.memref_squeeze %dma_wait3A_379 : memref<1x128xi32, #tpu.memory_space<vmem>> -> memref<128xi32, #tpu.memory_space<vmem>>
    %dma_wait3A_381 = arith.constant 0 : i32
    %dma_wait3A_382 = tpu.memref_slice %arg8[%dma_wait3A_381] : memref<10240xf32, #tpu.memory_space<vmem_shared>> -> memref<10240xf32, #tpu.memory_space<vmem_shared>>
    tpu.wait_indirect_dma semaphore(%arg9 : memref<!tpu.dma_semaphore, #tpu.memory_space<semaphore_mem>>) src(%dma_wait3A_377 : memref<128xf32, #tpu.memory_space<vmem>>) dst(%dma_wait3A_382 : memref<10240xf32, #tpu.memory_space<vmem_shared>>)
    %dma_wait3A_383 = arith.constant 11 : i32
    %dma_wait3A_384 = arith.constant 11 : i32
    %dma_wait3A_385 = arith.constant 0 : i32
    %dma_wait3A_386 = tpu.memref_slice %arg6[%dma_wait3A_383, %dma_wait3A_385] : memref<40x128xf32, #tpu.memory_space<vmem>> -> memref<1x128xf32, #tpu.memory_space<vmem>>
    %dma_wait3A_387 = tpu.memref_squeeze %dma_wait3A_386 : memref<1x128xf32, #tpu.memory_space<vmem>> -> memref<128xf32, #tpu.memory_space<vmem>>
    %dma_wait3A_388 = arith.constant 0 : i32
    %dma_wait3A_389 = tpu.memref_slice %arg5[%dma_wait3A_384, %dma_wait3A_388] : memref<40x128xi32, #tpu.memory_space<vmem>> -> memref<1x128xi32, #tpu.memory_space<vmem>>
    %dma_wait3A_390 = tpu.memref_squeeze %dma_wait3A_389 : memref<1x128xi32, #tpu.memory_space<vmem>> -> memref<128xi32, #tpu.memory_space<vmem>>
    %dma_wait3A_391 = arith.constant 0 : i32
    %dma_wait3A_392 = tpu.memref_slice %arg8[%dma_wait3A_391] : memref<10240xf32, #tpu.memory_space<vmem_shared>> -> memref<10240xf32, #tpu.memory_space<vmem_shared>>
    tpu.wait_indirect_dma semaphore(%arg9 : memref<!tpu.dma_semaphore, #tpu.memory_space<semaphore_mem>>) src(%dma_wait3A_387 : memref<128xf32, #tpu.memory_space<vmem>>) dst(%dma_wait3A_392 : memref<10240xf32, #tpu.memory_space<vmem_shared>>)
    %dma_wait3A_393 = arith.constant 12 : i32
    %dma_wait3A_394 = arith.constant 12 : i32
    %dma_wait3A_395 = arith.constant 0 : i32
    %dma_wait3A_396 = tpu.memref_slice %arg6[%dma_wait3A_393, %dma_wait3A_395] : memref<40x128xf32, #tpu.memory_space<vmem>> -> memref<1x128xf32, #tpu.memory_space<vmem>>
    %dma_wait3A_397 = tpu.memref_squeeze %dma_wait3A_396 : memref<1x128xf32, #tpu.memory_space<vmem>> -> memref<128xf32, #tpu.memory_space<vmem>>
    %dma_wait3A_398 = arith.constant 0 : i32
    %dma_wait3A_399 = tpu.memref_slice %arg5[%dma_wait3A_394, %dma_wait3A_398] : memref<40x128xi32, #tpu.memory_space<vmem>> -> memref<1x128xi32, #tpu.memory_space<vmem>>
    %dma_wait3A_400 = tpu.memref_squeeze %dma_wait3A_399 : memref<1x128xi32, #tpu.memory_space<vmem>> -> memref<128xi32, #tpu.memory_space<vmem>>
    %dma_wait3A_401 = arith.constant 0 : i32
    %dma_wait3A_402 = tpu.memref_slice %arg8[%dma_wait3A_401] : memref<10240xf32, #tpu.memory_space<vmem_shared>> -> memref<10240xf32, #tpu.memory_space<vmem_shared>>
    tpu.wait_indirect_dma semaphore(%arg9 : memref<!tpu.dma_semaphore, #tpu.memory_space<semaphore_mem>>) src(%dma_wait3A_397 : memref<128xf32, #tpu.memory_space<vmem>>) dst(%dma_wait3A_402 : memref<10240xf32, #tpu.memory_space<vmem_shared>>)
    %dma_wait3A_403 = arith.constant 13 : i32
    %dma_wait3A_404 = arith.constant 13 : i32
    %dma_wait3A_405 = arith.constant 0 : i32
    %dma_wait3A_406 = tpu.memref_slice %arg6[%dma_wait3A_403, %dma_wait3A_405] : memref<40x128xf32, #tpu.memory_space<vmem>> -> memref<1x128xf32, #tpu.memory_space<vmem>>
    %dma_wait3A_407 = tpu.memref_squeeze %dma_wait3A_406 : memref<1x128xf32, #tpu.memory_space<vmem>> -> memref<128xf32, #tpu.memory_space<vmem>>
    %dma_wait3A_408 = arith.constant 0 : i32
    %dma_wait3A_409 = tpu.memref_slice %arg5[%dma_wait3A_404, %dma_wait3A_408] : memref<40x128xi32, #tpu.memory_space<vmem>> -> memref<1x128xi32, #tpu.memory_space<vmem>>
    %dma_wait3A_410 = tpu.memref_squeeze %dma_wait3A_409 : memref<1x128xi32, #tpu.memory_space<vmem>> -> memref<128xi32, #tpu.memory_space<vmem>>
    %dma_wait3A_411 = arith.constant 0 : i32
    %dma_wait3A_412 = tpu.memref_slice %arg8[%dma_wait3A_411] : memref<10240xf32, #tpu.memory_space<vmem_shared>> -> memref<10240xf32, #tpu.memory_space<vmem_shared>>
    tpu.wait_indirect_dma semaphore(%arg9 : memref<!tpu.dma_semaphore, #tpu.memory_space<semaphore_mem>>) src(%dma_wait3A_407 : memref<128xf32, #tpu.memory_space<vmem>>) dst(%dma_wait3A_412 : memref<10240xf32, #tpu.memory_space<vmem_shared>>)
    %dma_wait3A_413 = arith.constant 14 : i32
    %dma_wait3A_414 = arith.constant 14 : i32
    %dma_wait3A_415 = arith.constant 0 : i32
    %dma_wait3A_416 = tpu.memref_slice %arg6[%dma_wait3A_413, %dma_wait3A_415] : memref<40x128xf32, #tpu.memory_space<vmem>> -> memref<1x128xf32, #tpu.memory_space<vmem>>
    %dma_wait3A_417 = tpu.memref_squeeze %dma_wait3A_416 : memref<1x128xf32, #tpu.memory_space<vmem>> -> memref<128xf32, #tpu.memory_space<vmem>>
    %dma_wait3A_418 = arith.constant 0 : i32
    %dma_wait3A_419 = tpu.memref_slice %arg5[%dma_wait3A_414, %dma_wait3A_418] : memref<40x128xi32, #tpu.memory_space<vmem>> -> memref<1x128xi32, #tpu.memory_space<vmem>>
    %dma_wait3A_420 = tpu.memref_squeeze %dma_wait3A_419 : memref<1x128xi32, #tpu.memory_space<vmem>> -> memref<128xi32, #tpu.memory_space<vmem>>
    %dma_wait3A_421 = arith.constant 0 : i32
    %dma_wait3A_422 = tpu.memref_slice %arg8[%dma_wait3A_421] : memref<10240xf32, #tpu.memory_space<vmem_shared>> -> memref<10240xf32, #tpu.memory_space<vmem_shared>>
    tpu.wait_indirect_dma semaphore(%arg9 : memref<!tpu.dma_semaphore, #tpu.memory_space<semaphore_mem>>) src(%dma_wait3A_417 : memref<128xf32, #tpu.memory_space<vmem>>) dst(%dma_wait3A_422 : memref<10240xf32, #tpu.memory_space<vmem_shared>>)
    %dma_wait3A_423 = arith.constant 15 : i32
    %dma_wait3A_424 = arith.constant 15 : i32
    %dma_wait3A_425 = arith.constant 0 : i32
    %dma_wait3A_426 = tpu.memref_slice %arg6[%dma_wait3A_423, %dma_wait3A_425] : memref<40x128xf32, #tpu.memory_space<vmem>> -> memref<1x128xf32, #tpu.memory_space<vmem>>
    %dma_wait3A_427 = tpu.memref_squeeze %dma_wait3A_426 : memref<1x128xf32, #tpu.memory_space<vmem>> -> memref<128xf32, #tpu.memory_space<vmem>>
    %dma_wait3A_428 = arith.constant 0 : i32
    %dma_wait3A_429 = tpu.memref_slice %arg5[%dma_wait3A_424, %dma_wait3A_428] : memref<40x128xi32, #tpu.memory_space<vmem>> -> memref<1x128xi32, #tpu.memory_space<vmem>>
    %dma_wait3A_430 = tpu.memref_squeeze %dma_wait3A_429 : memref<1x128xi32, #tpu.memory_space<vmem>> -> memref<128xi32, #tpu.memory_space<vmem>>
    %dma_wait3A_431 = arith.constant 0 : i32
    %dma_wait3A_432 = tpu.memref_slice %arg8[%dma_wait3A_431] : memref<10240xf32, #tpu.memory_space<vmem_shared>> -> memref<10240xf32, #tpu.memory_space<vmem_shared>>
    tpu.wait_indirect_dma semaphore(%arg9 : memref<!tpu.dma_semaphore, #tpu.memory_space<semaphore_mem>>) src(%dma_wait3A_427 : memref<128xf32, #tpu.memory_space<vmem>>) dst(%dma_wait3A_432 : memref<10240xf32, #tpu.memory_space<vmem_shared>>)
    %dma_wait3A_433 = arith.constant 16 : i32
    %dma_wait3A_434 = arith.constant 16 : i32
    %dma_wait3A_435 = arith.constant 0 : i32
    %dma_wait3A_436 = tpu.memref_slice %arg6[%dma_wait3A_433, %dma_wait3A_435] : memref<40x128xf32, #tpu.memory_space<vmem>> -> memref<1x128xf32, #tpu.memory_space<vmem>>
    %dma_wait3A_437 = tpu.memref_squeeze %dma_wait3A_436 : memref<1x128xf32, #tpu.memory_space<vmem>> -> memref<128xf32, #tpu.memory_space<vmem>>
    %dma_wait3A_438 = arith.constant 0 : i32
    %dma_wait3A_439 = tpu.memref_slice %arg5[%dma_wait3A_434, %dma_wait3A_438] : memref<40x128xi32, #tpu.memory_space<vmem>> -> memref<1x128xi32, #tpu.memory_space<vmem>>
    %dma_wait3A_440 = tpu.memref_squeeze %dma_wait3A_439 : memref<1x128xi32, #tpu.memory_space<vmem>> -> memref<128xi32, #tpu.memory_space<vmem>>
    %dma_wait3A_441 = arith.constant 0 : i32
    %dma_wait3A_442 = tpu.memref_slice %arg8[%dma_wait3A_441] : memref<10240xf32, #tpu.memory_space<vmem_shared>> -> memref<10240xf32, #tpu.memory_space<vmem_shared>>
    tpu.wait_indirect_dma semaphore(%arg9 : memref<!tpu.dma_semaphore, #tpu.memory_space<semaphore_mem>>) src(%dma_wait3A_437 : memref<128xf32, #tpu.memory_space<vmem>>) dst(%dma_wait3A_442 : memref<10240xf32, #tpu.memory_space<vmem_shared>>)
    %dma_wait3A_443 = arith.constant 17 : i32
    %dma_wait3A_444 = arith.constant 17 : i32
    %dma_wait3A_445 = arith.constant 0 : i32
    %dma_wait3A_446 = tpu.memref_slice %arg6[%dma_wait3A_443, %dma_wait3A_445] : memref<40x128xf32, #tpu.memory_space<vmem>> -> memref<1x128xf32, #tpu.memory_space<vmem>>
    %dma_wait3A_447 = tpu.memref_squeeze %dma_wait3A_446 : memref<1x128xf32, #tpu.memory_space<vmem>> -> memref<128xf32, #tpu.memory_space<vmem>>
    %dma_wait3A_448 = arith.constant 0 : i32
    %dma_wait3A_449 = tpu.memref_slice %arg5[%dma_wait3A_444, %dma_wait3A_448] : memref<40x128xi32, #tpu.memory_space<vmem>> -> memref<1x128xi32, #tpu.memory_space<vmem>>
    %dma_wait3A_450 = tpu.memref_squeeze %dma_wait3A_449 : memref<1x128xi32, #tpu.memory_space<vmem>> -> memref<128xi32, #tpu.memory_space<vmem>>
    %dma_wait3A_451 = arith.constant 0 : i32
    %dma_wait3A_452 = tpu.memref_slice %arg8[%dma_wait3A_451] : memref<10240xf32, #tpu.memory_space<vmem_shared>> -> memref<10240xf32, #tpu.memory_space<vmem_shared>>
    tpu.wait_indirect_dma semaphore(%arg9 : memref<!tpu.dma_semaphore, #tpu.memory_space<semaphore_mem>>) src(%dma_wait3A_447 : memref<128xf32, #tpu.memory_space<vmem>>) dst(%dma_wait3A_452 : memref<10240xf32, #tpu.memory_space<vmem_shared>>)
    %dma_wait3A_453 = arith.constant 18 : i32
    %dma_wait3A_454 = arith.constant 18 : i32
    %dma_wait3A_455 = arith.constant 0 : i32
    %dma_wait3A_456 = tpu.memref_slice %arg6[%dma_wait3A_453, %dma_wait3A_455] : memref<40x128xf32, #tpu.memory_space<vmem>> -> memref<1x128xf32, #tpu.memory_space<vmem>>
    %dma_wait3A_457 = tpu.memref_squeeze %dma_wait3A_456 : memref<1x128xf32, #tpu.memory_space<vmem>> -> memref<128xf32, #tpu.memory_space<vmem>>
    %dma_wait3A_458 = arith.constant 0 : i32
    %dma_wait3A_459 = tpu.memref_slice %arg5[%dma_wait3A_454, %dma_wait3A_458] : memref<40x128xi32, #tpu.memory_space<vmem>> -> memref<1x128xi32, #tpu.memory_space<vmem>>
    %dma_wait3A_460 = tpu.memref_squeeze %dma_wait3A_459 : memref<1x128xi32, #tpu.memory_space<vmem>> -> memref<128xi32, #tpu.memory_space<vmem>>
    %dma_wait3A_461 = arith.constant 0 : i32
    %dma_wait3A_462 = tpu.memref_slice %arg8[%dma_wait3A_461] : memref<10240xf32, #tpu.memory_space<vmem_shared>> -> memref<10240xf32, #tpu.memory_space<vmem_shared>>
    tpu.wait_indirect_dma semaphore(%arg9 : memref<!tpu.dma_semaphore, #tpu.memory_space<semaphore_mem>>) src(%dma_wait3A_457 : memref<128xf32, #tpu.memory_space<vmem>>) dst(%dma_wait3A_462 : memref<10240xf32, #tpu.memory_space<vmem_shared>>)
    %dma_wait3A_463 = arith.constant 19 : i32
    %dma_wait3A_464 = arith.constant 19 : i32
    %dma_wait3A_465 = arith.constant 0 : i32
    %dma_wait3A_466 = tpu.memref_slice %arg6[%dma_wait3A_463, %dma_wait3A_465] : memref<40x128xf32, #tpu.memory_space<vmem>> -> memref<1x128xf32, #tpu.memory_space<vmem>>
    %dma_wait3A_467 = tpu.memref_squeeze %dma_wait3A_466 : memref<1x128xf32, #tpu.memory_space<vmem>> -> memref<128xf32, #tpu.memory_space<vmem>>
    %dma_wait3A_468 = arith.constant 0 : i32
    %dma_wait3A_469 = tpu.memref_slice %arg5[%dma_wait3A_464, %dma_wait3A_468] : memref<40x128xi32, #tpu.memory_space<vmem>> -> memref<1x128xi32, #tpu.memory_space<vmem>>
    %dma_wait3A_470 = tpu.memref_squeeze %dma_wait3A_469 : memref<1x128xi32, #tpu.memory_space<vmem>> -> memref<128xi32, #tpu.memory_space<vmem>>
    %dma_wait3A_471 = arith.constant 0 : i32
    %dma_wait3A_472 = tpu.memref_slice %arg8[%dma_wait3A_471] : memref<10240xf32, #tpu.memory_space<vmem_shared>> -> memref<10240xf32, #tpu.memory_space<vmem_shared>>
    tpu.wait_indirect_dma semaphore(%arg9 : memref<!tpu.dma_semaphore, #tpu.memory_space<semaphore_mem>>) src(%dma_wait3A_467 : memref<128xf32, #tpu.memory_space<vmem>>) dst(%dma_wait3A_472 : memref<10240xf32, #tpu.memory_space<vmem_shared>>)
    %dma_start3A_473 = arith.constant 20 : i32
    %dma_start3A_474 = arith.constant 20 : i32
    %dma_start3A_475 = arith.constant 0 : i32
    %dma_start3A_476 = tpu.memref_slice %arg6[%dma_start3A_473, %dma_start3A_475] : memref<40x128xf32, #tpu.memory_space<vmem>> -> memref<1x128xf32, #tpu.memory_space<vmem>>
    %dma_start3A_477 = tpu.memref_squeeze %dma_start3A_476 : memref<1x128xf32, #tpu.memory_space<vmem>> -> memref<128xf32, #tpu.memory_space<vmem>>
    %dma_start3A_478 = arith.constant 0 : i32
    %dma_start3A_479 = tpu.memref_slice %arg5[%dma_start3A_474, %dma_start3A_478] : memref<40x128xi32, #tpu.memory_space<vmem>> -> memref<1x128xi32, #tpu.memory_space<vmem>>
    %dma_start3A_480 = tpu.memref_squeeze %dma_start3A_479 : memref<1x128xi32, #tpu.memory_space<vmem>> -> memref<128xi32, #tpu.memory_space<vmem>>
    %dma_start3A_481 = arith.constant 0 : i32
    %dma_start3A_482 = tpu.memref_slice %arg8[%dma_start3A_481] : memref<10240xf32, #tpu.memory_space<vmem_shared>> -> memref<10240xf32, #tpu.memory_space<vmem_shared>>
    tpu.enqueue_indirect_dma source(%dma_start3A_477 : memref<128xf32, #tpu.memory_space<vmem>>) target(%dma_start3A_482 : memref<10240xf32, #tpu.memory_space<vmem_shared>>) offsets(%dma_start3A_480 : memref<128xi32, #tpu.memory_space<vmem>>) semaphore(%arg9 : memref<!tpu.dma_semaphore, #tpu.memory_space<semaphore_mem>>) {add = true}
    %dma_start3A_483 = arith.constant 21 : i32
    %dma_start3A_484 = arith.constant 21 : i32
    %dma_start3A_485 = arith.constant 0 : i32
    %dma_start3A_486 = tpu.memref_slice %arg6[%dma_start3A_483, %dma_start3A_485] : memref<40x128xf32, #tpu.memory_space<vmem>> -> memref<1x128xf32, #tpu.memory_space<vmem>>
    %dma_start3A_487 = tpu.memref_squeeze %dma_start3A_486 : memref<1x128xf32, #tpu.memory_space<vmem>> -> memref<128xf32, #tpu.memory_space<vmem>>
    %dma_start3A_488 = arith.constant 0 : i32
    %dma_start3A_489 = tpu.memref_slice %arg5[%dma_start3A_484, %dma_start3A_488] : memref<40x128xi32, #tpu.memory_space<vmem>> -> memref<1x128xi32, #tpu.memory_space<vmem>>
    %dma_start3A_490 = tpu.memref_squeeze %dma_start3A_489 : memref<1x128xi32, #tpu.memory_space<vmem>> -> memref<128xi32, #tpu.memory_space<vmem>>
    %dma_start3A_491 = arith.constant 0 : i32
    %dma_start3A_492 = tpu.memref_slice %arg8[%dma_start3A_491] : memref<10240xf32, #tpu.memory_space<vmem_shared>> -> memref<10240xf32, #tpu.memory_space<vmem_shared>>
    tpu.enqueue_indirect_dma source(%dma_start3A_487 : memref<128xf32, #tpu.memory_space<vmem>>) target(%dma_start3A_492 : memref<10240xf32, #tpu.memory_space<vmem_shared>>) offsets(%dma_start3A_490 : memref<128xi32, #tpu.memory_space<vmem>>) semaphore(%arg9 : memref<!tpu.dma_semaphore, #tpu.memory_space<semaphore_mem>>) {add = true}
    %dma_start3A_493 = arith.constant 22 : i32
    %dma_start3A_494 = arith.constant 22 : i32
    %dma_start3A_495 = arith.constant 0 : i32
    %dma_start3A_496 = tpu.memref_slice %arg6[%dma_start3A_493, %dma_start3A_495] : memref<40x128xf32, #tpu.memory_space<vmem>> -> memref<1x128xf32, #tpu.memory_space<vmem>>
    %dma_start3A_497 = tpu.memref_squeeze %dma_start3A_496 : memref<1x128xf32, #tpu.memory_space<vmem>> -> memref<128xf32, #tpu.memory_space<vmem>>
    %dma_start3A_498 = arith.constant 0 : i32
    %dma_start3A_499 = tpu.memref_slice %arg5[%dma_start3A_494, %dma_start3A_498] : memref<40x128xi32, #tpu.memory_space<vmem>> -> memref<1x128xi32, #tpu.memory_space<vmem>>
    %dma_start3A_500 = tpu.memref_squeeze %dma_start3A_499 : memref<1x128xi32, #tpu.memory_space<vmem>> -> memref<128xi32, #tpu.memory_space<vmem>>
    %dma_start3A_501 = arith.constant 0 : i32
    %dma_start3A_502 = tpu.memref_slice %arg8[%dma_start3A_501] : memref<10240xf32, #tpu.memory_space<vmem_shared>> -> memref<10240xf32, #tpu.memory_space<vmem_shared>>
    tpu.enqueue_indirect_dma source(%dma_start3A_497 : memref<128xf32, #tpu.memory_space<vmem>>) target(%dma_start3A_502 : memref<10240xf32, #tpu.memory_space<vmem_shared>>) offsets(%dma_start3A_500 : memref<128xi32, #tpu.memory_space<vmem>>) semaphore(%arg9 : memref<!tpu.dma_semaphore, #tpu.memory_space<semaphore_mem>>) {add = true}
    %dma_start3A_503 = arith.constant 23 : i32
    %dma_start3A_504 = arith.constant 23 : i32
    %dma_start3A_505 = arith.constant 0 : i32
    %dma_start3A_506 = tpu.memref_slice %arg6[%dma_start3A_503, %dma_start3A_505] : memref<40x128xf32, #tpu.memory_space<vmem>> -> memref<1x128xf32, #tpu.memory_space<vmem>>
    %dma_start3A_507 = tpu.memref_squeeze %dma_start3A_506 : memref<1x128xf32, #tpu.memory_space<vmem>> -> memref<128xf32, #tpu.memory_space<vmem>>
    %dma_start3A_508 = arith.constant 0 : i32
    %dma_start3A_509 = tpu.memref_slice %arg5[%dma_start3A_504, %dma_start3A_508] : memref<40x128xi32, #tpu.memory_space<vmem>> -> memref<1x128xi32, #tpu.memory_space<vmem>>
    %dma_start3A_510 = tpu.memref_squeeze %dma_start3A_509 : memref<1x128xi32, #tpu.memory_space<vmem>> -> memref<128xi32, #tpu.memory_space<vmem>>
    %dma_start3A_511 = arith.constant 0 : i32
    %dma_start3A_512 = tpu.memref_slice %arg8[%dma_start3A_511] : memref<10240xf32, #tpu.memory_space<vmem_shared>> -> memref<10240xf32, #tpu.memory_space<vmem_shared>>
    tpu.enqueue_indirect_dma source(%dma_start3A_507 : memref<128xf32, #tpu.memory_space<vmem>>) target(%dma_start3A_512 : memref<10240xf32, #tpu.memory_space<vmem_shared>>) offsets(%dma_start3A_510 : memref<128xi32, #tpu.memory_space<vmem>>) semaphore(%arg9 : memref<!tpu.dma_semaphore, #tpu.memory_space<semaphore_mem>>) {add = true}
    %dma_start3A_513 = arith.constant 24 : i32
    %dma_start3A_514 = arith.constant 24 : i32
    %dma_start3A_515 = arith.constant 0 : i32
    %dma_start3A_516 = tpu.memref_slice %arg6[%dma_start3A_513, %dma_start3A_515] : memref<40x128xf32, #tpu.memory_space<vmem>> -> memref<1x128xf32, #tpu.memory_space<vmem>>
    %dma_start3A_517 = tpu.memref_squeeze %dma_start3A_516 : memref<1x128xf32, #tpu.memory_space<vmem>> -> memref<128xf32, #tpu.memory_space<vmem>>
    %dma_start3A_518 = arith.constant 0 : i32
    %dma_start3A_519 = tpu.memref_slice %arg5[%dma_start3A_514, %dma_start3A_518] : memref<40x128xi32, #tpu.memory_space<vmem>> -> memref<1x128xi32, #tpu.memory_space<vmem>>
    %dma_start3A_520 = tpu.memref_squeeze %dma_start3A_519 : memref<1x128xi32, #tpu.memory_space<vmem>> -> memref<128xi32, #tpu.memory_space<vmem>>
    %dma_start3A_521 = arith.constant 0 : i32
    %dma_start3A_522 = tpu.memref_slice %arg8[%dma_start3A_521] : memref<10240xf32, #tpu.memory_space<vmem_shared>> -> memref<10240xf32, #tpu.memory_space<vmem_shared>>
    tpu.enqueue_indirect_dma source(%dma_start3A_517 : memref<128xf32, #tpu.memory_space<vmem>>) target(%dma_start3A_522 : memref<10240xf32, #tpu.memory_space<vmem_shared>>) offsets(%dma_start3A_520 : memref<128xi32, #tpu.memory_space<vmem>>) semaphore(%arg9 : memref<!tpu.dma_semaphore, #tpu.memory_space<semaphore_mem>>) {add = true}
    %dma_start3A_523 = arith.constant 25 : i32
    %dma_start3A_524 = arith.constant 25 : i32
    %dma_start3A_525 = arith.constant 0 : i32
    %dma_start3A_526 = tpu.memref_slice %arg6[%dma_start3A_523, %dma_start3A_525] : memref<40x128xf32, #tpu.memory_space<vmem>> -> memref<1x128xf32, #tpu.memory_space<vmem>>
    %dma_start3A_527 = tpu.memref_squeeze %dma_start3A_526 : memref<1x128xf32, #tpu.memory_space<vmem>> -> memref<128xf32, #tpu.memory_space<vmem>>
    %dma_start3A_528 = arith.constant 0 : i32
    %dma_start3A_529 = tpu.memref_slice %arg5[%dma_start3A_524, %dma_start3A_528] : memref<40x128xi32, #tpu.memory_space<vmem>> -> memref<1x128xi32, #tpu.memory_space<vmem>>
    %dma_start3A_530 = tpu.memref_squeeze %dma_start3A_529 : memref<1x128xi32, #tpu.memory_space<vmem>> -> memref<128xi32, #tpu.memory_space<vmem>>
    %dma_start3A_531 = arith.constant 0 : i32
    %dma_start3A_532 = tpu.memref_slice %arg8[%dma_start3A_531] : memref<10240xf32, #tpu.memory_space<vmem_shared>> -> memref<10240xf32, #tpu.memory_space<vmem_shared>>
    tpu.enqueue_indirect_dma source(%dma_start3A_527 : memref<128xf32, #tpu.memory_space<vmem>>) target(%dma_start3A_532 : memref<10240xf32, #tpu.memory_space<vmem_shared>>) offsets(%dma_start3A_530 : memref<128xi32, #tpu.memory_space<vmem>>) semaphore(%arg9 : memref<!tpu.dma_semaphore, #tpu.memory_space<semaphore_mem>>) {add = true}
    %dma_start3A_533 = arith.constant 26 : i32
    %dma_start3A_534 = arith.constant 26 : i32
    %dma_start3A_535 = arith.constant 0 : i32
    %dma_start3A_536 = tpu.memref_slice %arg6[%dma_start3A_533, %dma_start3A_535] : memref<40x128xf32, #tpu.memory_space<vmem>> -> memref<1x128xf32, #tpu.memory_space<vmem>>
    %dma_start3A_537 = tpu.memref_squeeze %dma_start3A_536 : memref<1x128xf32, #tpu.memory_space<vmem>> -> memref<128xf32, #tpu.memory_space<vmem>>
    %dma_start3A_538 = arith.constant 0 : i32
    %dma_start3A_539 = tpu.memref_slice %arg5[%dma_start3A_534, %dma_start3A_538] : memref<40x128xi32, #tpu.memory_space<vmem>> -> memref<1x128xi32, #tpu.memory_space<vmem>>
    %dma_start3A_540 = tpu.memref_squeeze %dma_start3A_539 : memref<1x128xi32, #tpu.memory_space<vmem>> -> memref<128xi32, #tpu.memory_space<vmem>>
    %dma_start3A_541 = arith.constant 0 : i32
    %dma_start3A_542 = tpu.memref_slice %arg8[%dma_start3A_541] : memref<10240xf32, #tpu.memory_space<vmem_shared>> -> memref<10240xf32, #tpu.memory_space<vmem_shared>>
    tpu.enqueue_indirect_dma source(%dma_start3A_537 : memref<128xf32, #tpu.memory_space<vmem>>) target(%dma_start3A_542 : memref<10240xf32, #tpu.memory_space<vmem_shared>>) offsets(%dma_start3A_540 : memref<128xi32, #tpu.memory_space<vmem>>) semaphore(%arg9 : memref<!tpu.dma_semaphore, #tpu.memory_space<semaphore_mem>>) {add = true}
    %dma_start3A_543 = arith.constant 27 : i32
    %dma_start3A_544 = arith.constant 27 : i32
    %dma_start3A_545 = arith.constant 0 : i32
    %dma_start3A_546 = tpu.memref_slice %arg6[%dma_start3A_543, %dma_start3A_545] : memref<40x128xf32, #tpu.memory_space<vmem>> -> memref<1x128xf32, #tpu.memory_space<vmem>>
    %dma_start3A_547 = tpu.memref_squeeze %dma_start3A_546 : memref<1x128xf32, #tpu.memory_space<vmem>> -> memref<128xf32, #tpu.memory_space<vmem>>
    %dma_start3A_548 = arith.constant 0 : i32
    %dma_start3A_549 = tpu.memref_slice %arg5[%dma_start3A_544, %dma_start3A_548] : memref<40x128xi32, #tpu.memory_space<vmem>> -> memref<1x128xi32, #tpu.memory_space<vmem>>
    %dma_start3A_550 = tpu.memref_squeeze %dma_start3A_549 : memref<1x128xi32, #tpu.memory_space<vmem>> -> memref<128xi32, #tpu.memory_space<vmem>>
    %dma_start3A_551 = arith.constant 0 : i32
    %dma_start3A_552 = tpu.memref_slice %arg8[%dma_start3A_551] : memref<10240xf32, #tpu.memory_space<vmem_shared>> -> memref<10240xf32, #tpu.memory_space<vmem_shared>>
    tpu.enqueue_indirect_dma source(%dma_start3A_547 : memref<128xf32, #tpu.memory_space<vmem>>) target(%dma_start3A_552 : memref<10240xf32, #tpu.memory_space<vmem_shared>>) offsets(%dma_start3A_550 : memref<128xi32, #tpu.memory_space<vmem>>) semaphore(%arg9 : memref<!tpu.dma_semaphore, #tpu.memory_space<semaphore_mem>>) {add = true}
    %dma_start3A_553 = arith.constant 28 : i32
    %dma_start3A_554 = arith.constant 28 : i32
    %dma_start3A_555 = arith.constant 0 : i32
    %dma_start3A_556 = tpu.memref_slice %arg6[%dma_start3A_553, %dma_start3A_555] : memref<40x128xf32, #tpu.memory_space<vmem>> -> memref<1x128xf32, #tpu.memory_space<vmem>>
    %dma_start3A_557 = tpu.memref_squeeze %dma_start3A_556 : memref<1x128xf32, #tpu.memory_space<vmem>> -> memref<128xf32, #tpu.memory_space<vmem>>
    %dma_start3A_558 = arith.constant 0 : i32
    %dma_start3A_559 = tpu.memref_slice %arg5[%dma_start3A_554, %dma_start3A_558] : memref<40x128xi32, #tpu.memory_space<vmem>> -> memref<1x128xi32, #tpu.memory_space<vmem>>
    %dma_start3A_560 = tpu.memref_squeeze %dma_start3A_559 : memref<1x128xi32, #tpu.memory_space<vmem>> -> memref<128xi32, #tpu.memory_space<vmem>>
    %dma_start3A_561 = arith.constant 0 : i32
    %dma_start3A_562 = tpu.memref_slice %arg8[%dma_start3A_561] : memref<10240xf32, #tpu.memory_space<vmem_shared>> -> memref<10240xf32, #tpu.memory_space<vmem_shared>>
    tpu.enqueue_indirect_dma source(%dma_start3A_557 : memref<128xf32, #tpu.memory_space<vmem>>) target(%dma_start3A_562 : memref<10240xf32, #tpu.memory_space<vmem_shared>>) offsets(%dma_start3A_560 : memref<128xi32, #tpu.memory_space<vmem>>) semaphore(%arg9 : memref<!tpu.dma_semaphore, #tpu.memory_space<semaphore_mem>>) {add = true}
    %dma_start3A_563 = arith.constant 29 : i32
    %dma_start3A_564 = arith.constant 29 : i32
    %dma_start3A_565 = arith.constant 0 : i32
    %dma_start3A_566 = tpu.memref_slice %arg6[%dma_start3A_563, %dma_start3A_565] : memref<40x128xf32, #tpu.memory_space<vmem>> -> memref<1x128xf32, #tpu.memory_space<vmem>>
    %dma_start3A_567 = tpu.memref_squeeze %dma_start3A_566 : memref<1x128xf32, #tpu.memory_space<vmem>> -> memref<128xf32, #tpu.memory_space<vmem>>
    %dma_start3A_568 = arith.constant 0 : i32
    %dma_start3A_569 = tpu.memref_slice %arg5[%dma_start3A_564, %dma_start3A_568] : memref<40x128xi32, #tpu.memory_space<vmem>> -> memref<1x128xi32, #tpu.memory_space<vmem>>
    %dma_start3A_570 = tpu.memref_squeeze %dma_start3A_569 : memref<1x128xi32, #tpu.memory_space<vmem>> -> memref<128xi32, #tpu.memory_space<vmem>>
    %dma_start3A_571 = arith.constant 0 : i32
    %dma_start3A_572 = tpu.memref_slice %arg8[%dma_start3A_571] : memref<10240xf32, #tpu.memory_space<vmem_shared>> -> memref<10240xf32, #tpu.memory_space<vmem_shared>>
    tpu.enqueue_indirect_dma source(%dma_start3A_567 : memref<128xf32, #tpu.memory_space<vmem>>) target(%dma_start3A_572 : memref<10240xf32, #tpu.memory_space<vmem_shared>>) offsets(%dma_start3A_570 : memref<128xi32, #tpu.memory_space<vmem>>) semaphore(%arg9 : memref<!tpu.dma_semaphore, #tpu.memory_space<semaphore_mem>>) {add = true}
    %dma_wait3A_573 = arith.constant 20 : i32
    %dma_wait3A_574 = arith.constant 20 : i32
    %dma_wait3A_575 = arith.constant 0 : i32
    %dma_wait3A_576 = tpu.memref_slice %arg6[%dma_wait3A_573, %dma_wait3A_575] : memref<40x128xf32, #tpu.memory_space<vmem>> -> memref<1x128xf32, #tpu.memory_space<vmem>>
    %dma_wait3A_577 = tpu.memref_squeeze %dma_wait3A_576 : memref<1x128xf32, #tpu.memory_space<vmem>> -> memref<128xf32, #tpu.memory_space<vmem>>
    %dma_wait3A_578 = arith.constant 0 : i32
    %dma_wait3A_579 = tpu.memref_slice %arg5[%dma_wait3A_574, %dma_wait3A_578] : memref<40x128xi32, #tpu.memory_space<vmem>> -> memref<1x128xi32, #tpu.memory_space<vmem>>
    %dma_wait3A_580 = tpu.memref_squeeze %dma_wait3A_579 : memref<1x128xi32, #tpu.memory_space<vmem>> -> memref<128xi32, #tpu.memory_space<vmem>>
    %dma_wait3A_581 = arith.constant 0 : i32
    %dma_wait3A_582 = tpu.memref_slice %arg8[%dma_wait3A_581] : memref<10240xf32, #tpu.memory_space<vmem_shared>> -> memref<10240xf32, #tpu.memory_space<vmem_shared>>
    tpu.wait_indirect_dma semaphore(%arg9 : memref<!tpu.dma_semaphore, #tpu.memory_space<semaphore_mem>>) src(%dma_wait3A_577 : memref<128xf32, #tpu.memory_space<vmem>>) dst(%dma_wait3A_582 : memref<10240xf32, #tpu.memory_space<vmem_shared>>)
    %dma_wait3A_583 = arith.constant 21 : i32
    %dma_wait3A_584 = arith.constant 21 : i32
    %dma_wait3A_585 = arith.constant 0 : i32
    %dma_wait3A_586 = tpu.memref_slice %arg6[%dma_wait3A_583, %dma_wait3A_585] : memref<40x128xf32, #tpu.memory_space<vmem>> -> memref<1x128xf32, #tpu.memory_space<vmem>>
    %dma_wait3A_587 = tpu.memref_squeeze %dma_wait3A_586 : memref<1x128xf32, #tpu.memory_space<vmem>> -> memref<128xf32, #tpu.memory_space<vmem>>
    %dma_wait3A_588 = arith.constant 0 : i32
    %dma_wait3A_589 = tpu.memref_slice %arg5[%dma_wait3A_584, %dma_wait3A_588] : memref<40x128xi32, #tpu.memory_space<vmem>> -> memref<1x128xi32, #tpu.memory_space<vmem>>
    %dma_wait3A_590 = tpu.memref_squeeze %dma_wait3A_589 : memref<1x128xi32, #tpu.memory_space<vmem>> -> memref<128xi32, #tpu.memory_space<vmem>>
    %dma_wait3A_591 = arith.constant 0 : i32
    %dma_wait3A_592 = tpu.memref_slice %arg8[%dma_wait3A_591] : memref<10240xf32, #tpu.memory_space<vmem_shared>> -> memref<10240xf32, #tpu.memory_space<vmem_shared>>
    tpu.wait_indirect_dma semaphore(%arg9 : memref<!tpu.dma_semaphore, #tpu.memory_space<semaphore_mem>>) src(%dma_wait3A_587 : memref<128xf32, #tpu.memory_space<vmem>>) dst(%dma_wait3A_592 : memref<10240xf32, #tpu.memory_space<vmem_shared>>)
    %dma_wait3A_593 = arith.constant 22 : i32
    %dma_wait3A_594 = arith.constant 22 : i32
    %dma_wait3A_595 = arith.constant 0 : i32
    %dma_wait3A_596 = tpu.memref_slice %arg6[%dma_wait3A_593, %dma_wait3A_595] : memref<40x128xf32, #tpu.memory_space<vmem>> -> memref<1x128xf32, #tpu.memory_space<vmem>>
    %dma_wait3A_597 = tpu.memref_squeeze %dma_wait3A_596 : memref<1x128xf32, #tpu.memory_space<vmem>> -> memref<128xf32, #tpu.memory_space<vmem>>
    %dma_wait3A_598 = arith.constant 0 : i32
    %dma_wait3A_599 = tpu.memref_slice %arg5[%dma_wait3A_594, %dma_wait3A_598] : memref<40x128xi32, #tpu.memory_space<vmem>> -> memref<1x128xi32, #tpu.memory_space<vmem>>
    %dma_wait3A_600 = tpu.memref_squeeze %dma_wait3A_599 : memref<1x128xi32, #tpu.memory_space<vmem>> -> memref<128xi32, #tpu.memory_space<vmem>>
    %dma_wait3A_601 = arith.constant 0 : i32
    %dma_wait3A_602 = tpu.memref_slice %arg8[%dma_wait3A_601] : memref<10240xf32, #tpu.memory_space<vmem_shared>> -> memref<10240xf32, #tpu.memory_space<vmem_shared>>
    tpu.wait_indirect_dma semaphore(%arg9 : memref<!tpu.dma_semaphore, #tpu.memory_space<semaphore_mem>>) src(%dma_wait3A_597 : memref<128xf32, #tpu.memory_space<vmem>>) dst(%dma_wait3A_602 : memref<10240xf32, #tpu.memory_space<vmem_shared>>)
    %dma_wait3A_603 = arith.constant 23 : i32
    %dma_wait3A_604 = arith.constant 23 : i32
    %dma_wait3A_605 = arith.constant 0 : i32
    %dma_wait3A_606 = tpu.memref_slice %arg6[%dma_wait3A_603, %dma_wait3A_605] : memref<40x128xf32, #tpu.memory_space<vmem>> -> memref<1x128xf32, #tpu.memory_space<vmem>>
    %dma_wait3A_607 = tpu.memref_squeeze %dma_wait3A_606 : memref<1x128xf32, #tpu.memory_space<vmem>> -> memref<128xf32, #tpu.memory_space<vmem>>
    %dma_wait3A_608 = arith.constant 0 : i32
    %dma_wait3A_609 = tpu.memref_slice %arg5[%dma_wait3A_604, %dma_wait3A_608] : memref<40x128xi32, #tpu.memory_space<vmem>> -> memref<1x128xi32, #tpu.memory_space<vmem>>
    %dma_wait3A_610 = tpu.memref_squeeze %dma_wait3A_609 : memref<1x128xi32, #tpu.memory_space<vmem>> -> memref<128xi32, #tpu.memory_space<vmem>>
    %dma_wait3A_611 = arith.constant 0 : i32
    %dma_wait3A_612 = tpu.memref_slice %arg8[%dma_wait3A_611] : memref<10240xf32, #tpu.memory_space<vmem_shared>> -> memref<10240xf32, #tpu.memory_space<vmem_shared>>
    tpu.wait_indirect_dma semaphore(%arg9 : memref<!tpu.dma_semaphore, #tpu.memory_space<semaphore_mem>>) src(%dma_wait3A_607 : memref<128xf32, #tpu.memory_space<vmem>>) dst(%dma_wait3A_612 : memref<10240xf32, #tpu.memory_space<vmem_shared>>)
    %dma_wait3A_613 = arith.constant 24 : i32
    %dma_wait3A_614 = arith.constant 24 : i32
    %dma_wait3A_615 = arith.constant 0 : i32
    %dma_wait3A_616 = tpu.memref_slice %arg6[%dma_wait3A_613, %dma_wait3A_615] : memref<40x128xf32, #tpu.memory_space<vmem>> -> memref<1x128xf32, #tpu.memory_space<vmem>>
    %dma_wait3A_617 = tpu.memref_squeeze %dma_wait3A_616 : memref<1x128xf32, #tpu.memory_space<vmem>> -> memref<128xf32, #tpu.memory_space<vmem>>
    %dma_wait3A_618 = arith.constant 0 : i32
    %dma_wait3A_619 = tpu.memref_slice %arg5[%dma_wait3A_614, %dma_wait3A_618] : memref<40x128xi32, #tpu.memory_space<vmem>> -> memref<1x128xi32, #tpu.memory_space<vmem>>
    %dma_wait3A_620 = tpu.memref_squeeze %dma_wait3A_619 : memref<1x128xi32, #tpu.memory_space<vmem>> -> memref<128xi32, #tpu.memory_space<vmem>>
    %dma_wait3A_621 = arith.constant 0 : i32
    %dma_wait3A_622 = tpu.memref_slice %arg8[%dma_wait3A_621] : memref<10240xf32, #tpu.memory_space<vmem_shared>> -> memref<10240xf32, #tpu.memory_space<vmem_shared>>
    tpu.wait_indirect_dma semaphore(%arg9 : memref<!tpu.dma_semaphore, #tpu.memory_space<semaphore_mem>>) src(%dma_wait3A_617 : memref<128xf32, #tpu.memory_space<vmem>>) dst(%dma_wait3A_622 : memref<10240xf32, #tpu.memory_space<vmem_shared>>)
    %dma_wait3A_623 = arith.constant 25 : i32
    %dma_wait3A_624 = arith.constant 25 : i32
    %dma_wait3A_625 = arith.constant 0 : i32
    %dma_wait3A_626 = tpu.memref_slice %arg6[%dma_wait3A_623, %dma_wait3A_625] : memref<40x128xf32, #tpu.memory_space<vmem>> -> memref<1x128xf32, #tpu.memory_space<vmem>>
    %dma_wait3A_627 = tpu.memref_squeeze %dma_wait3A_626 : memref<1x128xf32, #tpu.memory_space<vmem>> -> memref<128xf32, #tpu.memory_space<vmem>>
    %dma_wait3A_628 = arith.constant 0 : i32
    %dma_wait3A_629 = tpu.memref_slice %arg5[%dma_wait3A_624, %dma_wait3A_628] : memref<40x128xi32, #tpu.memory_space<vmem>> -> memref<1x128xi32, #tpu.memory_space<vmem>>
    %dma_wait3A_630 = tpu.memref_squeeze %dma_wait3A_629 : memref<1x128xi32, #tpu.memory_space<vmem>> -> memref<128xi32, #tpu.memory_space<vmem>>
    %dma_wait3A_631 = arith.constant 0 : i32
    %dma_wait3A_632 = tpu.memref_slice %arg8[%dma_wait3A_631] : memref<10240xf32, #tpu.memory_space<vmem_shared>> -> memref<10240xf32, #tpu.memory_space<vmem_shared>>
    tpu.wait_indirect_dma semaphore(%arg9 : memref<!tpu.dma_semaphore, #tpu.memory_space<semaphore_mem>>) src(%dma_wait3A_627 : memref<128xf32, #tpu.memory_space<vmem>>) dst(%dma_wait3A_632 : memref<10240xf32, #tpu.memory_space<vmem_shared>>)
    %dma_wait3A_633 = arith.constant 26 : i32
    %dma_wait3A_634 = arith.constant 26 : i32
    %dma_wait3A_635 = arith.constant 0 : i32
    %dma_wait3A_636 = tpu.memref_slice %arg6[%dma_wait3A_633, %dma_wait3A_635] : memref<40x128xf32, #tpu.memory_space<vmem>> -> memref<1x128xf32, #tpu.memory_space<vmem>>
    %dma_wait3A_637 = tpu.memref_squeeze %dma_wait3A_636 : memref<1x128xf32, #tpu.memory_space<vmem>> -> memref<128xf32, #tpu.memory_space<vmem>>
    %dma_wait3A_638 = arith.constant 0 : i32
    %dma_wait3A_639 = tpu.memref_slice %arg5[%dma_wait3A_634, %dma_wait3A_638] : memref<40x128xi32, #tpu.memory_space<vmem>> -> memref<1x128xi32, #tpu.memory_space<vmem>>
    %dma_wait3A_640 = tpu.memref_squeeze %dma_wait3A_639 : memref<1x128xi32, #tpu.memory_space<vmem>> -> memref<128xi32, #tpu.memory_space<vmem>>
    %dma_wait3A_641 = arith.constant 0 : i32
    %dma_wait3A_642 = tpu.memref_slice %arg8[%dma_wait3A_641] : memref<10240xf32, #tpu.memory_space<vmem_shared>> -> memref<10240xf32, #tpu.memory_space<vmem_shared>>
    tpu.wait_indirect_dma semaphore(%arg9 : memref<!tpu.dma_semaphore, #tpu.memory_space<semaphore_mem>>) src(%dma_wait3A_637 : memref<128xf32, #tpu.memory_space<vmem>>) dst(%dma_wait3A_642 : memref<10240xf32, #tpu.memory_space<vmem_shared>>)
    %dma_wait3A_643 = arith.constant 27 : i32
    %dma_wait3A_644 = arith.constant 27 : i32
    %dma_wait3A_645 = arith.constant 0 : i32
    %dma_wait3A_646 = tpu.memref_slice %arg6[%dma_wait3A_643, %dma_wait3A_645] : memref<40x128xf32, #tpu.memory_space<vmem>> -> memref<1x128xf32, #tpu.memory_space<vmem>>
    %dma_wait3A_647 = tpu.memref_squeeze %dma_wait3A_646 : memref<1x128xf32, #tpu.memory_space<vmem>> -> memref<128xf32, #tpu.memory_space<vmem>>
    %dma_wait3A_648 = arith.constant 0 : i32
    %dma_wait3A_649 = tpu.memref_slice %arg5[%dma_wait3A_644, %dma_wait3A_648] : memref<40x128xi32, #tpu.memory_space<vmem>> -> memref<1x128xi32, #tpu.memory_space<vmem>>
    %dma_wait3A_650 = tpu.memref_squeeze %dma_wait3A_649 : memref<1x128xi32, #tpu.memory_space<vmem>> -> memref<128xi32, #tpu.memory_space<vmem>>
    %dma_wait3A_651 = arith.constant 0 : i32
    %dma_wait3A_652 = tpu.memref_slice %arg8[%dma_wait3A_651] : memref<10240xf32, #tpu.memory_space<vmem_shared>> -> memref<10240xf32, #tpu.memory_space<vmem_shared>>
    tpu.wait_indirect_dma semaphore(%arg9 : memref<!tpu.dma_semaphore, #tpu.memory_space<semaphore_mem>>) src(%dma_wait3A_647 : memref<128xf32, #tpu.memory_space<vmem>>) dst(%dma_wait3A_652 : memref<10240xf32, #tpu.memory_space<vmem_shared>>)
    %dma_wait3A_653 = arith.constant 28 : i32
    %dma_wait3A_654 = arith.constant 28 : i32
    %dma_wait3A_655 = arith.constant 0 : i32
    %dma_wait3A_656 = tpu.memref_slice %arg6[%dma_wait3A_653, %dma_wait3A_655] : memref<40x128xf32, #tpu.memory_space<vmem>> -> memref<1x128xf32, #tpu.memory_space<vmem>>
    %dma_wait3A_657 = tpu.memref_squeeze %dma_wait3A_656 : memref<1x128xf32, #tpu.memory_space<vmem>> -> memref<128xf32, #tpu.memory_space<vmem>>
    %dma_wait3A_658 = arith.constant 0 : i32
    %dma_wait3A_659 = tpu.memref_slice %arg5[%dma_wait3A_654, %dma_wait3A_658] : memref<40x128xi32, #tpu.memory_space<vmem>> -> memref<1x128xi32, #tpu.memory_space<vmem>>
    %dma_wait3A_660 = tpu.memref_squeeze %dma_wait3A_659 : memref<1x128xi32, #tpu.memory_space<vmem>> -> memref<128xi32, #tpu.memory_space<vmem>>
    %dma_wait3A_661 = arith.constant 0 : i32
    %dma_wait3A_662 = tpu.memref_slice %arg8[%dma_wait3A_661] : memref<10240xf32, #tpu.memory_space<vmem_shared>> -> memref<10240xf32, #tpu.memory_space<vmem_shared>>
    tpu.wait_indirect_dma semaphore(%arg9 : memref<!tpu.dma_semaphore, #tpu.memory_space<semaphore_mem>>) src(%dma_wait3A_657 : memref<128xf32, #tpu.memory_space<vmem>>) dst(%dma_wait3A_662 : memref<10240xf32, #tpu.memory_space<vmem_shared>>)
    %dma_wait3A_663 = arith.constant 29 : i32
    %dma_wait3A_664 = arith.constant 29 : i32
    %dma_wait3A_665 = arith.constant 0 : i32
    %dma_wait3A_666 = tpu.memref_slice %arg6[%dma_wait3A_663, %dma_wait3A_665] : memref<40x128xf32, #tpu.memory_space<vmem>> -> memref<1x128xf32, #tpu.memory_space<vmem>>
    %dma_wait3A_667 = tpu.memref_squeeze %dma_wait3A_666 : memref<1x128xf32, #tpu.memory_space<vmem>> -> memref<128xf32, #tpu.memory_space<vmem>>
    %dma_wait3A_668 = arith.constant 0 : i32
    %dma_wait3A_669 = tpu.memref_slice %arg5[%dma_wait3A_664, %dma_wait3A_668] : memref<40x128xi32, #tpu.memory_space<vmem>> -> memref<1x128xi32, #tpu.memory_space<vmem>>
    %dma_wait3A_670 = tpu.memref_squeeze %dma_wait3A_669 : memref<1x128xi32, #tpu.memory_space<vmem>> -> memref<128xi32, #tpu.memory_space<vmem>>
    %dma_wait3A_671 = arith.constant 0 : i32
    %dma_wait3A_672 = tpu.memref_slice %arg8[%dma_wait3A_671] : memref<10240xf32, #tpu.memory_space<vmem_shared>> -> memref<10240xf32, #tpu.memory_space<vmem_shared>>
    tpu.wait_indirect_dma semaphore(%arg9 : memref<!tpu.dma_semaphore, #tpu.memory_space<semaphore_mem>>) src(%dma_wait3A_667 : memref<128xf32, #tpu.memory_space<vmem>>) dst(%dma_wait3A_672 : memref<10240xf32, #tpu.memory_space<vmem_shared>>)
    %dma_start3A_673 = arith.constant 30 : i32
    %dma_start3A_674 = arith.constant 30 : i32
    %dma_start3A_675 = arith.constant 0 : i32
    %dma_start3A_676 = tpu.memref_slice %arg6[%dma_start3A_673, %dma_start3A_675] : memref<40x128xf32, #tpu.memory_space<vmem>> -> memref<1x128xf32, #tpu.memory_space<vmem>>
    %dma_start3A_677 = tpu.memref_squeeze %dma_start3A_676 : memref<1x128xf32, #tpu.memory_space<vmem>> -> memref<128xf32, #tpu.memory_space<vmem>>
    %dma_start3A_678 = arith.constant 0 : i32
    %dma_start3A_679 = tpu.memref_slice %arg5[%dma_start3A_674, %dma_start3A_678] : memref<40x128xi32, #tpu.memory_space<vmem>> -> memref<1x128xi32, #tpu.memory_space<vmem>>
    %dma_start3A_680 = tpu.memref_squeeze %dma_start3A_679 : memref<1x128xi32, #tpu.memory_space<vmem>> -> memref<128xi32, #tpu.memory_space<vmem>>
    %dma_start3A_681 = arith.constant 0 : i32
    %dma_start3A_682 = tpu.memref_slice %arg8[%dma_start3A_681] : memref<10240xf32, #tpu.memory_space<vmem_shared>> -> memref<10240xf32, #tpu.memory_space<vmem_shared>>
    tpu.enqueue_indirect_dma source(%dma_start3A_677 : memref<128xf32, #tpu.memory_space<vmem>>) target(%dma_start3A_682 : memref<10240xf32, #tpu.memory_space<vmem_shared>>) offsets(%dma_start3A_680 : memref<128xi32, #tpu.memory_space<vmem>>) semaphore(%arg9 : memref<!tpu.dma_semaphore, #tpu.memory_space<semaphore_mem>>) {add = true}
    %dma_start3A_683 = arith.constant 31 : i32
    %dma_start3A_684 = arith.constant 31 : i32
    %dma_start3A_685 = arith.constant 0 : i32
    %dma_start3A_686 = tpu.memref_slice %arg6[%dma_start3A_683, %dma_start3A_685] : memref<40x128xf32, #tpu.memory_space<vmem>> -> memref<1x128xf32, #tpu.memory_space<vmem>>
    %dma_start3A_687 = tpu.memref_squeeze %dma_start3A_686 : memref<1x128xf32, #tpu.memory_space<vmem>> -> memref<128xf32, #tpu.memory_space<vmem>>
    %dma_start3A_688 = arith.constant 0 : i32
    %dma_start3A_689 = tpu.memref_slice %arg5[%dma_start3A_684, %dma_start3A_688] : memref<40x128xi32, #tpu.memory_space<vmem>> -> memref<1x128xi32, #tpu.memory_space<vmem>>
    %dma_start3A_690 = tpu.memref_squeeze %dma_start3A_689 : memref<1x128xi32, #tpu.memory_space<vmem>> -> memref<128xi32, #tpu.memory_space<vmem>>
    %dma_start3A_691 = arith.constant 0 : i32
    %dma_start3A_692 = tpu.memref_slice %arg8[%dma_start3A_691] : memref<10240xf32, #tpu.memory_space<vmem_shared>> -> memref<10240xf32, #tpu.memory_space<vmem_shared>>
    tpu.enqueue_indirect_dma source(%dma_start3A_687 : memref<128xf32, #tpu.memory_space<vmem>>) target(%dma_start3A_692 : memref<10240xf32, #tpu.memory_space<vmem_shared>>) offsets(%dma_start3A_690 : memref<128xi32, #tpu.memory_space<vmem>>) semaphore(%arg9 : memref<!tpu.dma_semaphore, #tpu.memory_space<semaphore_mem>>) {add = true}
    %dma_start3A_693 = arith.constant 32 : i32
    %dma_start3A_694 = arith.constant 32 : i32
    %dma_start3A_695 = arith.constant 0 : i32
    %dma_start3A_696 = tpu.memref_slice %arg6[%dma_start3A_693, %dma_start3A_695] : memref<40x128xf32, #tpu.memory_space<vmem>> -> memref<1x128xf32, #tpu.memory_space<vmem>>
    %dma_start3A_697 = tpu.memref_squeeze %dma_start3A_696 : memref<1x128xf32, #tpu.memory_space<vmem>> -> memref<128xf32, #tpu.memory_space<vmem>>
    %dma_start3A_698 = arith.constant 0 : i32
    %dma_start3A_699 = tpu.memref_slice %arg5[%dma_start3A_694, %dma_start3A_698] : memref<40x128xi32, #tpu.memory_space<vmem>> -> memref<1x128xi32, #tpu.memory_space<vmem>>
    %dma_start3A_700 = tpu.memref_squeeze %dma_start3A_699 : memref<1x128xi32, #tpu.memory_space<vmem>> -> memref<128xi32, #tpu.memory_space<vmem>>
    %dma_start3A_701 = arith.constant 0 : i32
    %dma_start3A_702 = tpu.memref_slice %arg8[%dma_start3A_701] : memref<10240xf32, #tpu.memory_space<vmem_shared>> -> memref<10240xf32, #tpu.memory_space<vmem_shared>>
    tpu.enqueue_indirect_dma source(%dma_start3A_697 : memref<128xf32, #tpu.memory_space<vmem>>) target(%dma_start3A_702 : memref<10240xf32, #tpu.memory_space<vmem_shared>>) offsets(%dma_start3A_700 : memref<128xi32, #tpu.memory_space<vmem>>) semaphore(%arg9 : memref<!tpu.dma_semaphore, #tpu.memory_space<semaphore_mem>>) {add = true}
    %dma_start3A_703 = arith.constant 33 : i32
    %dma_start3A_704 = arith.constant 33 : i32
    %dma_start3A_705 = arith.constant 0 : i32
    %dma_start3A_706 = tpu.memref_slice %arg6[%dma_start3A_703, %dma_start3A_705] : memref<40x128xf32, #tpu.memory_space<vmem>> -> memref<1x128xf32, #tpu.memory_space<vmem>>
    %dma_start3A_707 = tpu.memref_squeeze %dma_start3A_706 : memref<1x128xf32, #tpu.memory_space<vmem>> -> memref<128xf32, #tpu.memory_space<vmem>>
    %dma_start3A_708 = arith.constant 0 : i32
    %dma_start3A_709 = tpu.memref_slice %arg5[%dma_start3A_704, %dma_start3A_708] : memref<40x128xi32, #tpu.memory_space<vmem>> -> memref<1x128xi32, #tpu.memory_space<vmem>>
    %dma_start3A_710 = tpu.memref_squeeze %dma_start3A_709 : memref<1x128xi32, #tpu.memory_space<vmem>> -> memref<128xi32, #tpu.memory_space<vmem>>
    %dma_start3A_711 = arith.constant 0 : i32
    %dma_start3A_712 = tpu.memref_slice %arg8[%dma_start3A_711] : memref<10240xf32, #tpu.memory_space<vmem_shared>> -> memref<10240xf32, #tpu.memory_space<vmem_shared>>
    tpu.enqueue_indirect_dma source(%dma_start3A_707 : memref<128xf32, #tpu.memory_space<vmem>>) target(%dma_start3A_712 : memref<10240xf32, #tpu.memory_space<vmem_shared>>) offsets(%dma_start3A_710 : memref<128xi32, #tpu.memory_space<vmem>>) semaphore(%arg9 : memref<!tpu.dma_semaphore, #tpu.memory_space<semaphore_mem>>) {add = true}
    %dma_start3A_713 = arith.constant 34 : i32
    %dma_start3A_714 = arith.constant 34 : i32
    %dma_start3A_715 = arith.constant 0 : i32
    %dma_start3A_716 = tpu.memref_slice %arg6[%dma_start3A_713, %dma_start3A_715] : memref<40x128xf32, #tpu.memory_space<vmem>> -> memref<1x128xf32, #tpu.memory_space<vmem>>
    %dma_start3A_717 = tpu.memref_squeeze %dma_start3A_716 : memref<1x128xf32, #tpu.memory_space<vmem>> -> memref<128xf32, #tpu.memory_space<vmem>>
    %dma_start3A_718 = arith.constant 0 : i32
    %dma_start3A_719 = tpu.memref_slice %arg5[%dma_start3A_714, %dma_start3A_718] : memref<40x128xi32, #tpu.memory_space<vmem>> -> memref<1x128xi32, #tpu.memory_space<vmem>>
    %dma_start3A_720 = tpu.memref_squeeze %dma_start3A_719 : memref<1x128xi32, #tpu.memory_space<vmem>> -> memref<128xi32, #tpu.memory_space<vmem>>
    %dma_start3A_721 = arith.constant 0 : i32
    %dma_start3A_722 = tpu.memref_slice %arg8[%dma_start3A_721] : memref<10240xf32, #tpu.memory_space<vmem_shared>> -> memref<10240xf32, #tpu.memory_space<vmem_shared>>
    tpu.enqueue_indirect_dma source(%dma_start3A_717 : memref<128xf32, #tpu.memory_space<vmem>>) target(%dma_start3A_722 : memref<10240xf32, #tpu.memory_space<vmem_shared>>) offsets(%dma_start3A_720 : memref<128xi32, #tpu.memory_space<vmem>>) semaphore(%arg9 : memref<!tpu.dma_semaphore, #tpu.memory_space<semaphore_mem>>) {add = true}
    %dma_start3A_723 = arith.constant 35 : i32
    %dma_start3A_724 = arith.constant 35 : i32
    %dma_start3A_725 = arith.constant 0 : i32
    %dma_start3A_726 = tpu.memref_slice %arg6[%dma_start3A_723, %dma_start3A_725] : memref<40x128xf32, #tpu.memory_space<vmem>> -> memref<1x128xf32, #tpu.memory_space<vmem>>
    %dma_start3A_727 = tpu.memref_squeeze %dma_start3A_726 : memref<1x128xf32, #tpu.memory_space<vmem>> -> memref<128xf32, #tpu.memory_space<vmem>>
    %dma_start3A_728 = arith.constant 0 : i32
    %dma_start3A_729 = tpu.memref_slice %arg5[%dma_start3A_724, %dma_start3A_728] : memref<40x128xi32, #tpu.memory_space<vmem>> -> memref<1x128xi32, #tpu.memory_space<vmem>>
    %dma_start3A_730 = tpu.memref_squeeze %dma_start3A_729 : memref<1x128xi32, #tpu.memory_space<vmem>> -> memref<128xi32, #tpu.memory_space<vmem>>
    %dma_start3A_731 = arith.constant 0 : i32
    %dma_start3A_732 = tpu.memref_slice %arg8[%dma_start3A_731] : memref<10240xf32, #tpu.memory_space<vmem_shared>> -> memref<10240xf32, #tpu.memory_space<vmem_shared>>
    tpu.enqueue_indirect_dma source(%dma_start3A_727 : memref<128xf32, #tpu.memory_space<vmem>>) target(%dma_start3A_732 : memref<10240xf32, #tpu.memory_space<vmem_shared>>) offsets(%dma_start3A_730 : memref<128xi32, #tpu.memory_space<vmem>>) semaphore(%arg9 : memref<!tpu.dma_semaphore, #tpu.memory_space<semaphore_mem>>) {add = true}
    %dma_start3A_733 = arith.constant 36 : i32
    %dma_start3A_734 = arith.constant 36 : i32
    %dma_start3A_735 = arith.constant 0 : i32
    %dma_start3A_736 = tpu.memref_slice %arg6[%dma_start3A_733, %dma_start3A_735] : memref<40x128xf32, #tpu.memory_space<vmem>> -> memref<1x128xf32, #tpu.memory_space<vmem>>
    %dma_start3A_737 = tpu.memref_squeeze %dma_start3A_736 : memref<1x128xf32, #tpu.memory_space<vmem>> -> memref<128xf32, #tpu.memory_space<vmem>>
    %dma_start3A_738 = arith.constant 0 : i32
    %dma_start3A_739 = tpu.memref_slice %arg5[%dma_start3A_734, %dma_start3A_738] : memref<40x128xi32, #tpu.memory_space<vmem>> -> memref<1x128xi32, #tpu.memory_space<vmem>>
    %dma_start3A_740 = tpu.memref_squeeze %dma_start3A_739 : memref<1x128xi32, #tpu.memory_space<vmem>> -> memref<128xi32, #tpu.memory_space<vmem>>
    %dma_start3A_741 = arith.constant 0 : i32
    %dma_start3A_742 = tpu.memref_slice %arg8[%dma_start3A_741] : memref<10240xf32, #tpu.memory_space<vmem_shared>> -> memref<10240xf32, #tpu.memory_space<vmem_shared>>
    tpu.enqueue_indirect_dma source(%dma_start3A_737 : memref<128xf32, #tpu.memory_space<vmem>>) target(%dma_start3A_742 : memref<10240xf32, #tpu.memory_space<vmem_shared>>) offsets(%dma_start3A_740 : memref<128xi32, #tpu.memory_space<vmem>>) semaphore(%arg9 : memref<!tpu.dma_semaphore, #tpu.memory_space<semaphore_mem>>) {add = true}
    %dma_start3A_743 = arith.constant 37 : i32
    %dma_start3A_744 = arith.constant 37 : i32
    %dma_start3A_745 = arith.constant 0 : i32
    %dma_start3A_746 = tpu.memref_slice %arg6[%dma_start3A_743, %dma_start3A_745] : memref<40x128xf32, #tpu.memory_space<vmem>> -> memref<1x128xf32, #tpu.memory_space<vmem>>
    %dma_start3A_747 = tpu.memref_squeeze %dma_start3A_746 : memref<1x128xf32, #tpu.memory_space<vmem>> -> memref<128xf32, #tpu.memory_space<vmem>>
    %dma_start3A_748 = arith.constant 0 : i32
    %dma_start3A_749 = tpu.memref_slice %arg5[%dma_start3A_744, %dma_start3A_748] : memref<40x128xi32, #tpu.memory_space<vmem>> -> memref<1x128xi32, #tpu.memory_space<vmem>>
    %dma_start3A_750 = tpu.memref_squeeze %dma_start3A_749 : memref<1x128xi32, #tpu.memory_space<vmem>> -> memref<128xi32, #tpu.memory_space<vmem>>
    %dma_start3A_751 = arith.constant 0 : i32
    %dma_start3A_752 = tpu.memref_slice %arg8[%dma_start3A_751] : memref<10240xf32, #tpu.memory_space<vmem_shared>> -> memref<10240xf32, #tpu.memory_space<vmem_shared>>
    tpu.enqueue_indirect_dma source(%dma_start3A_747 : memref<128xf32, #tpu.memory_space<vmem>>) target(%dma_start3A_752 : memref<10240xf32, #tpu.memory_space<vmem_shared>>) offsets(%dma_start3A_750 : memref<128xi32, #tpu.memory_space<vmem>>) semaphore(%arg9 : memref<!tpu.dma_semaphore, #tpu.memory_space<semaphore_mem>>) {add = true}
    %dma_start3A_753 = arith.constant 38 : i32
    %dma_start3A_754 = arith.constant 38 : i32
    %dma_start3A_755 = arith.constant 0 : i32
    %dma_start3A_756 = tpu.memref_slice %arg6[%dma_start3A_753, %dma_start3A_755] : memref<40x128xf32, #tpu.memory_space<vmem>> -> memref<1x128xf32, #tpu.memory_space<vmem>>
    %dma_start3A_757 = tpu.memref_squeeze %dma_start3A_756 : memref<1x128xf32, #tpu.memory_space<vmem>> -> memref<128xf32, #tpu.memory_space<vmem>>
    %dma_start3A_758 = arith.constant 0 : i32
    %dma_start3A_759 = tpu.memref_slice %arg5[%dma_start3A_754, %dma_start3A_758] : memref<40x128xi32, #tpu.memory_space<vmem>> -> memref<1x128xi32, #tpu.memory_space<vmem>>
    %dma_start3A_760 = tpu.memref_squeeze %dma_start3A_759 : memref<1x128xi32, #tpu.memory_space<vmem>> -> memref<128xi32, #tpu.memory_space<vmem>>
    %dma_start3A_761 = arith.constant 0 : i32
    %dma_start3A_762 = tpu.memref_slice %arg8[%dma_start3A_761] : memref<10240xf32, #tpu.memory_space<vmem_shared>> -> memref<10240xf32, #tpu.memory_space<vmem_shared>>
    tpu.enqueue_indirect_dma source(%dma_start3A_757 : memref<128xf32, #tpu.memory_space<vmem>>) target(%dma_start3A_762 : memref<10240xf32, #tpu.memory_space<vmem_shared>>) offsets(%dma_start3A_760 : memref<128xi32, #tpu.memory_space<vmem>>) semaphore(%arg9 : memref<!tpu.dma_semaphore, #tpu.memory_space<semaphore_mem>>) {add = true}
    %dma_start3A_763 = arith.constant 39 : i32
    %dma_start3A_764 = arith.constant 39 : i32
    %dma_start3A_765 = arith.constant 0 : i32
    %dma_start3A_766 = tpu.memref_slice %arg6[%dma_start3A_763, %dma_start3A_765] : memref<40x128xf32, #tpu.memory_space<vmem>> -> memref<1x128xf32, #tpu.memory_space<vmem>>
    %dma_start3A_767 = tpu.memref_squeeze %dma_start3A_766 : memref<1x128xf32, #tpu.memory_space<vmem>> -> memref<128xf32, #tpu.memory_space<vmem>>
    %dma_start3A_768 = arith.constant 0 : i32
    %dma_start3A_769 = tpu.memref_slice %arg5[%dma_start3A_764, %dma_start3A_768] : memref<40x128xi32, #tpu.memory_space<vmem>> -> memref<1x128xi32, #tpu.memory_space<vmem>>
    %dma_start3A_770 = tpu.memref_squeeze %dma_start3A_769 : memref<1x128xi32, #tpu.memory_space<vmem>> -> memref<128xi32, #tpu.memory_space<vmem>>
    %dma_start3A_771 = arith.constant 0 : i32
    %dma_start3A_772 = tpu.memref_slice %arg8[%dma_start3A_771] : memref<10240xf32, #tpu.memory_space<vmem_shared>> -> memref<10240xf32, #tpu.memory_space<vmem_shared>>
    tpu.enqueue_indirect_dma source(%dma_start3A_767 : memref<128xf32, #tpu.memory_space<vmem>>) target(%dma_start3A_772 : memref<10240xf32, #tpu.memory_space<vmem_shared>>) offsets(%dma_start3A_770 : memref<128xi32, #tpu.memory_space<vmem>>) semaphore(%arg9 : memref<!tpu.dma_semaphore, #tpu.memory_space<semaphore_mem>>) {add = true}
    %dma_wait3A_773 = arith.constant 30 : i32
    %dma_wait3A_774 = arith.constant 30 : i32
    %dma_wait3A_775 = arith.constant 0 : i32
    %dma_wait3A_776 = tpu.memref_slice %arg6[%dma_wait3A_773, %dma_wait3A_775] : memref<40x128xf32, #tpu.memory_space<vmem>> -> memref<1x128xf32, #tpu.memory_space<vmem>>
    %dma_wait3A_777 = tpu.memref_squeeze %dma_wait3A_776 : memref<1x128xf32, #tpu.memory_space<vmem>> -> memref<128xf32, #tpu.memory_space<vmem>>
    %dma_wait3A_778 = arith.constant 0 : i32
    %dma_wait3A_779 = tpu.memref_slice %arg5[%dma_wait3A_774, %dma_wait3A_778] : memref<40x128xi32, #tpu.memory_space<vmem>> -> memref<1x128xi32, #tpu.memory_space<vmem>>
    %dma_wait3A_780 = tpu.memref_squeeze %dma_wait3A_779 : memref<1x128xi32, #tpu.memory_space<vmem>> -> memref<128xi32, #tpu.memory_space<vmem>>
    %dma_wait3A_781 = arith.constant 0 : i32
    %dma_wait3A_782 = tpu.memref_slice %arg8[%dma_wait3A_781] : memref<10240xf32, #tpu.memory_space<vmem_shared>> -> memref<10240xf32, #tpu.memory_space<vmem_shared>>
    tpu.wait_indirect_dma semaphore(%arg9 : memref<!tpu.dma_semaphore, #tpu.memory_space<semaphore_mem>>) src(%dma_wait3A_777 : memref<128xf32, #tpu.memory_space<vmem>>) dst(%dma_wait3A_782 : memref<10240xf32, #tpu.memory_space<vmem_shared>>)
    %dma_wait3A_783 = arith.constant 31 : i32
    %dma_wait3A_784 = arith.constant 31 : i32
    %dma_wait3A_785 = arith.constant 0 : i32
    %dma_wait3A_786 = tpu.memref_slice %arg6[%dma_wait3A_783, %dma_wait3A_785] : memref<40x128xf32, #tpu.memory_space<vmem>> -> memref<1x128xf32, #tpu.memory_space<vmem>>
    %dma_wait3A_787 = tpu.memref_squeeze %dma_wait3A_786 : memref<1x128xf32, #tpu.memory_space<vmem>> -> memref<128xf32, #tpu.memory_space<vmem>>
    %dma_wait3A_788 = arith.constant 0 : i32
    %dma_wait3A_789 = tpu.memref_slice %arg5[%dma_wait3A_784, %dma_wait3A_788] : memref<40x128xi32, #tpu.memory_space<vmem>> -> memref<1x128xi32, #tpu.memory_space<vmem>>
    %dma_wait3A_790 = tpu.memref_squeeze %dma_wait3A_789 : memref<1x128xi32, #tpu.memory_space<vmem>> -> memref<128xi32, #tpu.memory_space<vmem>>
    %dma_wait3A_791 = arith.constant 0 : i32
    %dma_wait3A_792 = tpu.memref_slice %arg8[%dma_wait3A_791] : memref<10240xf32, #tpu.memory_space<vmem_shared>> -> memref<10240xf32, #tpu.memory_space<vmem_shared>>
    tpu.wait_indirect_dma semaphore(%arg9 : memref<!tpu.dma_semaphore, #tpu.memory_space<semaphore_mem>>) src(%dma_wait3A_787 : memref<128xf32, #tpu.memory_space<vmem>>) dst(%dma_wait3A_792 : memref<10240xf32, #tpu.memory_space<vmem_shared>>)
    %dma_wait3A_793 = arith.constant 32 : i32
    %dma_wait3A_794 = arith.constant 32 : i32
    %dma_wait3A_795 = arith.constant 0 : i32
    %dma_wait3A_796 = tpu.memref_slice %arg6[%dma_wait3A_793, %dma_wait3A_795] : memref<40x128xf32, #tpu.memory_space<vmem>> -> memref<1x128xf32, #tpu.memory_space<vmem>>
    %dma_wait3A_797 = tpu.memref_squeeze %dma_wait3A_796 : memref<1x128xf32, #tpu.memory_space<vmem>> -> memref<128xf32, #tpu.memory_space<vmem>>
    %dma_wait3A_798 = arith.constant 0 : i32
    %dma_wait3A_799 = tpu.memref_slice %arg5[%dma_wait3A_794, %dma_wait3A_798] : memref<40x128xi32, #tpu.memory_space<vmem>> -> memref<1x128xi32, #tpu.memory_space<vmem>>
    %dma_wait3A_800 = tpu.memref_squeeze %dma_wait3A_799 : memref<1x128xi32, #tpu.memory_space<vmem>> -> memref<128xi32, #tpu.memory_space<vmem>>
    %dma_wait3A_801 = arith.constant 0 : i32
    %dma_wait3A_802 = tpu.memref_slice %arg8[%dma_wait3A_801] : memref<10240xf32, #tpu.memory_space<vmem_shared>> -> memref<10240xf32, #tpu.memory_space<vmem_shared>>
    tpu.wait_indirect_dma semaphore(%arg9 : memref<!tpu.dma_semaphore, #tpu.memory_space<semaphore_mem>>) src(%dma_wait3A_797 : memref<128xf32, #tpu.memory_space<vmem>>) dst(%dma_wait3A_802 : memref<10240xf32, #tpu.memory_space<vmem_shared>>)
    %dma_wait3A_803 = arith.constant 33 : i32
    %dma_wait3A_804 = arith.constant 33 : i32
    %dma_wait3A_805 = arith.constant 0 : i32
    %dma_wait3A_806 = tpu.memref_slice %arg6[%dma_wait3A_803, %dma_wait3A_805] : memref<40x128xf32, #tpu.memory_space<vmem>> -> memref<1x128xf32, #tpu.memory_space<vmem>>
    %dma_wait3A_807 = tpu.memref_squeeze %dma_wait3A_806 : memref<1x128xf32, #tpu.memory_space<vmem>> -> memref<128xf32, #tpu.memory_space<vmem>>
    %dma_wait3A_808 = arith.constant 0 : i32
    %dma_wait3A_809 = tpu.memref_slice %arg5[%dma_wait3A_804, %dma_wait3A_808] : memref<40x128xi32, #tpu.memory_space<vmem>> -> memref<1x128xi32, #tpu.memory_space<vmem>>
    %dma_wait3A_810 = tpu.memref_squeeze %dma_wait3A_809 : memref<1x128xi32, #tpu.memory_space<vmem>> -> memref<128xi32, #tpu.memory_space<vmem>>
    %dma_wait3A_811 = arith.constant 0 : i32
    %dma_wait3A_812 = tpu.memref_slice %arg8[%dma_wait3A_811] : memref<10240xf32, #tpu.memory_space<vmem_shared>> -> memref<10240xf32, #tpu.memory_space<vmem_shared>>
    tpu.wait_indirect_dma semaphore(%arg9 : memref<!tpu.dma_semaphore, #tpu.memory_space<semaphore_mem>>) src(%dma_wait3A_807 : memref<128xf32, #tpu.memory_space<vmem>>) dst(%dma_wait3A_812 : memref<10240xf32, #tpu.memory_space<vmem_shared>>)
    %dma_wait3A_813 = arith.constant 34 : i32
    %dma_wait3A_814 = arith.constant 34 : i32
    %dma_wait3A_815 = arith.constant 0 : i32
    %dma_wait3A_816 = tpu.memref_slice %arg6[%dma_wait3A_813, %dma_wait3A_815] : memref<40x128xf32, #tpu.memory_space<vmem>> -> memref<1x128xf32, #tpu.memory_space<vmem>>
    %dma_wait3A_817 = tpu.memref_squeeze %dma_wait3A_816 : memref<1x128xf32, #tpu.memory_space<vmem>> -> memref<128xf32, #tpu.memory_space<vmem>>
    %dma_wait3A_818 = arith.constant 0 : i32
    %dma_wait3A_819 = tpu.memref_slice %arg5[%dma_wait3A_814, %dma_wait3A_818] : memref<40x128xi32, #tpu.memory_space<vmem>> -> memref<1x128xi32, #tpu.memory_space<vmem>>
    %dma_wait3A_820 = tpu.memref_squeeze %dma_wait3A_819 : memref<1x128xi32, #tpu.memory_space<vmem>> -> memref<128xi32, #tpu.memory_space<vmem>>
    %dma_wait3A_821 = arith.constant 0 : i32
    %dma_wait3A_822 = tpu.memref_slice %arg8[%dma_wait3A_821] : memref<10240xf32, #tpu.memory_space<vmem_shared>> -> memref<10240xf32, #tpu.memory_space<vmem_shared>>
    tpu.wait_indirect_dma semaphore(%arg9 : memref<!tpu.dma_semaphore, #tpu.memory_space<semaphore_mem>>) src(%dma_wait3A_817 : memref<128xf32, #tpu.memory_space<vmem>>) dst(%dma_wait3A_822 : memref<10240xf32, #tpu.memory_space<vmem_shared>>)
    %dma_wait3A_823 = arith.constant 35 : i32
    %dma_wait3A_824 = arith.constant 35 : i32
    %dma_wait3A_825 = arith.constant 0 : i32
    %dma_wait3A_826 = tpu.memref_slice %arg6[%dma_wait3A_823, %dma_wait3A_825] : memref<40x128xf32, #tpu.memory_space<vmem>> -> memref<1x128xf32, #tpu.memory_space<vmem>>
    %dma_wait3A_827 = tpu.memref_squeeze %dma_wait3A_826 : memref<1x128xf32, #tpu.memory_space<vmem>> -> memref<128xf32, #tpu.memory_space<vmem>>
    %dma_wait3A_828 = arith.constant 0 : i32
    %dma_wait3A_829 = tpu.memref_slice %arg5[%dma_wait3A_824, %dma_wait3A_828] : memref<40x128xi32, #tpu.memory_space<vmem>> -> memref<1x128xi32, #tpu.memory_space<vmem>>
    %dma_wait3A_830 = tpu.memref_squeeze %dma_wait3A_829 : memref<1x128xi32, #tpu.memory_space<vmem>> -> memref<128xi32, #tpu.memory_space<vmem>>
    %dma_wait3A_831 = arith.constant 0 : i32
    %dma_wait3A_832 = tpu.memref_slice %arg8[%dma_wait3A_831] : memref<10240xf32, #tpu.memory_space<vmem_shared>> -> memref<10240xf32, #tpu.memory_space<vmem_shared>>
    tpu.wait_indirect_dma semaphore(%arg9 : memref<!tpu.dma_semaphore, #tpu.memory_space<semaphore_mem>>) src(%dma_wait3A_827 : memref<128xf32, #tpu.memory_space<vmem>>) dst(%dma_wait3A_832 : memref<10240xf32, #tpu.memory_space<vmem_shared>>)
    %dma_wait3A_833 = arith.constant 36 : i32
    %dma_wait3A_834 = arith.constant 36 : i32
    %dma_wait3A_835 = arith.constant 0 : i32
    %dma_wait3A_836 = tpu.memref_slice %arg6[%dma_wait3A_833, %dma_wait3A_835] : memref<40x128xf32, #tpu.memory_space<vmem>> -> memref<1x128xf32, #tpu.memory_space<vmem>>
    %dma_wait3A_837 = tpu.memref_squeeze %dma_wait3A_836 : memref<1x128xf32, #tpu.memory_space<vmem>> -> memref<128xf32, #tpu.memory_space<vmem>>
    %dma_wait3A_838 = arith.constant 0 : i32
    %dma_wait3A_839 = tpu.memref_slice %arg5[%dma_wait3A_834, %dma_wait3A_838] : memref<40x128xi32, #tpu.memory_space<vmem>> -> memref<1x128xi32, #tpu.memory_space<vmem>>
    %dma_wait3A_840 = tpu.memref_squeeze %dma_wait3A_839 : memref<1x128xi32, #tpu.memory_space<vmem>> -> memref<128xi32, #tpu.memory_space<vmem>>
    %dma_wait3A_841 = arith.constant 0 : i32
    %dma_wait3A_842 = tpu.memref_slice %arg8[%dma_wait3A_841] : memref<10240xf32, #tpu.memory_space<vmem_shared>> -> memref<10240xf32, #tpu.memory_space<vmem_shared>>
    tpu.wait_indirect_dma semaphore(%arg9 : memref<!tpu.dma_semaphore, #tpu.memory_space<semaphore_mem>>) src(%dma_wait3A_837 : memref<128xf32, #tpu.memory_space<vmem>>) dst(%dma_wait3A_842 : memref<10240xf32, #tpu.memory_space<vmem_shared>>)
    %dma_wait3A_843 = arith.constant 37 : i32
    %dma_wait3A_844 = arith.constant 37 : i32
    %dma_wait3A_845 = arith.constant 0 : i32
    %dma_wait3A_846 = tpu.memref_slice %arg6[%dma_wait3A_843, %dma_wait3A_845] : memref<40x128xf32, #tpu.memory_space<vmem>> -> memref<1x128xf32, #tpu.memory_space<vmem>>
    %dma_wait3A_847 = tpu.memref_squeeze %dma_wait3A_846 : memref<1x128xf32, #tpu.memory_space<vmem>> -> memref<128xf32, #tpu.memory_space<vmem>>
    %dma_wait3A_848 = arith.constant 0 : i32
    %dma_wait3A_849 = tpu.memref_slice %arg5[%dma_wait3A_844, %dma_wait3A_848] : memref<40x128xi32, #tpu.memory_space<vmem>> -> memref<1x128xi32, #tpu.memory_space<vmem>>
    %dma_wait3A_850 = tpu.memref_squeeze %dma_wait3A_849 : memref<1x128xi32, #tpu.memory_space<vmem>> -> memref<128xi32, #tpu.memory_space<vmem>>
    %dma_wait3A_851 = arith.constant 0 : i32
    %dma_wait3A_852 = tpu.memref_slice %arg8[%dma_wait3A_851] : memref<10240xf32, #tpu.memory_space<vmem_shared>> -> memref<10240xf32, #tpu.memory_space<vmem_shared>>
    tpu.wait_indirect_dma semaphore(%arg9 : memref<!tpu.dma_semaphore, #tpu.memory_space<semaphore_mem>>) src(%dma_wait3A_847 : memref<128xf32, #tpu.memory_space<vmem>>) dst(%dma_wait3A_852 : memref<10240xf32, #tpu.memory_space<vmem_shared>>)
    %dma_wait3A_853 = arith.constant 38 : i32
    %dma_wait3A_854 = arith.constant 38 : i32
    %dma_wait3A_855 = arith.constant 0 : i32
    %dma_wait3A_856 = tpu.memref_slice %arg6[%dma_wait3A_853, %dma_wait3A_855] : memref<40x128xf32, #tpu.memory_space<vmem>> -> memref<1x128xf32, #tpu.memory_space<vmem>>
    %dma_wait3A_857 = tpu.memref_squeeze %dma_wait3A_856 : memref<1x128xf32, #tpu.memory_space<vmem>> -> memref<128xf32, #tpu.memory_space<vmem>>
    %dma_wait3A_858 = arith.constant 0 : i32
    %dma_wait3A_859 = tpu.memref_slice %arg5[%dma_wait3A_854, %dma_wait3A_858] : memref<40x128xi32, #tpu.memory_space<vmem>> -> memref<1x128xi32, #tpu.memory_space<vmem>>
    %dma_wait3A_860 = tpu.memref_squeeze %dma_wait3A_859 : memref<1x128xi32, #tpu.memory_space<vmem>> -> memref<128xi32, #tpu.memory_space<vmem>>
    %dma_wait3A_861 = arith.constant 0 : i32
    %dma_wait3A_862 = tpu.memref_slice %arg8[%dma_wait3A_861] : memref<10240xf32, #tpu.memory_space<vmem_shared>> -> memref<10240xf32, #tpu.memory_space<vmem_shared>>
    tpu.wait_indirect_dma semaphore(%arg9 : memref<!tpu.dma_semaphore, #tpu.memory_space<semaphore_mem>>) src(%dma_wait3A_857 : memref<128xf32, #tpu.memory_space<vmem>>) dst(%dma_wait3A_862 : memref<10240xf32, #tpu.memory_space<vmem_shared>>)
    %dma_wait3A_863 = arith.constant 39 : i32
    %dma_wait3A_864 = arith.constant 39 : i32
    %dma_wait3A_865 = arith.constant 0 : i32
    %dma_wait3A_866 = tpu.memref_slice %arg6[%dma_wait3A_863, %dma_wait3A_865] : memref<40x128xf32, #tpu.memory_space<vmem>> -> memref<1x128xf32, #tpu.memory_space<vmem>>
    %dma_wait3A_867 = tpu.memref_squeeze %dma_wait3A_866 : memref<1x128xf32, #tpu.memory_space<vmem>> -> memref<128xf32, #tpu.memory_space<vmem>>
    %dma_wait3A_868 = arith.constant 0 : i32
    %dma_wait3A_869 = tpu.memref_slice %arg5[%dma_wait3A_864, %dma_wait3A_868] : memref<40x128xi32, #tpu.memory_space<vmem>> -> memref<1x128xi32, #tpu.memory_space<vmem>>
    %dma_wait3A_870 = tpu.memref_squeeze %dma_wait3A_869 : memref<1x128xi32, #tpu.memory_space<vmem>> -> memref<128xi32, #tpu.memory_space<vmem>>
    %dma_wait3A_871 = arith.constant 0 : i32
    %dma_wait3A_872 = tpu.memref_slice %arg8[%dma_wait3A_871] : memref<10240xf32, #tpu.memory_space<vmem_shared>> -> memref<10240xf32, #tpu.memory_space<vmem_shared>>
    tpu.wait_indirect_dma semaphore(%arg9 : memref<!tpu.dma_semaphore, #tpu.memory_space<semaphore_mem>>) src(%dma_wait3A_867 : memref<128xf32, #tpu.memory_space<vmem>>) dst(%dma_wait3A_872 : memref<10240xf32, #tpu.memory_space<vmem_shared>>)
    %barrier3A_873 = arith.constant 0 : index
    tpu.barrier barrier_id(%barrier3A_873)
    %eq3A = arith.constant 0 : i32
    %eq3A_874 = arith.cmpi eq, %arg0, %eq3A : i32
    %convert_element_type3A = arith.extui %eq3A_874 : i1 to i32
    %cond3A = arith.constant 0 : i32
    %cond3A_875 = arith.cmpi ne, %convert_element_type3A, %cond3A : i32
    scf.if %cond3A_875 {
      %mul3A_881 = arith.constant 640 : i32
      %mul3A_882 = arith.muli %arg1, %mul3A_881 : i32
      %mul3A_883 = arith.constant 640 : i32
      %mul3A_884 = arith.muli %arg1, %mul3A_883 : i32
      "tpu.region"() ({
        %run_scoped3A = tpu.sem_alloc : memref<!tpu.dma_semaphore, #tpu.memory_space<semaphore_mem>>
        %dma_start3A_885 = tpu.memref_slice %arg3[%mul3A_884] : memref<10240xf32, #tpu.memory_space<hbm>> -> memref<640xf32, #tpu.memory_space<hbm>>
        %dma_start3A_886 = tpu.memref_slice %arg8[%mul3A_882] : memref<10240xf32, #tpu.memory_space<vmem_shared>> -> memref<640xf32, #tpu.memory_space<vmem_shared>>
        tpu.enqueue_dma source(%dma_start3A_886 : memref<640xf32, #tpu.memory_space<vmem_shared>>) target(%dma_start3A_885 : memref<640xf32, #tpu.memory_space<hbm>>) target_semaphore(%run_scoped3A : memref<!tpu.dma_semaphore, #tpu.memory_space<semaphore_mem>>)
        %dma_wait3A_887 = tpu.memref_slice %arg3[%mul3A_884] : memref<10240xf32, #tpu.memory_space<hbm>> -> memref<640xf32, #tpu.memory_space<hbm>>
        %dma_wait3A_888 = tpu.memref_slice %arg8[%mul3A_882] : memref<10240xf32, #tpu.memory_space<vmem_shared>> -> memref<640xf32, #tpu.memory_space<vmem_shared>>
        tpu.wait_dma2 semaphore(%run_scoped3A : memref<!tpu.dma_semaphore, #tpu.memory_space<semaphore_mem>>) src(%dma_wait3A_888 : memref<640xf32, #tpu.memory_space<vmem_shared>>) dst(%dma_wait3A_887 : memref<640xf32, #tpu.memory_space<hbm>>)
        tpu.yield
      }) : () -> ()
    } else {
    }
    %eq3A_876 = arith.constant 1 : i32
    %eq3A_877 = arith.cmpi eq, %arg0, %eq3A_876 : i32
    %convert_element_type3A_878 = arith.extui %eq3A_877 : i1 to i32
    %cond3A_879 = arith.constant 0 : i32
    %cond3A_880 = arith.cmpi ne, %convert_element_type3A_878, %cond3A_879 : i32
    scf.if %cond3A_880 {
      %mul3A_881 = arith.constant 640 : i32
      %mul3A_882 = arith.muli %arg1, %mul3A_881 : i32
      %mul3A_883 = arith.constant 640 : i32
      %mul3A_884 = arith.muli %arg1, %mul3A_883 : i32
      "tpu.region"() ({
        %run_scoped3A = tpu.sem_alloc : memref<!tpu.dma_semaphore, #tpu.memory_space<semaphore_mem>>
        %dma_start3A_885 = tpu.memref_slice %arg4[%mul3A_884] : memref<10240xf32, #tpu.memory_space<hbm>> -> memref<640xf32, #tpu.memory_space<hbm>>
        %dma_start3A_886 = tpu.memref_slice %arg8[%mul3A_882] : memref<10240xf32, #tpu.memory_space<vmem_shared>> -> memref<640xf32, #tpu.memory_space<vmem_shared>>
        tpu.enqueue_dma source(%dma_start3A_886 : memref<640xf32, #tpu.memory_space<vmem_shared>>) target(%dma_start3A_885 : memref<640xf32, #tpu.memory_space<hbm>>) target_semaphore(%run_scoped3A : memref<!tpu.dma_semaphore, #tpu.memory_space<semaphore_mem>>)
        %dma_wait3A_887 = tpu.memref_slice %arg4[%mul3A_884] : memref<10240xf32, #tpu.memory_space<hbm>> -> memref<640xf32, #tpu.memory_space<hbm>>
        %dma_wait3A_888 = tpu.memref_slice %arg8[%mul3A_882] : memref<10240xf32, #tpu.memory_space<vmem_shared>> -> memref<640xf32, #tpu.memory_space<vmem_shared>>
        tpu.wait_dma2 semaphore(%run_scoped3A : memref<!tpu.dma_semaphore, #tpu.memory_space<semaphore_mem>>) src(%dma_wait3A_888 : memref<640xf32, #tpu.memory_space<vmem_shared>>) dst(%dma_wait3A_887 : memref<640xf32, #tpu.memory_space<hbm>>)
        tpu.yield
      }) : () -> ()
    } else {
    }
    return
  }
}

module attributes {stable_mosaic.version = 14 : i64} {
  func.func @_mm_body(%arg0: i32, %arg1: memref<2000x256xf32, #tpu.memory_space<vmem>>, %arg2: memref<256x256xf32, #tpu.memory_space<vmem>>, %arg3: memref<2000x1xf32, #tpu.memory_space<vmem>>, %arg4: memref<2000x1xf32, #tpu.memory_space<vmem>>, %arg5: memref<2x2000x128xf32, #tpu.memory_space<vmem>>) attributes {dimension_semantics = [#tpu.dimension_semantics<arbitrary>], iteration_bounds = array<i64: 5>, scalar_prefetch = 0 : i64, scratch_operands = 0 : i64, tpu.core_type = #tpu.core_type<tc>, window_params = [{transform_indices = @transform_0, window_bounds = array<i64: 2000, 256>}, {pipeline_mode = #tpu.pipeline_mode<synchronous>, transform_indices = @transform_1, window_bounds = array<i64: 256, 256>}, {transform_indices = @transform_2, window_bounds = array<i64: 2000, 1>}, {transform_indices = @transform_3, window_bounds = array<i64: 2000, 1>}, {transform_indices = @transform_4, window_bounds = array<i64: 2, 2000, 128>}]} {
    %get3A = arith.constant 0 : index
    %get3A_0 = arith.constant 0 : index
    %get3A_1 = vector.load %arg1[%get3A, %get3A_0] : memref<2000x256xf32, #tpu.memory_space<vmem>>, vector<2000x256xf32>
    %get3A_2 = arith.constant 0 : index
    %get3A_3 = arith.constant 0 : index
    %get3A_4 = vector.load %arg2[%get3A_2, %get3A_3] : memref<256x256xf32, #tpu.memory_space<vmem>>, vector<256x256xf32>
    %dot_general3A = arith.constant dense<0.000000e+00> : vector<2000x256xf32>
    %dot_general3A_5 = tpu.matmul %get3A_1, %get3A_4, %dot_general3A {dimension_numbers = #tpu.dot_dimension_numbers<[1], [0], [0], [1], [0, 0, 1, 1], [], []>, transpose_lhs_hint = false} : vector<2000x256xf32>, vector<256x256xf32>, vector<2000x256xf32> -> vector<2000x256xf32>
    %get3A_6 = arith.constant 0 : index
    %get3A_7 = arith.constant 0 : index
    %get3A_8 = vector.load %arg3[%get3A_6, %get3A_7] : memref<2000x1xf32, #tpu.memory_space<vmem>>, vector<2000x1xf32>
    %get3A_9 = arith.constant 0 : index
    %get3A_10 = arith.constant 0 : index
    %get3A_11 = vector.load %arg4[%get3A_9, %get3A_10] : memref<2000x1xf32, #tpu.memory_space<vmem>>, vector<2000x1xf32>
    %add3A = arith.addf %get3A_8, %get3A_11 : vector<2000x1xf32>
    %add3A_12 = arith.constant 1.000000e+00 : f32
    %add3A_13 = vector.broadcast %add3A_12 : f32 to vector<2000x1xf32>
    %add3A_14 = arith.addf %add3A, %add3A_13 : vector<2000x1xf32>
    %rsqrt3A = math.rsqrt %add3A_14 : vector<2000x1xf32>
    %mul3A = vector.broadcast %rsqrt3A : vector<2000x1xf32> to vector<2000x256xf32>
    %mul3A_15 = arith.mulf %dot_general3A_5, %mul3A : vector<2000x256xf32>
    %slice3A = vector.extract_strided_slice %mul3A_15 {offsets = [0, 0], sizes = [2000, 128], strides = [1, 1]} : vector<2000x256xf32> to vector<2000x128xf32>
    %swap3A = arith.constant 0 : index
    %swap3A_16 = arith.constant 0 : index
    %swap3A_17 = arith.constant 0 : index
    %swap3A_18 = vector.load %arg5[%swap3A, %swap3A_16, %swap3A_17] : memref<2x2000x128xf32, #tpu.memory_space<vmem>>, vector<1x2000x128xf32>
    %swap3A_19 = vector.shape_cast %swap3A_18 : vector<1x2000x128xf32> to vector<2000x128xf32>
    %swap3A_20 = vector.shape_cast %slice3A : vector<2000x128xf32> to vector<1x2000x128xf32>
    tpu.vector_store %arg5[%swap3A, %swap3A_16, %swap3A_17], %swap3A_20 {strides = array<i32>} : memref<2x2000x128xf32, #tpu.memory_space<vmem>>, vector<1x2000x128xf32>,
    %slice3A_21 = vector.extract_strided_slice %mul3A_15 {offsets = [0, 128], sizes = [2000, 128], strides = [1, 1]} : vector<2000x256xf32> to vector<2000x128xf32>
    %swap3A_22 = arith.constant 1 : index
    %swap3A_23 = arith.constant 0 : index
    %swap3A_24 = arith.constant 0 : index
    %swap3A_25 = vector.load %arg5[%swap3A_22, %swap3A_23, %swap3A_24] : memref<2x2000x128xf32, #tpu.memory_space<vmem>>, vector<1x2000x128xf32>
    %swap3A_26 = vector.shape_cast %swap3A_25 : vector<1x2000x128xf32> to vector<2000x128xf32>
    %swap3A_27 = vector.shape_cast %slice3A_21 : vector<2000x128xf32> to vector<1x2000x128xf32>
    tpu.vector_store %arg5[%swap3A_22, %swap3A_23, %swap3A_24], %swap3A_27 {strides = array<i32>} : memref<2x2000x128xf32, #tpu.memory_space<vmem>>, vector<1x2000x128xf32>,
    return
  }
  func.func @transform_0(%arg0: i32) -> (i32, i32) {
    %c0_i32 = arith.constant 0 : i32
    %c0_i32_0 = arith.constant 0 : i32
    return %arg0, %c0_i32 : i32, i32
  }
  func.func @transform_1(%arg0: i32) -> (i32, i32) {
    %c0_i32 = arith.constant 0 : i32
    %c0_i32_0 = arith.constant 0 : i32
    %c0_i32_1 = arith.constant 0 : i32
    return %c0_i32, %c0_i32_0 : i32, i32
  }
  func.func @transform_2(%arg0: i32) -> (i32, i32) {
    %c0_i32 = arith.constant 0 : i32
    %c0_i32_0 = arith.constant 0 : i32
    return %arg0, %c0_i32 : i32, i32
  }
  func.func @transform_3(%arg0: i32) -> (i32, i32) {
    %c0_i32 = arith.constant 0 : i32
    %c0_i32_0 = arith.constant 0 : i32
    return %arg0, %c0_i32 : i32, i32
  }
  func.func @transform_4(%arg0: i32) -> (i32, i32, i32) {
    %c0_i32 = arith.constant 0 : i32
    %c0_i32_0 = arith.constant 0 : i32
    %c0_i32_1 = arith.constant 0 : i32
    return %c0_i32, %arg0, %c0_i32_0 : i32, i32, i32
  }
}

module attributes {stable_mosaic.version = 14 : i64} {
  func.func @_out_body(%arg0: i32, %arg1: memref<2x2000x128xf32, #tpu.memory_space<vmem>>, %arg2: memref<2x2000x128xf32, #tpu.memory_space<vmem>>, %arg3: memref<2000x1xf32, #tpu.memory_space<vmem>>, %arg4: memref<2000x1xf32, #tpu.memory_space<vmem>>, %arg5: memref<1x256xf32, #tpu.memory_space<vmem>>, %arg6: memref<2000x256xf32, #tpu.memory_space<vmem>>) attributes {dimension_semantics = [#tpu.dimension_semantics<arbitrary>], iteration_bounds = array<i64: 5>, scalar_prefetch = 0 : i64, scratch_operands = 0 : i64, tpu.core_type = #tpu.core_type<tc>, window_params = [{transform_indices = @transform_0, window_bounds = array<i64: 2, 2000, 128>}, {transform_indices = @transform_1, window_bounds = array<i64: 2, 2000, 128>}, {transform_indices = @transform_2, window_bounds = array<i64: 2000, 1>}, {transform_indices = @transform_3, window_bounds = array<i64: 2000, 1>}, {pipeline_mode = #tpu.pipeline_mode<synchronous>, transform_indices = @transform_4, window_bounds = array<i64: 1, 256>}, {transform_indices = @transform_5, window_bounds = array<i64: 2000, 256>}]} {
    %get3A = arith.constant 0 : index
    %get3A_0 = arith.constant 0 : index
    %get3A_1 = vector.load %arg3[%get3A, %get3A_0] : memref<2000x1xf32, #tpu.memory_space<vmem>>, vector<2000x1xf32>
    %get3A_2 = arith.constant 0 : index
    %get3A_3 = arith.constant 0 : index
    %get3A_4 = vector.load %arg4[%get3A_2, %get3A_3] : memref<2000x1xf32, #tpu.memory_space<vmem>>, vector<2000x1xf32>
    %add3A = arith.addf %get3A_1, %get3A_4 : vector<2000x1xf32>
    %add3A_5 = arith.constant 1.000000e+00 : f32
    %add3A_6 = vector.broadcast %add3A_5 : f32 to vector<2000x1xf32>
    %add3A_7 = arith.addf %add3A, %add3A_6 : vector<2000x1xf32>
    %rsqrt3A = math.rsqrt %add3A_7 : vector<2000x1xf32>
    %get3A_8 = arith.constant 0 : index
    %get3A_9 = arith.constant 0 : index
    %get3A_10 = arith.constant 0 : index
    %get3A_11 = vector.load %arg1[%get3A_8, %get3A_9, %get3A_10] : memref<2x2000x128xf32, #tpu.memory_space<vmem>>, vector<1x2000x128xf32>
    %get3A_12 = vector.shape_cast %get3A_11 : vector<1x2000x128xf32> to vector<2000x128xf32>
    %get3A_13 = arith.constant 0 : index
    %get3A_14 = arith.constant 0 : index
    %get3A_15 = arith.constant 0 : index
    %get3A_16 = vector.load %arg2[%get3A_13, %get3A_14, %get3A_15] : memref<2x2000x128xf32, #tpu.memory_space<vmem>>, vector<1x2000x128xf32>
    %get3A_17 = vector.shape_cast %get3A_16 : vector<1x2000x128xf32> to vector<2000x128xf32>
    %add3A_18 = arith.addf %get3A_12, %get3A_17 : vector<2000x128xf32>
    %mul3A = vector.broadcast %rsqrt3A : vector<2000x1xf32> to vector<2000x128xf32>
    %mul3A_19 = arith.mulf %mul3A, %add3A_18 : vector<2000x128xf32>
    %get3A_20 = arith.constant 0 : index
    %get3A_21 = arith.constant 0 : index
    %get3A_22 = vector.load %arg5[%get3A_20, %get3A_21] : memref<1x256xf32, #tpu.memory_space<vmem>>, vector<1x128xf32>
    %get3A_23 = vector.shape_cast %get3A_22 : vector<1x128xf32> to vector<128xf32>
    %broadcast_in_dim3A = vector.shape_cast %get3A_23 : vector<128xf32> to vector<1x128xf32>
    %add3A_24 = vector.broadcast %broadcast_in_dim3A : vector<1x128xf32> to vector<2000x128xf32>
    %add3A_25 = arith.addf %mul3A_19, %add3A_24 : vector<2000x128xf32>
    %get3A_26 = arith.constant 1 : index
    %get3A_27 = arith.constant 0 : index
    %get3A_28 = arith.constant 0 : index
    %get3A_29 = vector.load %arg1[%get3A_26, %get3A_27, %get3A_28] : memref<2x2000x128xf32, #tpu.memory_space<vmem>>, vector<1x2000x128xf32>
    %get3A_30 = vector.shape_cast %get3A_29 : vector<1x2000x128xf32> to vector<2000x128xf32>
    %get3A_31 = arith.constant 1 : index
    %get3A_32 = arith.constant 0 : index
    %get3A_33 = arith.constant 0 : index
    %get3A_34 = vector.load %arg2[%get3A_31, %get3A_32, %get3A_33] : memref<2x2000x128xf32, #tpu.memory_space<vmem>>, vector<1x2000x128xf32>
    %get3A_35 = vector.shape_cast %get3A_34 : vector<1x2000x128xf32> to vector<2000x128xf32>
    %add3A_36 = arith.addf %get3A_30, %get3A_35 : vector<2000x128xf32>
    %mul3A_37 = vector.broadcast %rsqrt3A : vector<2000x1xf32> to vector<2000x128xf32>
    %mul3A_38 = arith.mulf %mul3A_37, %add3A_36 : vector<2000x128xf32>
    %get3A_39 = arith.constant 0 : index
    %get3A_40 = arith.constant 128 : index
    %get3A_41 = vector.load %arg5[%get3A_39, %get3A_40] : memref<1x256xf32, #tpu.memory_space<vmem>>, vector<1x128xf32>
    %get3A_42 = vector.shape_cast %get3A_41 : vector<1x128xf32> to vector<128xf32>
    %broadcast_in_dim3A_43 = vector.shape_cast %get3A_42 : vector<128xf32> to vector<1x128xf32>
    %add3A_44 = vector.broadcast %broadcast_in_dim3A_43 : vector<1x128xf32> to vector<2000x128xf32>
    %add3A_45 = arith.addf %mul3A_38, %add3A_44 : vector<2000x128xf32>
    %concatenate3A = tpu.concatenate %add3A_25, %add3A_45 in 1 : vector<2000x128xf32>, vector<2000x128xf32> -> vector<2000x256xf32>
    %swap3A = arith.constant 0 : index
    %swap3A_46 = arith.constant 0 : index
    %swap3A_47 = vector.load %arg6[%swap3A, %swap3A_46] : memref<2000x256xf32, #tpu.memory_space<vmem>>, vector<2000x256xf32>
    tpu.vector_store %arg6[%swap3A, %swap3A_46], %concatenate3A {strides = array<i32>} : memref<2000x256xf32, #tpu.memory_space<vmem>>, vector<2000x256xf32>,
    return
  }
  func.func @transform_0(%arg0: i32) -> (i32, i32, i32) {
    %c0_i32 = arith.constant 0 : i32
    %c0_i32_0 = arith.constant 0 : i32
    %c0_i32_1 = arith.constant 0 : i32
    return %c0_i32, %arg0, %c0_i32_0 : i32, i32, i32
  }
  func.func @transform_1(%arg0: i32) -> (i32, i32, i32) {
    %c0_i32 = arith.constant 0 : i32
    %c0_i32_0 = arith.constant 0 : i32
    %c0_i32_1 = arith.constant 0 : i32
    return %c0_i32, %arg0, %c0_i32_0 : i32, i32, i32
  }
  func.func @transform_2(%arg0: i32) -> (i32, i32) {
    %c0_i32 = arith.constant 0 : i32
    %c0_i32_0 = arith.constant 0 : i32
    return %arg0, %c0_i32 : i32, i32
  }
  func.func @transform_3(%arg0: i32) -> (i32, i32) {
    %c0_i32 = arith.constant 0 : i32
    %c0_i32_0 = arith.constant 0 : i32
    return %arg0, %c0_i32 : i32, i32
  }
  func.func @transform_4(%arg0: i32) -> (i32, i32) {
    %c0_i32 = arith.constant 0 : i32
    %c0_i32_0 = arith.constant 0 : i32
    %c0_i32_1 = arith.constant 0 : i32
    return %c0_i32, %c0_i32_0 : i32, i32
  }
  func.func @transform_5(%arg0: i32) -> (i32, i32) {
    %c0_i32 = arith.constant 0 : i32
    %c0_i32_0 = arith.constant 0 : i32
    return %arg0, %c0_i32 : i32, i32
  }
}

</mosaic_0001>

<sc_bundles>
// kernel: kernel.6.cloned.1.call-start
scs
__scs_entry_jumppad:
0x0: {  	(pc) =	sbr.rel $0x88, $3  }
0x1: {  	(tag) =	ssettag $0x0;
	lr =	simm.s32 $0x1  }
0x2: {  	[smem:$0x3F9D] =	sst lr;
	_ =	strace $0xD0000000  }
0x3: {  	_ = 	snop  }
0x4: {  	_ = 	snop  }
0x5: {  	_ = 	snop  }
0x6: {  	_ = 	snop  }
0x7: {  	_ = 	snop  }
__scs_overlays_trampoline_lowered:
0x8: {  	[smem:$0x3FAC] =	sst s0  }
0x9: {  	[smem:$0x3FAD] =	sst s1  }
0xa: {  	[smem:$0x3FAE] =	sst s2  }
0xb: {  	[smem:$0x3FAF] =	sst s3  }
0xc: {  	[smem:$0x3FB0] =	sst s4  }
0xd: {  	[smem:$0x3FB1] =	sst s5  }
0xe: {  	[smem:$0x3FB2] =	sst s6  }
0xf: {  	[smem:$0x3FB3] =	sst s7  }
0x10: {  	[smem:$0x3FB4] =	sst s8  }
0x11: {  	[smem:$0x3FB5] =	sst s9;
	s0 =	simm.s32 @!p0 $0x0  }
0x12: {  	s1 =	sld [smem:$0x3F9B];
	s0 =	simm.s32 @p0 $0x1  }
0x13: {  	[smem:$0x3FB6] =	sst s0;
	s0 =	simm.s32 @!p1 $0x0  }
0x14: {  	s2 =	sld [smem:$0x3F9A];
	s0 =	simm.s32 @p1 $0x1  }
0x15: {  	[smem:$0x3FB7] =	sst s0;
	s0 =	simm.s32 @!p2 $0x0  }
0x16: {  	s3 =	sld [smem:$0x3FDB];
	s0 =	simm.s32 @p2 $0x1  }
0x17: {  	s4 =	simm.s32 $0x1BF5;
	[smem:$0x3FB9] =	sst s0  }
0x18: {  	s0 =	sld [smem:$0x3F9C];
	_ =	swait.ge [sflag:s4], $0x0  }
0x19: {  	s7 =	sld [smem:$0x3F9D]  }
0x1a: {  	s8 =	sadd.s32 $0xFFFFE003, lr  }
0x1b: {  	s9 =	sadd.s32 $0xFFFFFEF7, lr;
	s5 =	simm.s32 $0xFFFFFFFF;
	p2 =	slt.u32 s8, $0xFFFFF086  }
0x1c: {  	p1 =	slt.u32 s9, $0xF7A;
	s5 =	simm.s32 @!p2 $0x0  }
0x1d: {  	s5 =	simm.s32 @p1 $0x1;
	p0 =	seq.s32 s7, s2  }
0x1e: {  	s7 =	smul.u32 @!p0 $0xF7A, s2;
	p2 =	seq.s32 @!p0 s5, $0x0  }
0x1f: {  	s9 =	smul.u32 $0xF7A, s1;
	s8 =	simm.s32 @!p0 $0x1BF5;
	p2 =	por !p2, p0  }
0x20: {  	[sflag:s8] =	ssyncset.s32 @!p0 $0xFFFFF086;
	s6 =	sadd.s32 @!p0 s3, s7;
	s7 =	simm.s32 @!p0 $0x108  }
0x21: {  	s3 =	sadd.s32 s3, s9;
	s6 =	sadd.s32 @!p0 $0x88, s6;
	s7 =	simm.s32 @p2 $0x1082  }
0x22: {  	[simem:s7], [sflag:s8] =	dma.local @!p0 [hbm:s6], $0xF7A  }
0x23: {  	s9 =	sor.u32 $0xD0000000, s2;
	s6 =	simm.s32 $0x108;
	_ =	swait.ge @!p0 [sflag:s8], $0x0  }
0x24: {  	s3 =	sadd.s32 $0x88, s3;
	s6 =	simm.s32 @!p1 $0x1082;
	[sflag:s4] =	ssyncset.s32 $0xFFFFF086  }
0x25: {  	[simem:s6], [sflag:s4] =	dma.local [hbm:s3], $0xF7A  }
0x26: {  	[smem:$0x3F9D] =	sst s1;
	(tag) =	ssettag s2;
	_ =	strace s9  }
0x27: {  	s1 =	sld [smem:$0x3FAD]  }
0x28: {  	s2 =	sld [smem:$0x3FAE]  }
0x29: {  	s4 =	sld [smem:$0x3FB0]  }
0x2a: {  	p0 =	seq.s32 s5, $0x0;
	s5 =	sld [smem:$0x3FB1]  }
0x2b: {  	s6 =	sld [smem:$0x3FB2]  }
0x2c: {  	s7 =	sld [smem:$0x3FB3]  }
0x2d: {  	s3 =	simm.s32 $0x108;
	s8 =	sld [smem:$0x3FB4]  }
0x2e: {  	s3 =	simm.s32 @!p0 $0x1082;
	s9 =	sld [smem:$0x3FB5]  }
0x2f: {  	lr =	sadd.s32 s0, s3;
	s0 =	sld [smem:$0x3FAC]  }
0x30: {  	s3 =	sld [smem:$0x3FAF]  }
0x31: {  	[smem:$0x3FB8] =	sst s10  }
0x32: {  	s10 =	sld [smem:$0x3FB6];
	_ =	sdelay $0x3  }
0x33: {  	p0 =	seq.s32 s10, $0x1;
	s10 =	sld [smem:$0x3FB8];
	_ =	sdelay $0x3  }
0x34: {  	[smem:$0x3FB8] =	sst s10  }
0x35: {  	s10 =	sld [smem:$0x3FB7];
	_ =	sdelay $0x3  }
0x36: {  	p1 =	seq.s32 s10, $0x1;
	s10 =	sld [smem:$0x3FB8];
	_ =	sdelay $0x3  }
0x37: {  	[smem:$0x3FB8] =	sst s10  }
0x38: {  	s10 =	sld [smem:$0x3FB9]  }
0x39: {  	_ = 	snop;
	(pc) =	sbr.ind lr, $3  }
0x3a: {  	_ = 	snop  }
0x3b: {  	_ = 	snop  }
0x3c: {  	p2 =	seq.s32 s10, $0x1;
	s10 =	sld [smem:$0x3FB8]  }
0x3d: {  	_ =	shalt  }
0x3e: {  	_ =	shalt  }
0x3f: {  	_ =	shalt  }
0x40: {  	_ =	shalt  }
0x41: {  	_ =	shalt  }
0x42: {  	_ =	shalt  }
0x43: {  	_ =	shalt  }
0x44: {  	_ =	shalt  }
0x45: {  	_ =	shalt  }
0x46: {  	_ =	shalt  }
0x47: {  	_ =	shalt  }
0x48: {  	_ =	shalt  }
0x49: {  	_ =	shalt  }
0x4a: {  	_ =	shalt  }
0x4b: {  	_ =	shalt  }
0x4c: {  	_ =	shalt  }
0x4d: {  	_ =	shalt  }
0x4e: {  	_ =	shalt  }
0x4f: {  	_ =	shalt  }
0x50: {  	_ =	shalt  }
0x51: {  	_ =	shalt  }
0x52: {  	_ =	shalt  }
0x53: {  	_ =	shalt  }
0x54: {  	_ =	shalt  }
0x55: {  	_ =	shalt  }
0x56: {  	_ =	shalt  }
0x57: {  	_ =	shalt  }
0x58: {  	_ =	shalt  }
0x59: {  	_ =	shalt  }
0x5a: {  	_ =	shalt  }
0x5b: {  	_ =	shalt  }
0x5c: {  	_ =	shalt  }
0x5d: {  	_ =	shalt  }
0x5e: {  	_ =	shalt  }
0x5f: {  	_ =	shalt  }
0x60: {  	_ =	shalt  }
0x61: {  	_ =	shalt  }
0x62: {  	_ =	shalt  }
0x63: {  	_ =	shalt  }
0x64: {  	_ =	shalt  }
0x65: {  	_ =	shalt  }
0x66: {  	_ =	shalt  }
0x67: {  	_ =	shalt  }
0x68: {  	_ =	shalt  }
0x69: {  	_ =	shalt  }
0x6a: {  	_ =	shalt  }
0x6b: {  	_ =	shalt  }
0x6c: {  	_ =	shalt  }
0x6d: {  	_ =	shalt  }
0x6e: {  	_ =	shalt  }
0x6f: {  	_ =	shalt  }
0x70: {  	_ =	shalt  }
0x71: {  	_ =	shalt  }
0x72: {  	_ =	shalt  }
0x73: {  	_ =	shalt  }
0x74: {  	_ =	shalt  }
0x75: {  	_ =	shalt  }
0x76: {  	_ =	shalt  }
0x77: {  	_ =	shalt  }
0x78: {  	_ =	shalt  }
0x79: {  	_ =	shalt  }
0x7a: {  	_ =	shalt  }
0x7b: {  	_ =	shalt  }
0x7c: {  	_ =	shalt  }
0x7d: {  	_ =	shalt  }
0x7e: {  	_ =	shalt  }
0x7f: {  	_ =	shalt  }
0x80: {  	_ =	shalt  }
0x81: {  	_ =	shalt  }
0x82: {  	_ =	shalt  }
0x83: {  	_ =	shalt  }
0x84: {  	_ =	shalt  }
0x85: {  	_ =	shalt  }
0x86: {  	_ =	shalt  }
0x87: {  	_ =	shalt  }
.Lfunc_end0:
.L_simem_size_0:
called_computation_lowered:
.L_overlay_start_0:
0x88: {  	s2 =	sld [smem:$0x3FD9]  }
0x89: {  	s3 =	sld [smem:$0x3FFE];
	_ =	sdelay $0x1  }
0x8a: {  	s1 =	srdreg.scid  }
0x8b: {  	s0 =	sand.u32 $0x1, s1  }
0x8c: {  	s17 =	sshll.u32 s0, $0xA;
	s2 =	sadd.s32 s3, s2  }
0x8d: {  	s2 =	sadd.s32 s2, s17  }
0x8e: {  	[smem:$0x3FC4] =	sst s2  }
0x8f: {  	_ = 	snop  }
0x90: {  	s2 =	sld [smem:$0x3FD0];
	(tm) =	ssettm $0x1  }
0x91: {  	s18 =	sld [smem:$0x3FFB];
	_ =	sdelay $0x3  }
0x92: {  	_ =	strace s18  }
0x93: {  	s3 =	sld [smem:$0x3FFC];
	_ =	sdelay $0x3  }
0x94: {  	_ =	strace s3  }
0x95: {  	s3 =	sld [smem:$0x3FFD];
	_ =	sdelay $0x3  }
0x96: {  	_ =	strace s3  }
0x97: {  	_ =	strace $0x8FFFFFFF  }
0x98: {  	s19 =	sld [smem:$0x3FDB];
	_ =	sdelay $0x1  }
0x99: {  	s4 =	simm.s32 $_scs_section_size  }
0x9a: {  	s5 =	simm.s32 $_size__tile_overlayer_lowered;
	s6 =	simm.s32 $_tile_overlayer_lowered  }
0x9b: {  	s22 =	simm.s32 $0x1BFF;
	s21 =	sshll.u32 s6, $0x1;
	s3 =	sadd.s32 s4, s19  }
0x9c: {  	s7 =	simm.s32 $0x0;
	s20 =	sshll.u32 s5, $0x1;
	s5 =	sadd.s32 s21, s3  }
0x9d: {  	[timem:s7], [sflag:s22] =	dma.local [hbm:s5], s20  }
0x9e: {  	_ =	swait.ge [sflag:s22], s20  }
0x9f: {  	s4 =	ssub.s32 $0x0, s20;
	[sflag:s22] =	ssyncset.done $0x0  }
0xa0: {  	[sflag:s22] =	ssyncadd.s32 s4;
	_ =	sdelay $0x1  }
0xa1: {  	s23 =	simm.s32 $0x1B8B  }
0xa2: {  	_ =	swait.ge [sflag:s23], $0x1  }
0xa3: {  	[sflag:s23] =	ssyncset.done $0x0  }
0xa4: {  	s25 =	simm.s32 $0x1B8E;
	s24 =	sld [smem:$0x3FFE];
	[sflag:s23] =	ssyncadd.s32 $0xFFFFFFFF  }
0xa5: {  	s26 =	simm.s32 $execute0_lowered;
	[smem:$0x3FD2] =	sst s25  }
0xa6: {  	s5 =	sshll.u32 s26, $0x1;
	_ =	strace $0x80000046;
	[dreg:$0x1] =	wrdreg $0xFFFFFFFF  }
0xa7: {  	s28 =	simm.s32 $_size_execute0_lowered;
	s3 =	sadd.s32 s3, s5;
	[dreg:$0x0] =	wrdreg $0x0  }
0xa8: {  	s5 =	sshll.u32 s28, $0x1;
	[dreg:$0x2] =	wrdreg s3  }
0xa9: {  	[dreg:$0x3] =	wrdreg s5  }
0xaa: {  	[dreg:$0x4] =	wrdreg $0xC0  }
0xab: {  	_ =	task [dreg:s7], $0x5FFFF  }
0xac: {  	[dreg:$0x1] =	wrdreg $0xFFFFFFFF  }
0xad: {  	[dreg:$0x0] =	wrdreg $0x60  }
0xae: {  	[dreg:$0x2] =	wrdreg s24  }
0xaf: {  	[dreg:$0x3] =	wrdreg s2  }
0xb0: {  	[dreg:$0x4] =	wrdreg $0x28800  }
0xb1: {  	[dreg:$0x5] =	wrdreg $0x9  }
0xb2: {  	_ =	task.clear_ibuf [dreg:s7], $0x6FFFF;
	_ =	strace $0x90000046  }
0xb3: {  	s29 =	simm.s32 $0x9;
	_ =	strace $0x80000048  }
0xb4: {  	_ =	swait.ge [sflag:s29], $0x1  }
0xb5: {  	[sflag:s29] =	ssyncadd.s32 $0xFFFFFFFF  }
0xb6: {  	_ =	strace $0x90000048  }
0xb7: {  	_ =	sfence  }
0xb8: {  	s30 =	sld [smem:$0x0];
	_ =	sdelay $0x2  }
0xb9: {  	s31 =	sshll.u32 s1, $0xD;
	s1 =	sshrl.u32 s1, $0x2  }
0xba: {  	s3 =	sand.u32 $0x4000, s31;
	s1 =	sadd.s32 s1, s30  }
0xbb: {  	s0 =	sor.u32 s3, s0;
	s1 =	sshll.u32 s1, $0x11  }
0xbc: {  	s0 =	sor.u32 s1, s0  }
0xbd: {  	s0 =	sadd.s32 $0x8F2B, s0  }
0xbe: {  	[sflag:s0] =	ssyncadd.remote.s32 $0x1  }
0xbf: {  	_ =	sfence.sel $0xFFFF  }
0xc0: {  	[dreg:$0x0] =	wrdreg $0xFFFFFFFF;
	(pc) =	sbr.abs _section_cstart, $3  }
0xc1: {  	[dreg:$0x1] =	wrdreg $0xFFFFFFFF  }
0xc2: {  	_ =	task.clear_ibuf [dreg:s7], $0x2FFFF;
	_ =	strace $0x9FFFFFFF  }
0xc3: {  	(tm) =	ssettm $0x7FFFFFFF  }
tec
execute0_lowered:
.L_overlay_start_1:
0x0: {  	(tag) =	ssettag $0x1  }
0x1: {  	s0 =	srdreg.scid;
	s1 =	rddreg [dreg:$0x0]  }
0x2: {  	s11 =	rddreg [dreg:$0x1];
	s6 =	stileid.u32  }
0x3: {  	s2 =	rddreg [dreg:$0x2];
	s13 =	simm.s32 $0x2800;
	s14 =	simm.s32 $0x80  }
0x4: {  	s15 =	simm.s32 $0x1;
	s31 =	simm.s32 $0x1100;
	s16 =	simm.s32 $0x2580  }
0x5: {  	s17 =	simm.s32 $0x1200;
	s18 =	simm.s32 $0x2600;
	s19 =	simm.s32 $0x1280  }
0x6: {  	s20 =	simm.s32 $0x2680;
	s21 =	simm.s32 $0x1300;
	s22 =	simm.s32 $0x2700  }
0x7: {  	s23 =	simm.s32 $0x1380;
	s24 =	simm.s32 $0x2780;
	s0 =	sand.u32 $0x1, s0  }
0x8: {  	s25 =	simm.s32 $0x0;
	s10 =	smul.u32 $0x280, s6;
	s3 =	sshll.u32 s0, $0x4  }
0x9: {  	s5 =	ssub.s32 $0x2, s0;
	p0 =	seq.s32 s0, $0x1;
	s4 =	sor.u32 s6, s3  }
0xa: {  	s0 =	simm.s32 $0x1180;
	s3 =	simm.s32 $0x0;
	s4 =	smul.u32 $0x280, s4  }
0xb: {  	s29 =	sshrl.u32 s5, $0x1;
	s30 =	sshrl.u32 s10, $0x3;
	[smem:$0x7FF] =	sst s3  }
0xc: {  	s12 =	ssub.s32 s5, s29;
	_ =	strace $0x80000047;
	s28 =	sadd.s32 s4, s1  }
0xd: {  	s1 =	sadd.s32 $0x6800, s1;
	s4 =	sadd.s32 s10, s2;
	s10 =	smax.u32 s12, $0x1  }
0xe: {  	s12 =	simm.s32 $0x2;
	s5 =	sadd.s32 $0x1800, s28;
	s6 =	sadd.s32 $0x80, s4  }
0xf: {  	s7 =	sadd.s32 $0x100, s4;
	s8 =	sadd.s32 $0x180, s4;
	s11 =	smov.u32 @p0 s1  }
0x10: {  	v0 =	vimm.f32 $1.000000000e+00;
	v1 =	vimm.f32 $0.0e+00;
	s9 =	sadd.s32 $0x200, s4;
	s1 =	simm.s32 $0x2500;
	s11 =	sadd.s32 s11, s30  }
.LBB2_1:
0x11: {  	[tilespmem:s3], [sflag:$0x2] =	stream.linear.gather [hbm4b:s5+s3], $0x1400, $0x38;
	[tilespmem:$0x2B00] =	vst v63  }
0x12: {  	s26 =	sand.u32 $0x7E00, s3;
	s28 =	sand.u32 $0x70, s3;
	_ =	swait.ge [sflag:s12], $0x1400  }
0x13: {  	s29 =	sshrl.u32 s26, $0x2;
	s26 =	simm.s32 $0x40;
	[sflag:s12] =	ssyncset.done $0x0  }
0x14: {  	s29 =	sor.u32 s28, s29;
	s28 =	simm.s32 $0x0;
	[sflag:s12] =	ssyncadd.s32 $0xFFFFEC00  }
.LBB2_2:
0x15: {  	p0 =	sne.s32 s26, $0x4FC0  }
0x16: {  	[tilespmem:s29+$0x1400] =	vst v0;
	s28 =	sadd.s32 $0x10, s28;
	s29 =	smov.u32 s26;
	s26 =	sadd.s32 $0x40, s26  }
.Ltmp0:
0x17: {  	(pc) =	sbr.rel @p0 .LBB2_2-.Ltmp0, $4  }
0x18: {  	_ = 	snop  }
0x19: {  	s29 =	sand.u32 $0x7E00, s29  }
0x1a: {  	s30 =	sand.u32 $0x70, s28;
	s29 =	sshrl.u32 s29, $0x2  }
0x1b: {  	s29 =	sor.u32 s30, s29  }
0x1c: {  	[tilespmem:s29+$0x1400] =	vst v0  }
0x1d: {  	[tilespmem:$0x2800] =	vst v1  }
0x1e: {  	[tilespmem:$0x2810] =	vst v1  }
0x1f: {  	[tilespmem:$0x2820] =	vst v1  }
0x20: {  	[tilespmem:$0x2830] =	vst v1  }
0x21: {  	[tilespmem:$0x2840] =	vst v1  }
0x22: {  	[tilespmem:$0x2850] =	vst v1  }
0x23: {  	[tilespmem:$0x2860] =	vst v1  }
0x24: {  	[tilespmem:$0x2870] =	vst v1  }
0x25: {  	[spmem:s4] =	stream.linear.scatter [tilespmem:s13], [sflag:$0x2], $0x80, $0x38;
	[tilespmem:$0x2B00] =	vst v63  }
0x26: {  	_ =	swait.ge [sflag:s12], $0x80  }
0x27: {  	[sflag:s12] =	ssyncset.done $0x0  }
0x28: {  	[sflag:s12] =	ssyncadd.s32 $0xFFFFFF80  }
0x29: {  	[spmem:s6] =	stream.linear.scatter [tilespmem:s13], [sflag:$0x2], $0x80, $0x38;
	[tilespmem:$0x2B00] =	vst v63  }
0x2a: {  	_ =	swait.ge [sflag:s12], $0x80  }
0x2b: {  	[sflag:s12] =	ssyncset.done $0x0  }
0x2c: {  	[sflag:s12] =	ssyncadd.s32 $0xFFFFFF80  }
0x2d: {  	[spmem:s7] =	stream.linear.scatter [tilespmem:s13], [sflag:$0x2], $0x80, $0x38;
	[tilespmem:$0x2B00] =	vst v63  }
0x2e: {  	_ =	swait.ge [sflag:s12], $0x80  }
0x2f: {  	[sflag:s12] =	ssyncset.done $0x0  }
0x30: {  	[sflag:s12] =	ssyncadd.s32 $0xFFFFFF80  }
0x31: {  	[spmem:s8] =	stream.linear.scatter [tilespmem:s13], [sflag:$0x2], $0x80, $0x38;
	[tilespmem:$0x2B00] =	vst v63  }
0x32: {  	_ =	swait.ge [sflag:s12], $0x80  }
0x33: {  	[sflag:s12] =	ssyncset.done $0x0  }
0x34: {  	[sflag:s12] =	ssyncadd.s32 $0xFFFFFF80  }
0x35: {  	[spmem:s9] =	stream.linear.scatter [tilespmem:s13], [sflag:$0x2], $0x80, $0x38;
	[tilespmem:$0x2B00] =	vst v63  }
0x36: {  	_ =	swait.ge [sflag:s12], $0x80  }
0x37: {  	[sflag:s12] =	ssyncset.done $0x0  }
0x38: {  	[sflag:s12] =	ssyncadd.s32 $0xFFFFFF80  }
0x39: {  	s26 =	simm.s32 $0x1400;
	[bflag:$0x0] =	sbarrier.arrive $0xFFFF  }
0x3a: {  	[spmem:s2] =	stream.indirect.scatter.add.f32 [tilespmem:s26], [sflag:$0x1], $0x1, s3, s14, $0xb8;
	[tilespmem:$0x2B00] =	vst v63  }
0x3b: {  	s29 =	simm.s32 $0x1480  }
0x3c: {  	[spmem:s2] =	stream.indirect.scatter.add.f32 [tilespmem:s29], [sflag:$0x1], $0x1, s14, s14, $0xb8;
	[tilespmem:$0x2B00] =	vst v63  }
0x3d: {  	s30 =	simm.s32 $0x100;
	s28 =	simm.s32 $0x1500  }
0x3e: {  	[spmem:s2] =	stream.indirect.scatter.add.f32 [tilespmem:s28], [sflag:$0x1], $0x1, s30, s14, $0xb8;
	[tilespmem:$0x2B00] =	vst v63  }
0x3f: {  	s29 =	simm.s32 $0x180;
	s30 =	simm.s32 $0x1580  }
0x40: {  	[spmem:s2] =	stream.indirect.scatter.add.f32 [tilespmem:s30], [sflag:$0x1], $0x1, s29, s14, $0xb8;
	[tilespmem:$0x2B00] =	vst v63  }
0x41: {  	s29 =	simm.s32 $0x200;
	s30 =	simm.s32 $0x1600  }
0x42: {  	[spmem:s2] =	stream.indirect.scatter.add.f32 [tilespmem:s30], [sflag:$0x1], $0x1, s29, s14, $0xb8;
	[tilespmem:$0x2B00] =	vst v63  }
0x43: {  	s29 =	simm.s32 $0x280;
	s30 =	simm.s32 $0x1680  }
0x44: {  	[spmem:s2] =	stream.indirect.scatter.add.f32 [tilespmem:s30], [sflag:$0x1], $0x1, s29, s14, $0xb8;
	[tilespmem:$0x2B00] =	vst v63  }
0x45: {  	s29 =	simm.s32 $0x300;
	s30 =	simm.s32 $0x1700  }
0x46: {  	[spmem:s2] =	stream.indirect.scatter.add.f32 [tilespmem:s30], [sflag:$0x1], $0x1, s29, s14, $0xb8;
	[tilespmem:$0x2B00] =	vst v63  }
0x47: {  	s29 =	simm.s32 $0x380;
	s30 =	simm.s32 $0x1780  }
0x48: {  	[spmem:s2] =	stream.indirect.scatter.add.f32 [tilespmem:s30], [sflag:$0x1], $0x1, s29, s14, $0xb8;
	[tilespmem:$0x2B00] =	vst v63  }
0x49: {  	s29 =	simm.s32 $0x400;
	s30 =	simm.s32 $0x1800  }
0x4a: {  	[spmem:s2] =	stream.indirect.scatter.add.f32 [tilespmem:s30], [sflag:$0x1], $0x1, s29, s14, $0xb8;
	[tilespmem:$0x2B00] =	vst v63  }
0x4b: {  	s29 =	simm.s32 $0x480;
	s30 =	simm.s32 $0x1880  }
0x4c: {  	[spmem:s2] =	stream.indirect.scatter.add.f32 [tilespmem:s30], [sflag:$0x1], $0x1, s29, s14, $0xb8;
	[tilespmem:$0x2B00] =	vst v63  }
0x4d: {  	_ =	swait.ge [sflag:s15], $0x80  }
0x4e: {  	[sflag:s15] =	ssyncset.done $0x0  }
0x4f: {  	[sflag:s15] =	ssyncadd.s32 $0xFFFFFF80  }
0x50: {  	_ =	swait.ge [sflag:s15], $0x80  }
0x51: {  	[sflag:s15] =	ssyncset.done $0x0  }
0x52: {  	[sflag:s15] =	ssyncadd.s32 $0xFFFFFF80  }
0x53: {  	_ =	swait.ge [sflag:s15], $0x80  }
0x54: {  	[sflag:s15] =	ssyncset.done $0x0  }
0x55: {  	[sflag:s15] =	ssyncadd.s32 $0xFFFFFF80  }
0x56: {  	_ =	swait.ge [sflag:s15], $0x80  }
0x57: {  	[sflag:s15] =	ssyncset.done $0x0  }
0x58: {  	[sflag:s15] =	ssyncadd.s32 $0xFFFFFF80  }
0x59: {  	_ =	swait.ge [sflag:s15], $0x80  }
0x5a: {  	[sflag:s15] =	ssyncset.done $0x0  }
0x5b: {  	[sflag:s15] =	ssyncadd.s32 $0xFFFFFF80  }
0x5c: {  	_ =	swait.ge [sflag:s15], $0x80  }
0x5d: {  	[sflag:s15] =	ssyncset.done $0x0  }
0x5e: {  	[sflag:s15] =	ssyncadd.s32 $0xFFFFFF80  }
0x5f: {  	_ =	swait.ge [sflag:s15], $0x80  }
0x60: {  	[sflag:s15] =	ssyncset.done $0x0  }
0x61: {  	[sflag:s15] =	ssyncadd.s32 $0xFFFFFF80  }
0x62: {  	_ =	swait.ge [sflag:s15], $0x80  }
0x63: {  	[sflag:s15] =	ssyncset.done $0x0  }
0x64: {  	[sflag:s15] =	ssyncadd.s32 $0xFFFFFF80  }
0x65: {  	_ =	swait.ge [sflag:s15], $0x80  }
0x66: {  	[sflag:s15] =	ssyncset.done $0x0  }
0x67: {  	[sflag:s15] =	ssyncadd.s32 $0xFFFFFF80  }
0x68: {  	_ =	swait.ge [sflag:s15], $0x80  }
0x69: {  	[sflag:s15] =	ssyncset.done $0x0  }
0x6a: {  	s29 =	simm.s32 $0x500;
	s30 =	simm.s32 $0x1900;
	[sflag:s15] =	ssyncadd.s32 $0xFFFFFF80  }
0x6b: {  	[spmem:s2] =	stream.indirect.scatter.add.f32 [tilespmem:s30], [sflag:$0x1], $0x1, s29, s14, $0xb8;
	[tilespmem:$0x2B00] =	vst v63  }
0x6c: {  	s29 =	simm.s32 $0x580;
	s30 =	simm.s32 $0x1980  }
0x6d: {  	[spmem:s2] =	stream.indirect.scatter.add.f32 [tilespmem:s30], [sflag:$0x1], $0x1, s29, s14, $0xb8;
	[tilespmem:$0x2B00] =	vst v63  }
0x6e: {  	s29 =	simm.s32 $0x600;
	s30 =	simm.s32 $0x1A00  }
0x6f: {  	[spmem:s2] =	stream.indirect.scatter.add.f32 [tilespmem:s30], [sflag:$0x1], $0x1, s29, s14, $0xb8;
	[tilespmem:$0x2B00] =	vst v63  }
0x70: {  	s29 =	simm.s32 $0x680;
	s30 =	simm.s32 $0x1A80  }
0x71: {  	[spmem:s2] =	stream.indirect.scatter.add.f32 [tilespmem:s30], [sflag:$0x1], $0x1, s29, s14, $0xb8;
	[tilespmem:$0x2B00] =	vst v63  }
0x72: {  	s29 =	simm.s32 $0x700;
	s30 =	simm.s32 $0x1B00  }
0x73: {  	[spmem:s2] =	stream.indirect.scatter.add.f32 [tilespmem:s30], [sflag:$0x1], $0x1, s29, s14, $0xb8;
	[tilespmem:$0x2B00] =	vst v63  }
0x74: {  	s29 =	simm.s32 $0x780;
	s30 =	simm.s32 $0x1B80  }
0x75: {  	[spmem:s2] =	stream.indirect.scatter.add.f32 [tilespmem:s30], [sflag:$0x1], $0x1, s29, s14, $0xb8;
	[tilespmem:$0x2B00] =	vst v63  }
0x76: {  	s29 =	simm.s32 $0x800;
	s30 =	simm.s32 $0x1C00  }
0x77: {  	[spmem:s2] =	stream.indirect.scatter.add.f32 [tilespmem:s30], [sflag:$0x1], $0x1, s29, s14, $0xb8;
	[tilespmem:$0x2B00] =	vst v63  }
0x78: {  	s29 =	simm.s32 $0x880;
	s30 =	simm.s32 $0x1C80  }
0x79: {  	[spmem:s2] =	stream.indirect.scatter.add.f32 [tilespmem:s30], [sflag:$0x1], $0x1, s29, s14, $0xb8;
	[tilespmem:$0x2B00] =	vst v63  }
0x7a: {  	s29 =	simm.s32 $0x900;
	s30 =	simm.s32 $0x1D00  }
0x7b: {  	[spmem:s2] =	stream.indirect.scatter.add.f32 [tilespmem:s30], [sflag:$0x1], $0x1, s29, s14, $0xb8;
	[tilespmem:$0x2B00] =	vst v63  }
0x7c: {  	s29 =	simm.s32 $0x980;
	s30 =	simm.s32 $0x1D80  }
0x7d: {  	[spmem:s2] =	stream.indirect.scatter.add.f32 [tilespmem:s30], [sflag:$0x1], $0x1, s29, s14, $0xb8;
	[tilespmem:$0x2B00] =	vst v63  }
0x7e: {  	_ =	swait.ge [sflag:s15], $0x80  }
0x7f: {  	[sflag:s15] =	ssyncset.done $0x0  }
0x80: {  	[sflag:s15] =	ssyncadd.s32 $0xFFFFFF80  }
0x81: {  	_ =	swait.ge [sflag:s15], $0x80  }
0x82: {  	[sflag:s15] =	ssyncset.done $0x0  }
0x83: {  	[sflag:s15] =	ssyncadd.s32 $0xFFFFFF80  }
0x84: {  	_ =	swait.ge [sflag:s15], $0x80  }
0x85: {  	[sflag:s15] =	ssyncset.done $0x0  }
0x86: {  	[sflag:s15] =	ssyncadd.s32 $0xFFFFFF80  }
0x87: {  	_ =	swait.ge [sflag:s15], $0x80  }
0x88: {  	[sflag:s15] =	ssyncset.done $0x0  }
0x89: {  	[sflag:s15] =	ssyncadd.s32 $0xFFFFFF80  }
0x8a: {  	_ =	swait.ge [sflag:s15], $0x80  }
0x8b: {  	[sflag:s15] =	ssyncset.done $0x0  }
0x8c: {  	[sflag:s15] =	ssyncadd.s32 $0xFFFFFF80  }
0x8d: {  	_ =	swait.ge [sflag:s15], $0x80  }
0x8e: {  	[sflag:s15] =	ssyncset.done $0x0  }
0x8f: {  	[sflag:s15] =	ssyncadd.s32 $0xFFFFFF80  }
0x90: {  	_ =	swait.ge [sflag:s15], $0x80  }
0x91: {  	[sflag:s15] =	ssyncset.done $0x0  }
0x92: {  	[sflag:s15] =	ssyncadd.s32 $0xFFFFFF80  }
0x93: {  	_ =	swait.ge [sflag:s15], $0x80  }
0x94: {  	[sflag:s15] =	ssyncset.done $0x0  }
0x95: {  	[sflag:s15] =	ssyncadd.s32 $0xFFFFFF80  }
0x96: {  	_ =	swait.ge [sflag:s15], $0x80  }
0x97: {  	[sflag:s15] =	ssyncset.done $0x0  }
0x98: {  	[sflag:s15] =	ssyncadd.s32 $0xFFFFFF80  }
0x99: {  	_ =	swait.ge [sflag:s15], $0x80  }
0x9a: {  	[sflag:s15] =	ssyncset.done $0x0  }
0x9b: {  	s29 =	simm.s32 $0xA00;
	s30 =	simm.s32 $0x1E00;
	[sflag:s15] =	ssyncadd.s32 $0xFFFFFF80  }
0x9c: {  	[spmem:s2] =	stream.indirect.scatter.add.f32 [tilespmem:s30], [sflag:$0x1], $0x1, s29, s14, $0xb8;
	[tilespmem:$0x2B00] =	vst v63  }
0x9d: {  	s29 =	simm.s32 $0xA80;
	s30 =	simm.s32 $0x1E80  }
0x9e: {  	[spmem:s2] =	stream.indirect.scatter.add.f32 [tilespmem:s30], [sflag:$0x1], $0x1, s29, s14, $0xb8;
	[tilespmem:$0x2B00] =	vst v63  }
0x9f: {  	s29 =	simm.s32 $0xB00;
	s30 =	simm.s32 $0x1F00  }
0xa0: {  	[spmem:s2] =	stream.indirect.scatter.add.f32 [tilespmem:s30], [sflag:$0x1], $0x1, s29, s14, $0xb8;
	[tilespmem:$0x2B00] =	vst v63  }
0xa1: {  	s29 =	simm.s32 $0xB80;
	s30 =	simm.s32 $0x1F80  }
0xa2: {  	[spmem:s2] =	stream.indirect.scatter.add.f32 [tilespmem:s30], [sflag:$0x1], $0x1, s29, s14, $0xb8;
	[tilespmem:$0x2B00] =	vst v63  }
0xa3: {  	s29 =	simm.s32 $0xC00;
	s30 =	simm.s32 $0x2000  }
0xa4: {  	[spmem:s2] =	stream.indirect.scatter.add.f32 [tilespmem:s30], [sflag:$0x1], $0x1, s29, s14, $0xb8;
	[tilespmem:$0x2B00] =	vst v63  }
0xa5: {  	s29 =	simm.s32 $0xC80;
	s30 =	simm.s32 $0x2080  }
0xa6: {  	[spmem:s2] =	stream.indirect.scatter.add.f32 [tilespmem:s30], [sflag:$0x1], $0x1, s29, s14, $0xb8;
	[tilespmem:$0x2B00] =	vst v63  }
0xa7: {  	s29 =	simm.s32 $0xD00;
	s30 =	simm.s32 $0x2100  }
0xa8: {  	[spmem:s2] =	stream.indirect.scatter.add.f32 [tilespmem:s30], [sflag:$0x1], $0x1, s29, s14, $0xb8;
	[tilespmem:$0x2B00] =	vst v63  }
0xa9: {  	s29 =	simm.s32 $0xD80;
	s30 =	simm.s32 $0x2180  }
0xaa: {  	[spmem:s2] =	stream.indirect.scatter.add.f32 [tilespmem:s30], [sflag:$0x1], $0x1, s29, s14, $0xb8;
	[tilespmem:$0x2B00] =	vst v63  }
0xab: {  	s29 =	simm.s32 $0xE00;
	s30 =	simm.s32 $0x2200  }
0xac: {  	[spmem:s2] =	stream.indirect.scatter.add.f32 [tilespmem:s30], [sflag:$0x1], $0x1, s29, s14, $0xb8;
	[tilespmem:$0x2B00] =	vst v63  }
0xad: {  	s29 =	simm.s32 $0xE80;
	s30 =	simm.s32 $0x2280  }
0xae: {  	[spmem:s2] =	stream.indirect.scatter.add.f32 [tilespmem:s30], [sflag:$0x1], $0x1, s29, s14, $0xb8;
	[tilespmem:$0x2B00] =	vst v63  }
0xaf: {  	_ =	swait.ge [sflag:s15], $0x80  }
0xb0: {  	[sflag:s15] =	ssyncset.done $0x0  }
0xb1: {  	[sflag:s15] =	ssyncadd.s32 $0xFFFFFF80  }
0xb2: {  	_ =	swait.ge [sflag:s15], $0x80  }
0xb3: {  	[sflag:s15] =	ssyncset.done $0x0  }
0xb4: {  	[sflag:s15] =	ssyncadd.s32 $0xFFFFFF80  }
0xb5: {  	_ =	swait.ge [sflag:s15], $0x80  }
0xb6: {  	[sflag:s15] =	ssyncset.done $0x0  }
0xb7: {  	[sflag:s15] =	ssyncadd.s32 $0xFFFFFF80  }
0xb8: {  	_ =	swait.ge [sflag:s15], $0x80  }
0xb9: {  	[sflag:s15] =	ssyncset.done $0x0  }
0xba: {  	[sflag:s15] =	ssyncadd.s32 $0xFFFFFF80  }
0xbb: {  	_ =	swait.ge [sflag:s15], $0x80  }
0xbc: {  	[sflag:s15] =	ssyncset.done $0x0  }
0xbd: {  	[sflag:s15] =	ssyncadd.s32 $0xFFFFFF80  }
0xbe: {  	_ =	swait.ge [sflag:s15], $0x80  }
0xbf: {  	[sflag:s15] =	ssyncset.done $0x0  }
0xc0: {  	[sflag:s15] =	ssyncadd.s32 $0xFFFFFF80  }
0xc1: {  	_ =	swait.ge [sflag:s15], $0x80  }
0xc2: {  	[sflag:s15] =	ssyncset.done $0x0  }
0xc3: {  	[sflag:s15] =	ssyncadd.s32 $0xFFFFFF80  }
0xc4: {  	_ =	swait.ge [sflag:s15], $0x80  }
0xc5: {  	[sflag:s15] =	ssyncset.done $0x0  }
0xc6: {  	[sflag:s15] =	ssyncadd.s32 $0xFFFFFF80  }
0xc7: {  	_ =	swait.ge [sflag:s15], $0x80  }
0xc8: {  	[sflag:s15] =	ssyncset.done $0x0  }
0xc9: {  	[sflag:s15] =	ssyncadd.s32 $0xFFFFFF80  }
0xca: {  	_ =	swait.ge [sflag:s15], $0x80  }
0xcb: {  	[sflag:s15] =	ssyncset.done $0x0  }
0xcc: {  	s29 =	simm.s32 $0xF00;
	s30 =	simm.s32 $0x2300;
	[sflag:s15] =	ssyncadd.s32 $0xFFFFFF80  }
0xcd: {  	[spmem:s2] =	stream.indirect.scatter.add.f32 [tilespmem:s30], [sflag:$0x1], $0x1, s29, s14, $0xb8;
	[tilespmem:$0x2B00] =	vst v63  }
0xce: {  	s29 =	simm.s32 $0xF80;
	s30 =	simm.s32 $0x2380  }
0xcf: {  	[spmem:s2] =	stream.indirect.scatter.add.f32 [tilespmem:s30], [sflag:$0x1], $0x1, s29, s14, $0xb8;
	[tilespmem:$0x2B00] =	vst v63  }
0xd0: {  	s29 =	simm.s32 $0x1000;
	s30 =	simm.s32 $0x2400  }
0xd1: {  	[spmem:s2] =	stream.indirect.scatter.add.f32 [tilespmem:s30], [sflag:$0x1], $0x1, s29, s14, $0xb8;
	[tilespmem:$0x2B00] =	vst v63  }
0xd2: {  	s29 =	simm.s32 $0x1080;
	s30 =	simm.s32 $0x2480  }
0xd3: {  	[spmem:s2] =	stream.indirect.scatter.add.f32 [tilespmem:s30], [sflag:$0x1], $0x1, s29, s14, $0xb8;
	[tilespmem:$0x2B00] =	vst v63  }
0xd4: {  	_ = 	snop  }
0xd5: {  	[spmem:s2] =	stream.indirect.scatter.add.f32 [tilespmem:s1], [sflag:$0x1], $0x1, s31, s14, $0xb8;
	[tilespmem:$0x2B00] =	vst v63  }
0xd6: {  	_ = 	snop  }
0xd7: {  	[spmem:s2] =	stream.indirect.scatter.add.f32 [tilespmem:s16], [sflag:$0x1], $0x1, s0, s14, $0xb8;
	[tilespmem:$0x2B00] =	vst v63  }
0xd8: {  	_ = 	snop  }
0xd9: {  	[spmem:s2] =	stream.indirect.scatter.add.f32 [tilespmem:s18], [sflag:$0x1], $0x1, s17, s14, $0xb8;
	[tilespmem:$0x2B00] =	vst v63  }
0xda: {  	_ = 	snop  }
0xdb: {  	[spmem:s2] =	stream.indirect.scatter.add.f32 [tilespmem:s20], [sflag:$0x1], $0x1, s19, s14, $0xb8;
	[tilespmem:$0x2B00] =	vst v63  }
0xdc: {  	_ = 	snop  }
0xdd: {  	[spmem:s2] =	stream.indirect.scatter.add.f32 [tilespmem:s22], [sflag:$0x1], $0x1, s21, s14, $0xb8;
	[tilespmem:$0x2B00] =	vst v63  }
0xde: {  	_ = 	snop  }
0xdf: {  	[spmem:s2] =	stream.indirect.scatter.add.f32 [tilespmem:s24], [sflag:$0x1], $0x1, s23, s14, $0xb8;
	[tilespmem:$0x2B00] =	vst v63  }
0xe0: {  	_ =	swait.ge [sflag:s15], $0x80  }
0xe1: {  	[sflag:s15] =	ssyncset.done $0x0  }
0xe2: {  	[sflag:s15] =	ssyncadd.s32 $0xFFFFFF80  }
0xe3: {  	_ =	swait.ge [sflag:s15], $0x80  }
0xe4: {  	[sflag:s15] =	ssyncset.done $0x0  }
0xe5: {  	[sflag:s15] =	ssyncadd.s32 $0xFFFFFF80  }
0xe6: {  	_ =	swait.ge [sflag:s15], $0x80  }
0xe7: {  	[sflag:s15] =	ssyncset.done $0x0  }
0xe8: {  	[sflag:s15] =	ssyncadd.s32 $0xFFFFFF80  }
0xe9: {  	_ =	swait.ge [sflag:s15], $0x80  }
0xea: {  	[sflag:s15] =	ssyncset.done $0x0  }
0xeb: {  	[sflag:s15] =	ssyncadd.s32 $0xFFFFFF80  }
0xec: {  	_ =	swait.ge [sflag:s15], $0x80  }
0xed: {  	[sflag:s15] =	ssyncset.done $0x0  }
0xee: {  	[sflag:s15] =	ssyncadd.s32 $0xFFFFFF80  }
0xef: {  	_ =	swait.ge [sflag:s15], $0x80  }
0xf0: {  	[sflag:s15] =	ssyncset.done $0x0  }
0xf1: {  	[sflag:s15] =	ssyncadd.s32 $0xFFFFFF80  }
0xf2: {  	_ =	swait.ge [sflag:s15], $0x80  }
0xf3: {  	[sflag:s15] =	ssyncset.done $0x0  }
0xf4: {  	[sflag:s15] =	ssyncadd.s32 $0xFFFFFF80  }
0xf5: {  	_ =	swait.ge [sflag:s15], $0x80  }
0xf6: {  	[sflag:s15] =	ssyncset.done $0x0  }
0xf7: {  	[sflag:s15] =	ssyncadd.s32 $0xFFFFFF80  }
0xf8: {  	_ =	swait.ge [sflag:s15], $0x80  }
0xf9: {  	[sflag:s15] =	ssyncset.done $0x0  }
0xfa: {  	[sflag:s15] =	ssyncadd.s32 $0xFFFFFF80  }
0xfb: {  	s25 =	sadd.s32 $0x1, s25;
	_ =	swait.ge [sflag:s15], $0x80  }
0xfc: {  	p0 =	sne.s32 s25, s10;
	s29 =	stileid.u32;
	[sflag:s15] =	ssyncset.done $0x0  }
0xfd: {  	s30 =	sshrl.u32 s4, $0x3;
	s26 =	sshll.u32 s29, $0x6;
	[sflag:s15] =	ssyncadd.s32 $0xFFFFFF80  }
.Ltmp1:
0xfe: {  	s26 =	sor.u32 $0x1C02, s26;
	[bflag:$0x0] =	sbarrier.arrive $0xFFFF;
	(pc) =	sbr.rel @p0 .LBB2_1-.Ltmp1, $4  }
0xff: {  	[hbm:s11], [sflag:s26] =	dma.local [spmem:s30], $0x50  }
0x100: {  	_ =	swait.ge [sflag:s12], $0x50  }
0x101: {  	[sflag:s12] =	ssyncset.done $0x0  }
0x102: {  	[sflag:s12] =	ssyncadd.s32 $0xFFFFFFB0  }
0x103: {  	_ =	sfence.sel $0x180000  }
0x104: {  	[bflag:$0x0] =	sbarrier.arrive $0xFFFF  }
0x105: {  	_ =	strace $0x90000047  }
0x106: {  	s0 =	stileid.u32;
	[bflag:$0x2] =	sbarrier.arrive $0xFFFF  }
0x107: {  	p0 =	sne.s32 s0, $0x0;
	s0 =	rddreg [dreg:$0x3]  }
0x108: {  	s0 =	sadd.s32 @!p0 $0x100000, s0  }
0x109: {  	[sflag:s0] =	ssyncadd.tile.s32 @!p0 $0x1;
	_ =	shalt  }
.Lfunc_end2:
_tile_overlayer_lowered:
.L_overlay_start_2:
0x10a: {  	(tag) =	ssettag $0x2  }
0x10b: {  	s0 =	rddreg [dreg:$0x0];
	s2 =	stileid.u32  }
0x10c: {  	s1 =	rddreg [dreg:$0x1];
	p0 =	sne.s32 s2, $0x0  }
0x10d: {  	s3 =	rddreg [dreg:$0x2];
	[bflag:$0x3] =	sbarrier.arrive $0xFFFF;
	s2 =	simm.s32 @!p0 $0x1C02  }
0x10e: {  	[timem:s3], [sflag:s2] =	dma.local @!p0 [hbm:s0], s1  }
0x10f: {  	s0 =	simm.s32 @!p0 $0x2  }
0x110: {  	_ =	swait.ge @!p0 [sflag:s0], s1  }
0x111: {  	s1 =	ssub.s32 @!p0 $0x0, s1;
	[sflag:s0] =	ssyncset.done @!p0 $0x0  }
0x112: {  	[sflag:s0] =	ssyncadd.s32 @!p0 s1  }
0x113: {  	[bflag:$0x3] =	sbarrier.arrive $0xFFFF  }
0x114: {  	_ =	shalt  }

// kernel: kernel.9.cloned.1.call-start
scs
__scs_entry_jumppad:
0x0: {  	(pc) =	sbr.rel $0x88, $3  }
0x1: {  	(tag) =	ssettag $0x0;
	lr =	simm.s32 $0x1  }
0x2: {  	[smem:$0x3F9D] =	sst lr;
	_ =	strace $0xD0000000  }
0x3: {  	_ = 	snop  }
0x4: {  	_ = 	snop  }
0x5: {  	_ = 	snop  }
0x6: {  	_ = 	snop  }
0x7: {  	_ = 	snop  }
__scs_overlays_trampoline_lowered:
0x8: {  	[smem:$0x3FAC] =	sst s0  }
0x9: {  	[smem:$0x3FAD] =	sst s1  }
0xa: {  	[smem:$0x3FAE] =	sst s2  }
0xb: {  	[smem:$0x3FAF] =	sst s3  }
0xc: {  	[smem:$0x3FB0] =	sst s4  }
0xd: {  	[smem:$0x3FB1] =	sst s5  }
0xe: {  	[smem:$0x3FB2] =	sst s6  }
0xf: {  	[smem:$0x3FB3] =	sst s7  }
0x10: {  	[smem:$0x3FB4] =	sst s8  }
0x11: {  	[smem:$0x3FB5] =	sst s9;
	s0 =	simm.s32 @!p0 $0x0  }
0x12: {  	s1 =	sld [smem:$0x3F9B];
	s0 =	simm.s32 @p0 $0x1  }
0x13: {  	[smem:$0x3FB6] =	sst s0;
	s0 =	simm.s32 @!p1 $0x0  }
0x14: {  	s2 =	sld [smem:$0x3F9A];
	s0 =	simm.s32 @p1 $0x1  }
0x15: {  	[smem:$0x3FB7] =	sst s0;
	s0 =	simm.s32 @!p2 $0x0  }
0x16: {  	s3 =	sld [smem:$0x3FDB];
	s0 =	simm.s32 @p2 $0x1  }
0x17: {  	s4 =	simm.s32 $0x1BF5;
	[smem:$0x3FB9] =	sst s0  }
0x18: {  	s0 =	sld [smem:$0x3F9C];
	_ =	swait.ge [sflag:s4], $0x0  }
0x19: {  	s7 =	sld [smem:$0x3F9D]  }
0x1a: {  	s8 =	sadd.s32 $0xFFFFE003, lr  }
0x1b: {  	s9 =	sadd.s32 $0xFFFFFEF7, lr;
	s5 =	simm.s32 $0xFFFFFFFF;
	p2 =	slt.u32 s8, $0xFFFFF086  }
0x1c: {  	p1 =	slt.u32 s9, $0xF7A;
	s5 =	simm.s32 @!p2 $0x0  }
0x1d: {  	s5 =	simm.s32 @p1 $0x1;
	p0 =	seq.s32 s7, s2  }
0x1e: {  	s7 =	smul.u32 @!p0 $0xF7A, s2;
	p2 =	seq.s32 @!p0 s5, $0x0  }
0x1f: {  	s9 =	smul.u32 $0xF7A, s1;
	s8 =	simm.s32 @!p0 $0x1BF5;
	p2 =	por !p2, p0  }
0x20: {  	[sflag:s8] =	ssyncset.s32 @!p0 $0xFFFFF086;
	s6 =	sadd.s32 @!p0 s3, s7;
	s7 =	simm.s32 @!p0 $0x108  }
0x21: {  	s3 =	sadd.s32 s3, s9;
	s6 =	sadd.s32 @!p0 $0x88, s6;
	s7 =	simm.s32 @p2 $0x1082  }
0x22: {  	[simem:s7], [sflag:s8] =	dma.local @!p0 [hbm:s6], $0xF7A  }
0x23: {  	s9 =	sor.u32 $0xD0000000, s2;
	s6 =	simm.s32 $0x108;
	_ =	swait.ge @!p0 [sflag:s8], $0x0  }
0x24: {  	s3 =	sadd.s32 $0x88, s3;
	s6 =	simm.s32 @!p1 $0x1082;
	[sflag:s4] =	ssyncset.s32 $0xFFFFF086  }
0x25: {  	[simem:s6], [sflag:s4] =	dma.local [hbm:s3], $0xF7A  }
0x26: {  	[smem:$0x3F9D] =	sst s1;
	(tag) =	ssettag s2;
	_ =	strace s9  }
0x27: {  	s1 =	sld [smem:$0x3FAD]  }
0x28: {  	s2 =	sld [smem:$0x3FAE]  }
0x29: {  	s4 =	sld [smem:$0x3FB0]  }
0x2a: {  	p0 =	seq.s32 s5, $0x0;
	s5 =	sld [smem:$0x3FB1]  }
0x2b: {  	s6 =	sld [smem:$0x3FB2]  }
0x2c: {  	s7 =	sld [smem:$0x3FB3]  }
0x2d: {  	s3 =	simm.s32 $0x108;
	s8 =	sld [smem:$0x3FB4]  }
0x2e: {  	s3 =	simm.s32 @!p0 $0x1082;
	s9 =	sld [smem:$0x3FB5]  }
0x2f: {  	lr =	sadd.s32 s0, s3;
	s0 =	sld [smem:$0x3FAC]  }
0x30: {  	s3 =	sld [smem:$0x3FAF]  }
0x31: {  	[smem:$0x3FB8] =	sst s10  }
0x32: {  	s10 =	sld [smem:$0x3FB6];
	_ =	sdelay $0x3  }
0x33: {  	p0 =	seq.s32 s10, $0x1;
	s10 =	sld [smem:$0x3FB8];
	_ =	sdelay $0x3  }
0x34: {  	[smem:$0x3FB8] =	sst s10  }
0x35: {  	s10 =	sld [smem:$0x3FB7];
	_ =	sdelay $0x3  }
0x36: {  	p1 =	seq.s32 s10, $0x1;
	s10 =	sld [smem:$0x3FB8];
	_ =	sdelay $0x3  }
0x37: {  	[smem:$0x3FB8] =	sst s10  }
0x38: {  	s10 =	sld [smem:$0x3FB9]  }
0x39: {  	_ = 	snop;
	(pc) =	sbr.ind lr, $3  }
0x3a: {  	_ = 	snop  }
0x3b: {  	_ = 	snop  }
0x3c: {  	p2 =	seq.s32 s10, $0x1;
	s10 =	sld [smem:$0x3FB8]  }
0x3d: {  	_ =	shalt  }
0x3e: {  	_ =	shalt  }
0x3f: {  	_ =	shalt  }
0x40: {  	_ =	shalt  }
0x41: {  	_ =	shalt  }
0x42: {  	_ =	shalt  }
0x43: {  	_ =	shalt  }
0x44: {  	_ =	shalt  }
0x45: {  	_ =	shalt  }
0x46: {  	_ =	shalt  }
0x47: {  	_ =	shalt  }
0x48: {  	_ =	shalt  }
0x49: {  	_ =	shalt  }
0x4a: {  	_ =	shalt  }
0x4b: {  	_ =	shalt  }
0x4c: {  	_ =	shalt  }
0x4d: {  	_ =	shalt  }
0x4e: {  	_ =	shalt  }
0x4f: {  	_ =	shalt  }
0x50: {  	_ =	shalt  }
0x51: {  	_ =	shalt  }
0x52: {  	_ =	shalt  }
0x53: {  	_ =	shalt  }
0x54: {  	_ =	shalt  }
0x55: {  	_ =	shalt  }
0x56: {  	_ =	shalt  }
0x57: {  	_ =	shalt  }
0x58: {  	_ =	shalt  }
0x59: {  	_ =	shalt  }
0x5a: {  	_ =	shalt  }
0x5b: {  	_ =	shalt  }
0x5c: {  	_ =	shalt  }
0x5d: {  	_ =	shalt  }
0x5e: {  	_ =	shalt  }
0x5f: {  	_ =	shalt  }
0x60: {  	_ =	shalt  }
0x61: {  	_ =	shalt  }
0x62: {  	_ =	shalt  }
0x63: {  	_ =	shalt  }
0x64: {  	_ =	shalt  }
0x65: {  	_ =	shalt  }
0x66: {  	_ =	shalt  }
0x67: {  	_ =	shalt  }
0x68: {  	_ =	shalt  }
0x69: {  	_ =	shalt  }
0x6a: {  	_ =	shalt  }
0x6b: {  	_ =	shalt  }
0x6c: {  	_ =	shalt  }
0x6d: {  	_ =	shalt  }
0x6e: {  	_ =	shalt  }
0x6f: {  	_ =	shalt  }
0x70: {  	_ =	shalt  }
0x71: {  	_ =	shalt  }
0x72: {  	_ =	shalt  }
0x73: {  	_ =	shalt  }
0x74: {  	_ =	shalt  }
0x75: {  	_ =	shalt  }
0x76: {  	_ =	shalt  }
0x77: {  	_ =	shalt  }
0x78: {  	_ =	shalt  }
0x79: {  	_ =	shalt  }
0x7a: {  	_ =	shalt  }
0x7b: {  	_ =	shalt  }
0x7c: {  	_ =	shalt  }
0x7d: {  	_ =	shalt  }
0x7e: {  	_ =	shalt  }
0x7f: {  	_ =	shalt  }
0x80: {  	_ =	shalt  }
0x81: {  	_ =	shalt  }
0x82: {  	_ =	shalt  }
0x83: {  	_ =	shalt  }
0x84: {  	_ =	shalt  }
0x85: {  	_ =	shalt  }
0x86: {  	_ =	shalt  }
0x87: {  	_ =	shalt  }
.Lfunc_end0:
.L_simem_size_0:
called_computation.1_lowered:
.L_overlay_start_0:
0x88: {  	s2 =	sld [smem:$0x3FD9]  }
0x89: {  	s3 =	sld [smem:$0x3FFE];
	_ =	sdelay $0x1  }
0x8a: {  	s1 =	srdreg.scid  }
0x8b: {  	s0 =	sand.u32 $0x1, s1  }
0x8c: {  	s17 =	sshll.u32 s0, $0xA;
	s2 =	sadd.s32 s3, s2  }
0x8d: {  	s2 =	sadd.s32 s2, s17  }
0x8e: {  	[smem:$0x3FC4] =	sst s2  }
0x8f: {  	_ = 	snop  }
0x90: {  	s2 =	sld [smem:$0x3FD0];
	(tm) =	ssettm $0x1  }
0x91: {  	s18 =	sld [smem:$0x3FFB];
	_ =	sdelay $0x3  }
0x92: {  	_ =	strace s18  }
0x93: {  	s3 =	sld [smem:$0x3FFC];
	_ =	sdelay $0x3  }
0x94: {  	_ =	strace s3  }
0x95: {  	s3 =	sld [smem:$0x3FFD];
	_ =	sdelay $0x3  }
0x96: {  	_ =	strace s3  }
0x97: {  	_ =	strace $0x8FFFFFFF  }
0x98: {  	s19 =	sld [smem:$0x3FDB];
	_ =	sdelay $0x1  }
0x99: {  	s4 =	simm.s32 $_scs_section_size  }
0x9a: {  	s5 =	simm.s32 $_size__tile_overlayer_lowered;
	s6 =	simm.s32 $_tile_overlayer_lowered  }
0x9b: {  	s22 =	simm.s32 $0x1BFF;
	s21 =	sshll.u32 s6, $0x1;
	s3 =	sadd.s32 s4, s19  }
0x9c: {  	s7 =	simm.s32 $0x0;
	s20 =	sshll.u32 s5, $0x1;
	s5 =	sadd.s32 s21, s3  }
0x9d: {  	[timem:s7], [sflag:s22] =	dma.local [hbm:s5], s20  }
0x9e: {  	_ =	swait.ge [sflag:s22], s20  }
0x9f: {  	s4 =	ssub.s32 $0x0, s20;
	[sflag:s22] =	ssyncset.done $0x0  }
0xa0: {  	[sflag:s22] =	ssyncadd.s32 s4;
	_ =	sdelay $0x1  }
0xa1: {  	s23 =	simm.s32 $0x1B8B  }
0xa2: {  	_ =	swait.ge [sflag:s23], $0x1  }
0xa3: {  	[sflag:s23] =	ssyncset.done $0x0  }
0xa4: {  	s25 =	simm.s32 $0x1B8E;
	s24 =	sld [smem:$0x3FFE];
	[sflag:s23] =	ssyncadd.s32 $0xFFFFFFFF  }
0xa5: {  	s26 =	simm.s32 $execute0_lowered;
	[smem:$0x3FD2] =	sst s25  }
0xa6: {  	s5 =	sshll.u32 s26, $0x1;
	_ =	strace $0x80000049;
	[dreg:$0x1] =	wrdreg $0xFFFFFFFF  }
0xa7: {  	s28 =	simm.s32 $_size_execute0_lowered;
	s3 =	sadd.s32 s3, s5;
	[dreg:$0x0] =	wrdreg $0x0  }
0xa8: {  	s5 =	sshll.u32 s28, $0x1;
	[dreg:$0x2] =	wrdreg s3  }
0xa9: {  	[dreg:$0x3] =	wrdreg s5  }
0xaa: {  	[dreg:$0x4] =	wrdreg $0xC0  }
0xab: {  	_ =	task [dreg:s7], $0x5FFFF  }
0xac: {  	[dreg:$0x1] =	wrdreg $0xFFFFFFFF  }
0xad: {  	[dreg:$0x0] =	wrdreg $0x60  }
0xae: {  	[dreg:$0x2] =	wrdreg s24  }
0xaf: {  	[dreg:$0x3] =	wrdreg s2  }
0xb0: {  	[dreg:$0x4] =	wrdreg $0xA8000  }
0xb1: {  	[dreg:$0x5] =	wrdreg $0x9  }
0xb2: {  	_ =	task.clear_ibuf [dreg:s7], $0x6FFFF;
	_ =	strace $0x90000049  }
0xb3: {  	s29 =	simm.s32 $0x9;
	_ =	strace $0x8000004B  }
0xb4: {  	_ =	swait.ge [sflag:s29], $0x1  }
0xb5: {  	[sflag:s29] =	ssyncadd.s32 $0xFFFFFFFF  }
0xb6: {  	_ =	strace $0x9000004B  }
0xb7: {  	_ =	sfence  }
0xb8: {  	s30 =	sld [smem:$0x0];
	_ =	sdelay $0x2  }
0xb9: {  	s31 =	sshll.u32 s1, $0xD;
	s1 =	sshrl.u32 s1, $0x2  }
0xba: {  	s3 =	sand.u32 $0x4000, s31;
	s1 =	sadd.s32 s1, s30  }
0xbb: {  	s0 =	sor.u32 s3, s0;
	s1 =	sshll.u32 s1, $0x11  }
0xbc: {  	s0 =	sor.u32 s1, s0  }
0xbd: {  	s0 =	sadd.s32 $0x8F2B, s0  }
0xbe: {  	[sflag:s0] =	ssyncadd.remote.s32 $0x1  }
0xbf: {  	_ =	sfence.sel $0xFFFF  }
0xc0: {  	[dreg:$0x0] =	wrdreg $0xFFFFFFFF;
	(pc) =	sbr.abs _section_cstart, $3  }
0xc1: {  	[dreg:$0x1] =	wrdreg $0xFFFFFFFF  }
0xc2: {  	_ =	task.clear_ibuf [dreg:s7], $0x2FFFF;
	_ =	strace $0x9FFFFFFF  }
0xc3: {  	(tm) =	ssettm $0x7FFFFFFF  }
tec
execute0_lowered:
.L_overlay_start_1:
0x0: {  	(tag) =	ssettag $0x1  }
0x1: {  	s5 =	rddreg [dreg:$0x0]  }
0x2: {  	s2 =	rddreg [dreg:$0x1]  }
0x3: {  	s0 =	srdreg.scid;
	s3 =	rddreg [dreg:$0x2];
	s4 =	simm.s32 $0x0  }
0x4: {  	s19 =	simm.s32 $0x80;
	s20 =	simm.s32 $0x6800;
	s6 =	sand.u32 $0x1, s0  }
0x5: {  	s21 =	simm.s32 $0x1;
	s0 =	stileid.u32;
	s7 =	smul.u32 $0x140000, s6  }
0x6: {  	s22 =	simm.s32 $0x3;
	s23 =	simm.s32 $0x2;
	s8 =	smul.u32 $0x14000, s0  }
0x7: {  	s28 =	simm.s32 $0x0;
	[smem:$0x7FF] =	sst s4;
	s24 =	smul.u32 $0x50000, s0  }
0x8: {  	s12 =	sadd.s32 $0x6E00, s5;
	s13 =	sadd.s32 $0x1800, s5;
	s10 =	smul.u32 $0x28000, s6  }
0x9: {  	_ =	strace $0x8000004A;
	s25 =	ssub.s32 $0x2, s6;
	s11 =	smul.u32 $0x2800, s0  }
0xa: {  	s29 =	sshrl.u32 s25, $0x1;
	s7 =	sadd.s32 s8, s7;
	s26 =	sshrl.u32 s24, $0x2  }
0xb: {  	s15 =	ssub.s32 s25, s29;
	s16 =	sadd.s32 s11, s10;
	s17 =	sadd.s32 $0x1400, s11  }
0xc: {  	s11 =	sshrl.u32 s11, $0x3;
	s24 =	simm.s32 $0x4;
	s25 =	simm.s32 $0x2700  }
0xd: {  	s7 =	sshrl.u32 s7, $0x3;
	s16 =	sshrl.u32 s16, $0x3;
	s18 =	sadd.s32 s10, s17  }
0xe: {  	s11 =	sadd.s32 s13, s11;
	s31 =	sshrl.u32 s17, $0x3;
	s15 =	smax.u32 s15, $0x1  }
0xf: {  	s17 =	simm.s32 $0x5;
	s14 =	sadd.s32 s7, s5;
	s5 =	sadd.s32 s26, s3  }
0x10: {  	s10 =	sadd.s32 s12, s16;
	s30 =	sshrl.u32 s18, $0x3;
	s13 =	sadd.s32 s13, s31  }
0x11: {  	s16 =	simm.s32 $0x2800;
	s18 =	simm.s32 $0x1400;
	s26 =	simm.s32 $0x2780  }
0x12: {  	s6 =	sadd.s32 $0x4000, s5;
	s7 =	sadd.s32 $0x8000, s5;
	s8 =	sadd.s32 $0xC000, s5  }
0x13: {  	v0 =	vimm.f32 $0.0e+00;
	s9 =	sadd.s32 $0x10000, s5;
	s12 =	sadd.s32 s12, s30;
	s14 =	sadd.s32 $0x10E00, s14  }
.LBB2_1:
0x14: {  	s29 =	sand.u32 $0xFE00, s4  }
0x15: {  	s30 =	sand.u32 $0x70, s4;
	s31 =	sshrl.u32 s29, $0x2  }
0x16: {  	s29 =	simm.s32 $0x40;
	s31 =	sor.u32 s30, s31;
	s30 =	simm.s32 $0x0  }
.LBB2_2:
0x17: {  	p0 =	sne.s32 s29, $0xFFC0  }
0x18: {  	[tilespmem:s31+$0x2800] =	vst v0;
	s30 =	sadd.s32 $0x10, s30;
	s31 =	smov.u32 s29;
	s29 =	sadd.s32 $0x40, s29  }
.Ltmp0:
0x19: {  	(pc) =	sbr.rel @p0 .LBB2_2-.Ltmp0, $4  }
0x1a: {  	_ = 	snop  }
0x1b: {  	s31 =	sand.u32 $0xFE00, s31  }
0x1c: {  	s1 =	sand.u32 $0x70, s30;
	s31 =	sshrl.u32 s31, $0x2  }
0x1d: {  	s31 =	sor.u32 s1, s31  }
0x1e: {  	[tilespmem:s31+$0x2800] =	vst v0  }
0x1f: {  	[spmem:s5] =	stream.linear.scatter [tilespmem:s16], [sflag:$0x5], $0x4000, $0x38;
	[tilespmem:$0x1E800] =	vst v63  }
0x20: {  	_ =	swait.ge [sflag:s17], $0x4000  }
0x21: {  	[sflag:s17] =	ssyncset.done $0x0  }
0x22: {  	[sflag:s17] =	ssyncadd.s32 $0xFFFFC000  }
0x23: {  	[spmem:s6] =	stream.linear.scatter [tilespmem:s16], [sflag:$0x5], $0x4000, $0x38;
	[tilespmem:$0x1E800] =	vst v63  }
0x24: {  	_ =	swait.ge [sflag:s17], $0x4000  }
0x25: {  	[sflag:s17] =	ssyncset.done $0x0  }
0x26: {  	[sflag:s17] =	ssyncadd.s32 $0xFFFFC000  }
0x27: {  	[spmem:s7] =	stream.linear.scatter [tilespmem:s16], [sflag:$0x5], $0x4000, $0x38;
	[tilespmem:$0x1E800] =	vst v63  }
0x28: {  	_ =	swait.ge [sflag:s17], $0x4000  }
0x29: {  	[sflag:s17] =	ssyncset.done $0x0  }
0x2a: {  	[sflag:s17] =	ssyncadd.s32 $0xFFFFC000  }
0x2b: {  	[spmem:s8] =	stream.linear.scatter [tilespmem:s16], [sflag:$0x5], $0x4000, $0x38;
	[tilespmem:$0x1E800] =	vst v63  }
0x2c: {  	_ =	swait.ge [sflag:s17], $0x4000  }
0x2d: {  	[sflag:s17] =	ssyncset.done $0x0  }
0x2e: {  	[sflag:s17] =	ssyncadd.s32 $0xFFFFC000  }
0x2f: {  	[spmem:s9] =	stream.linear.scatter [tilespmem:s16], [sflag:$0x5], $0x4000, $0x38;
	[tilespmem:$0x1E800] =	vst v63  }
0x30: {  	_ =	swait.ge [sflag:s17], $0x4000  }
0x31: {  	[sflag:s17] =	ssyncset.done $0x0  }
0x32: {  	[sflag:s17] =	ssyncadd.s32 $0xFFFFC000  }
0x33: {  	s1 =	simm.s32 $0x0;
	[bflag:$0x0] =	sbarrier.arrive $0xFFFF  }
0x34: {  	[tilespmem:s1], [sflag:$0x5] =	stream.linear.gather [hbm4b:s10+s1], $0x1400, $0x38;
	[tilespmem:$0x1E800] =	vst v63  }
0x35: {  	_ =	swait.ge [sflag:s17], $0x1400  }
0x36: {  	[sflag:s17] =	ssyncset.done $0x0  }
0x37: {  	[sflag:s17] =	ssyncadd.s32 $0xFFFFEC00  }
0x38: {  	[tilespmem:s18], [sflag:$0x5] =	stream.linear.gather [hbm4b:s11+s1], $0x1400, $0x38;
	[tilespmem:$0x1E800] =	vst v63  }
0x39: {  	_ =	swait.ge [sflag:s17], $0x1400  }
0x3a: {  	[sflag:s17] =	ssyncset.done $0x0  }
0x3b: {  	[sflag:s17] =	ssyncadd.s32 $0xFFFFEC00  }
0x3c: {  	[tilespmem:s16], [sflag:$0x1] =	stream.indirect.gather [hbm4b:s2+s19], $0x80, s1, s19, $0xb8;
	[tilespmem:$0x1E800] =	vst v63  }
0x3d: {  	_ = 	snop  }
0x3e: {  	[tilespmem:s20], [sflag:$0x2] =	stream.indirect.gather [hbm4b:s2+s19], $0x80, s19, s19, $0xb8;
	[tilespmem:$0x1E800] =	vst v63  }
0x3f: {  	_ =	swait.ge [sflag:s21], $0x4000  }
0x40: {  	[sflag:s21] =	ssyncset.done $0x0  }
0x41: {  	s31 =	simm.s32 $0x1400;
	[sflag:s21] =	ssyncadd.s32 $0xFFFFC000  }
0x42: {  	[spmem:s3] =	stream.indirect.scatter.add.f32 [tilespmem:s16], [sflag:$0x3], $0x80, s31, s19, $0xb8;
	[tilespmem:$0x1E800] =	vst v63  }
0x43: {  	_ =	swait.ge [sflag:s22], $0x4000  }
0x44: {  	[sflag:s22] =	ssyncset.done $0x0  }
0x45: {  	s31 =	simm.s32 $0x100;
	[sflag:s22] =	ssyncadd.s32 $0xFFFFC000  }
0x46: {  	[tilespmem:s16], [sflag:$0x1] =	stream.indirect.gather [hbm4b:s2+s19], $0x80, s31, s19, $0xb8;
	[tilespmem:$0x1E800] =	vst v63  }
0x47: {  	_ =	swait.ge [sflag:s23], $0x4000  }
0x48: {  	[sflag:s23] =	ssyncset.done $0x0  }
0x49: {  	s31 =	simm.s32 $0x1480;
	[sflag:s23] =	ssyncadd.s32 $0xFFFFC000  }
0x4a: {  	[spmem:s3] =	stream.indirect.scatter.add.f32 [tilespmem:s20], [sflag:$0x4], $0x80, s31, s19, $0xb8;
	[tilespmem:$0x1E800] =	vst v63  }
0x4b: {  	_ =	swait.ge [sflag:s24], $0x4000  }
0x4c: {  	[sflag:s24] =	ssyncset.done $0x0  }
0x4d: {  	s29 =	simm.s32 $0x400;
	s30 =	simm.s32 $0x180;
	[sflag:s24] =	ssyncadd.s32 $0xFFFFC000  }
.LBB2_4:
0x4e: {  	[tilespmem:s20], [sflag:$0x2] =	stream.indirect.gather [hbm4b:s2+s19], $0x80, s30, s19, $0xb8;
	[tilespmem:$0x1E800] =	vst v63  }
0x4f: {  	s1 =	smov.u32 s29  }
0x50: {  	p0 =	sne.s32 s29, $0x4800;
	s29 =	sadd.s32 $0x400, s29;
	_ =	swait.ge [sflag:s21], $0x4000  }
0x51: {  	s1 =	sshra.s32 s1, $0x2;
	[sflag:s21] =	ssyncset.done $0x0  }
0x52: {  	s30 =	sadd.s32 $0x1400, s1;
	[sflag:s21] =	ssyncadd.s32 $0xFFFFC000  }
0x53: {  	[spmem:s3] =	stream.indirect.scatter.add.f32 [tilespmem:s16], [sflag:$0x3], $0x80, s30, s19, $0xb8;
	[tilespmem:$0x1E800] =	vst v63  }
0x54: {  	_ =	swait.ge [sflag:s22], $0x4000  }
0x55: {  	[sflag:s22] =	ssyncset.done $0x0  }
0x56: {  	s30 =	sadd.s32 $0x100, s1;
	[sflag:s22] =	ssyncadd.s32 $0xFFFFC000  }
0x57: {  	[tilespmem:s16], [sflag:$0x1] =	stream.indirect.gather [hbm4b:s2+s19], $0x80, s30, s19, $0xb8;
	[tilespmem:$0x1E800] =	vst v63  }
0x58: {  	_ =	swait.ge [sflag:s23], $0x4000  }
0x59: {  	[sflag:s23] =	ssyncset.done $0x0  }
.Ltmp1:
0x5a: {  	s30 =	sadd.s32 $0x1480, s1;
	[sflag:s23] =	ssyncadd.s32 $0xFFFFC000;
	(pc) =	sbr.rel @p0 .LBB2_4-.Ltmp1, $4  }
0x5b: {  	[spmem:s3] =	stream.indirect.scatter.add.f32 [tilespmem:s20], [sflag:$0x4], $0x80, s30, s19, $0xb8;
	[tilespmem:$0x1E800] =	vst v63  }
0x5c: {  	_ =	swait.ge [sflag:s24], $0x4000  }
0x5d: {  	[sflag:s24] =	ssyncset.done $0x0  }
0x5e: {  	s30 =	sadd.s32 $0x180, s1;
	[sflag:s24] =	ssyncadd.s32 $0xFFFFC000  }
0x5f: {  	[tilespmem:s20], [sflag:$0x2] =	stream.indirect.gather [hbm4b:s2+s19], $0x80, s30, s19, $0xb8;
	[tilespmem:$0x1E800] =	vst v63  }
0x60: {  	_ =	swait.ge [sflag:s21], $0x4000  }
0x61: {  	[sflag:s21] =	ssyncset.done $0x0  }
0x62: {  	[sflag:s21] =	ssyncadd.s32 $0xFFFFC000  }
0x63: {  	[spmem:s3] =	stream.indirect.scatter.add.f32 [tilespmem:s16], [sflag:$0x3], $0x80, s25, s19, $0xb8;
	[tilespmem:$0x1E800] =	vst v63  }
0x64: {  	_ =	swait.ge [sflag:s22], $0x4000  }
0x65: {  	[sflag:s22] =	ssyncset.done $0x0  }
0x66: {  	[sflag:s22] =	ssyncadd.s32 $0xFFFFC000  }
0x67: {  	_ =	swait.ge [sflag:s23], $0x4000  }
0x68: {  	[sflag:s23] =	ssyncset.done $0x0  }
0x69: {  	[sflag:s23] =	ssyncadd.s32 $0xFFFFC000  }
0x6a: {  	[spmem:s3] =	stream.indirect.scatter.add.f32 [tilespmem:s20], [sflag:$0x4], $0x80, s26, s19, $0xb8;
	[tilespmem:$0x1E800] =	vst v63  }
0x6b: {  	_ =	swait.ge [sflag:s24], $0x4000  }
0x6c: {  	[sflag:s24] =	ssyncset.done $0x0  }
0x6d: {  	s1 =	simm.s32 $0x0;
	[sflag:s24] =	ssyncadd.s32 $0xFFFFC000  }
0x6e: {  	[tilespmem:s1], [sflag:$0x5] =	stream.linear.gather [hbm4b:s12+s1], $0x1400, $0x38;
	[tilespmem:$0x1E800] =	vst v63  }
0x6f: {  	_ =	swait.ge [sflag:s17], $0x1400  }
0x70: {  	[sflag:s17] =	ssyncset.done $0x0  }
0x71: {  	[sflag:s17] =	ssyncadd.s32 $0xFFFFEC00  }
0x72: {  	[tilespmem:s18], [sflag:$0x5] =	stream.linear.gather [hbm4b:s13+s1], $0x1400, $0x38;
	[tilespmem:$0x1E800] =	vst v63  }
0x73: {  	_ =	swait.ge [sflag:s17], $0x1400  }
0x74: {  	[sflag:s17] =	ssyncset.done $0x0  }
0x75: {  	[sflag:s17] =	ssyncadd.s32 $0xFFFFEC00  }
0x76: {  	[tilespmem:s16], [sflag:$0x1] =	stream.indirect.gather [hbm4b:s2+s19], $0x80, s1, s19, $0xb8;
	[tilespmem:$0x1E800] =	vst v63  }
0x77: {  	_ = 	snop  }
0x78: {  	[tilespmem:s20], [sflag:$0x2] =	stream.indirect.gather [hbm4b:s2+s19], $0x80, s19, s19, $0xb8;
	[tilespmem:$0x1E800] =	vst v63  }
0x79: {  	_ =	swait.ge [sflag:s21], $0x4000  }
0x7a: {  	[sflag:s21] =	ssyncset.done $0x0  }
0x7b: {  	s31 =	simm.s32 $0x1400;
	[sflag:s21] =	ssyncadd.s32 $0xFFFFC000  }
0x7c: {  	[spmem:s3] =	stream.indirect.scatter.add.f32 [tilespmem:s16], [sflag:$0x3], $0x80, s31, s19, $0xb8;
	[tilespmem:$0x1E800] =	vst v63  }
0x7d: {  	_ =	swait.ge [sflag:s22], $0x4000  }
0x7e: {  	[sflag:s22] =	ssyncset.done $0x0  }
0x7f: {  	s31 =	simm.s32 $0x100;
	[sflag:s22] =	ssyncadd.s32 $0xFFFFC000  }
0x80: {  	[tilespmem:s16], [sflag:$0x1] =	stream.indirect.gather [hbm4b:s2+s19], $0x80, s31, s19, $0xb8;
	[tilespmem:$0x1E800] =	vst v63  }
0x81: {  	_ =	swait.ge [sflag:s23], $0x4000  }
0x82: {  	[sflag:s23] =	ssyncset.done $0x0  }
0x83: {  	s31 =	simm.s32 $0x1480;
	[sflag:s23] =	ssyncadd.s32 $0xFFFFC000  }
0x84: {  	[spmem:s3] =	stream.indirect.scatter.add.f32 [tilespmem:s20], [sflag:$0x4], $0x80, s31, s19, $0xb8;
	[tilespmem:$0x1E800] =	vst v63  }
0x85: {  	_ =	swait.ge [sflag:s24], $0x4000  }
0x86: {  	[sflag:s24] =	ssyncset.done $0x0  }
0x87: {  	s29 =	simm.s32 $0x400;
	s30 =	simm.s32 $0x180;
	[sflag:s24] =	ssyncadd.s32 $0xFFFFC000  }
.LBB2_6:
0x88: {  	[tilespmem:s20], [sflag:$0x2] =	stream.indirect.gather [hbm4b:s2+s19], $0x80, s30, s19, $0xb8;
	[tilespmem:$0x1E800] =	vst v63  }
0x89: {  	s1 =	smov.u32 s29  }
0x8a: {  	p0 =	sne.s32 s29, $0x4800;
	s29 =	sadd.s32 $0x400, s29;
	_ =	swait.ge [sflag:s21], $0x4000  }
0x8b: {  	s1 =	sshra.s32 s1, $0x2;
	[sflag:s21] =	ssyncset.done $0x0  }
0x8c: {  	s30 =	sadd.s32 $0x1400, s1;
	[sflag:s21] =	ssyncadd.s32 $0xFFFFC000  }
0x8d: {  	[spmem:s3] =	stream.indirect.scatter.add.f32 [tilespmem:s16], [sflag:$0x3], $0x80, s30, s19, $0xb8;
	[tilespmem:$0x1E800] =	vst v63  }
0x8e: {  	_ =	swait.ge [sflag:s22], $0x4000  }
0x8f: {  	[sflag:s22] =	ssyncset.done $0x0  }
0x90: {  	s30 =	sadd.s32 $0x100, s1;
	[sflag:s22] =	ssyncadd.s32 $0xFFFFC000  }
0x91: {  	[tilespmem:s16], [sflag:$0x1] =	stream.indirect.gather [hbm4b:s2+s19], $0x80, s30, s19, $0xb8;
	[tilespmem:$0x1E800] =	vst v63  }
0x92: {  	_ =	swait.ge [sflag:s23], $0x4000  }
0x93: {  	[sflag:s23] =	ssyncset.done $0x0  }
.Ltmp2:
0x94: {  	s30 =	sadd.s32 $0x1480, s1;
	[sflag:s23] =	ssyncadd.s32 $0xFFFFC000;
	(pc) =	sbr.rel @p0 .LBB2_6-.Ltmp2, $4  }
0x95: {  	[spmem:s3] =	stream.indirect.scatter.add.f32 [tilespmem:s20], [sflag:$0x4], $0x80, s30, s19, $0xb8;
	[tilespmem:$0x1E800] =	vst v63  }
0x96: {  	_ =	swait.ge [sflag:s24], $0x4000  }
0x97: {  	[sflag:s24] =	ssyncset.done $0x0  }
0x98: {  	s30 =	sadd.s32 $0x180, s1;
	[sflag:s24] =	ssyncadd.s32 $0xFFFFC000  }
0x99: {  	[tilespmem:s20], [sflag:$0x2] =	stream.indirect.gather [hbm4b:s2+s19], $0x80, s30, s19, $0xb8;
	[tilespmem:$0x1E800] =	vst v63  }
0x9a: {  	_ =	swait.ge [sflag:s21], $0x4000  }
0x9b: {  	[sflag:s21] =	ssyncset.done $0x0  }
0x9c: {  	[sflag:s21] =	ssyncadd.s32 $0xFFFFC000  }
0x9d: {  	[spmem:s3] =	stream.indirect.scatter.add.f32 [tilespmem:s16], [sflag:$0x3], $0x80, s25, s19, $0xb8;
	[tilespmem:$0x1E800] =	vst v63  }
0x9e: {  	_ =	swait.ge [sflag:s22], $0x4000  }
0x9f: {  	[sflag:s22] =	ssyncset.done $0x0  }
0xa0: {  	[sflag:s22] =	ssyncadd.s32 $0xFFFFC000  }
0xa1: {  	_ =	swait.ge [sflag:s23], $0x4000  }
0xa2: {  	[sflag:s23] =	ssyncset.done $0x0  }
0xa3: {  	[sflag:s23] =	ssyncadd.s32 $0xFFFFC000  }
0xa4: {  	[spmem:s3] =	stream.indirect.scatter.add.f32 [tilespmem:s20], [sflag:$0x4], $0x80, s26, s19, $0xb8;
	[tilespmem:$0x1E800] =	vst v63  }
0xa5: {  	_ =	swait.ge [sflag:s24], $0x4000  }
0xa6: {  	s1 =	sshll.u32 s0, $0x6;
	s28 =	sadd.s32 $0x1, s28;
	[sflag:s24] =	ssyncset.done $0x0  }
0xa7: {  	s29 =	sshrl.u32 s5, $0x3;
	p0 =	sne.s32 s28, s15;
	[sflag:s24] =	ssyncadd.s32 $0xFFFFC000  }
.Ltmp3:
0xa8: {  	s1 =	sor.u32 $0x1C05, s1;
	[bflag:$0x0] =	sbarrier.arrive $0xFFFF;
	(pc) =	sbr.rel @p0 .LBB2_1-.Ltmp3, $4  }
0xa9: {  	[hbm:s14], [sflag:s1] =	dma.local [spmem:s29], $0x2800  }
0xaa: {  	_ =	swait.ge [sflag:s17], $0x2800  }
0xab: {  	[sflag:s17] =	ssyncset.done $0x0  }
0xac: {  	[sflag:s17] =	ssyncadd.s32 $0xFFFFD800  }
0xad: {  	_ =	sfence.sel $0x180000  }
0xae: {  	[bflag:$0x0] =	sbarrier.arrive $0xFFFF  }
0xaf: {  	_ =	strace $0x9000004A  }
0xb0: {  	[bflag:$0x2] =	sbarrier.arrive $0xFFFF  }
0xb1: {  	p0 =	sne.s32 s0, $0x0;
	s0 =	rddreg [dreg:$0x3]  }
0xb2: {  	s0 =	sadd.s32 @!p0 $0x100000, s0  }
0xb3: {  	[sflag:s0] =	ssyncadd.tile.s32 @!p0 $0x1;
	_ =	shalt  }
.Lfunc_end2:
_tile_overlayer_lowered:
.L_overlay_start_2:
0xb4: {  	(tag) =	ssettag $0x2  }
0xb5: {  	s0 =	rddreg [dreg:$0x0];
	s2 =	stileid.u32  }
0xb6: {  	s1 =	rddreg [dreg:$0x1];
	p0 =	sne.s32 s2, $0x0  }
0xb7: {  	s3 =	rddreg [dreg:$0x2];
	[bflag:$0x3] =	sbarrier.arrive $0xFFFF;
	s2 =	simm.s32 @!p0 $0x1C05  }
0xb8: {  	[timem:s3], [sflag:s2] =	dma.local @!p0 [hbm:s0], s1  }
0xb9: {  	s0 =	simm.s32 @!p0 $0x5  }
0xba: {  	_ =	swait.ge @!p0 [sflag:s0], s1  }
0xbb: {  	s1 =	ssub.s32 @!p0 $0x0, s1;
	[sflag:s0] =	ssyncset.done @!p0 $0x0  }
0xbc: {  	[sflag:s0] =	ssyncadd.s32 @!p0 s1  }
0xbd: {  	[bflag:$0x3] =	sbarrier.arrive $0xFFFF  }
0xbe: {  	_ =	shalt  }

</sc_bundles>
